<compile_context>
chip_gen: v7x
topology: tpu7x:2x2x1
jax: 0.10.2.dev20260603
libtpu: 0.0.44.dev20260713+nightly
codegen_flags: <defaults>
</compile_context>

<pallas_src>
import functools

import jax
import jax.numpy as jnp
from jax import lax
from jax.experimental import pallas as pl
from jax.experimental.pallas import tpu as pltpu
from jax.experimental.pallas import tpu_sc as plsc

N = 10000
E = 320000
D = 128
C = 32

NC = 2
NS = 16
NW = NC * NS
CH = 128
CPT = 78
MAIN = CPT * CH
EX0 = NW * MAIN
GRP = 6
NGRP = CPT // GRP
NPAD = 10240
RPT = NPAD // NS
RB = 2000


@functools.cache
def _get_sc_kernel():
    mesh = plsc.VectorSubcoreMesh(core_axis_name="c", subcore_axis_name="s")

    @functools.partial(
        pl.kernel,
        mesh=mesh,
        compiler_params=pltpu.CompilerParams(use_tc_tiling_on_sc=False),
        out_type=[
            jax.ShapeDtypeStruct((NC, NPAD, C), jnp.float32),
            jax.ShapeDtypeStruct((NC, NPAD), jnp.float32),
        ],
        scratch_types=[
            pltpu.VMEM((MAIN + CH,), jnp.int32),
            pltpu.VMEM((MAIN + CH,), jnp.int32),
            pltpu.VMEM((CPT + 1, CH), jnp.int32),
            pltpu.VMEM((GRP, CH, C), jnp.float32),
            pltpu.VMEM((GRP, CH, C), jnp.float32),
            pltpu.VMEM((CH,), jnp.float32),
            pltpu.VMEM((RPT, C), jnp.float32),
            pltpu.VMEM((RPT,), jnp.float32),
            pltpu.VMEM_SHARED((NPAD, C), jnp.float32),
            pltpu.VMEM_SHARED((NPAD,), jnp.float32),
            pltpu.SemaphoreType.DMA,
            pltpu.SemaphoreType.DMA,
        ],
    )
    def _sc_edge_aggregate(ei_hbm, q_hbm, out_acc, out_deg,
                           src_v, dst_f, dst_v, rows_a, rows_b, ones_v,
                           zrows, zcol, acc_sh, deg_sh,
                           gsem_a, gsem_b):
        _sc_body(ei_hbm, q_hbm, out_acc, out_deg,
                 src_v, dst_f, dst_v, rows_a, rows_b, ones_v,
                 zrows, zcol, acc_sh, deg_sh,
                 gsem_a, gsem_b)

    return _sc_edge_aggregate


def _sc_body(ei_hbm, q_hbm, out_acc, out_deg,
             src_v, dst_f, dst_v, rows_a, rows_b, ones_v,
             zrows, zcol, acc_sh, deg_sh,
             gsem_a, gsem_b):
    c = lax.axis_index("c")
    s = lax.axis_index("s")
    w = c * NS + s

    zero16 = jnp.zeros((16,), jnp.float32)
    one16 = jnp.ones((16,), jnp.float32)

    pltpu.sync_copy(ei_hbm.at[pl.ds(w * MAIN, MAIN)],
                    src_v.at[pl.ds(0, MAIN)])
    pltpu.sync_copy(ei_hbm.at[pl.ds(E + w * MAIN, MAIN)],
                    dst_f.at[pl.ds(0, MAIN)])

    @pl.when(w < 4)
    def _stage_extra():
        pltpu.sync_copy(ei_hbm.at[pl.ds(EX0 + w * CH, CH)],
                        src_v.at[pl.ds(MAIN, CH)])
        pltpu.sync_copy(ei_hbm.at[pl.ds(E + EX0 + w * CH, CH)],
                        dst_f.at[pl.ds(MAIN, CH)])

    def dfill(j, carry):
        for k in range(CH // 16):
            dst_v[j, pl.ds(k * 16, 16)] = dst_f[pl.ds(j * CH + k * 16, 16)]
        return carry

    lax.fori_loop(0, CPT + 1, dfill, 0)

    def zfill_rows(i, carry):
        zrows[i, pl.ds(0, 16)] = zero16
        zrows[i, pl.ds(16, 16)] = zero16
        return carry

    lax.fori_loop(0, RPT, zfill_rows, 0)

    def zfill_col(i, carry):
        zcol[pl.ds(i * 16, 16)] = zero16
        return carry

    lax.fori_loop(0, RPT // 16, zfill_col, 0)

    for i in range(CH // 16):
        ones_v[pl.ds(i * 16, 16)] = one16

    pltpu.sync_copy(zrows, acc_sh.at[pl.ds(s * RPT, RPT)])
    pltpu.sync_copy(zcol, deg_sh.at[pl.ds(s * RPT, RPT)])
    plsc.subcore_barrier()

    def fire_gather(g, buf, sem):
        return [
            pltpu.async_copy(
                q_hbm.at[src_v.at[pl.ds(g * (GRP * CH) + i * CH, CH)]],
                buf.at[i], sem)
            for i in range(GRP)
        ]

    def scatter(g, buf):
        for i in range(GRP):
            pltpu.sync_copy(buf.at[i], acc_sh.at[dst_v.at[g * GRP + i]],
                            add=True)
            pltpu.sync_copy(ones_v, deg_sh.at[dst_v.at[g * GRP + i]],
                            add=True)

    def grp_pair(m, carry):
        g0 = m * 2
        cps_a = fire_gather(g0, rows_a, gsem_a)
        cps_b = fire_gather(g0 + 1, rows_b, gsem_b)
        for cp in cps_a:
            cp.wait()
        scatter(g0, rows_a)
        for cp in cps_b:
            cp.wait()
        scatter(g0 + 1, rows_b)
        return carry

    lax.fori_loop(0, NGRP // 2, grp_pair, 0)

    last = NGRP - 1
    cps = fire_gather(last, rows_a, gsem_a)
    for cp in cps:
        cp.wait()
    scatter(last, rows_a)

    @pl.when(w < 4)
    def _extra_chunk():
        pltpu.async_copy(q_hbm.at[src_v.at[pl.ds(MAIN, CH)]],
                         rows_a.at[0], gsem_a).wait()
        pltpu.sync_copy(rows_a.at[0], acc_sh.at[dst_v.at[CPT]], add=True)
        pltpu.sync_copy(ones_v, deg_sh.at[dst_v.at[CPT]], add=True)

    plsc.subcore_barrier()

    pltpu.sync_copy(acc_sh.at[pl.ds(s * RPT, RPT)], zrows)
    pltpu.sync_copy(zrows, out_acc.at[c, pl.ds(s * RPT, RPT)])
    pltpu.sync_copy(deg_sh.at[pl.ds(s * RPT, RPT)], zcol)
    pltpu.sync_copy(zcol, out_deg.at[c, pl.ds(s * RPT, RPT)])


def _precompute_tables(x, w_mlp, b_mlp):
    def body(x_ref, w_ref, b_ref, p_ref, q_ref):
        xb = x_ref[...]
        wt16 = w_ref[0:D, :].astype(jnp.bfloat16)
        wb16 = w_ref[D:2 * D, :].astype(jnp.bfloat16).astype(jnp.float32)
        qv = jnp.dot(xb, wb16,
                     preferred_element_type=jnp.float32,
                     precision=jax.lax.Precision.HIGHEST)
        p_ref[...] = (jnp.dot(xb.astype(jnp.bfloat16), wt16,
                              preferred_element_type=jnp.float32)
                      - qv + b_ref[...])
        q_ref[...] = qv
    return pl.pallas_call(
        body,
        grid=(N // RB,),
        in_specs=[
            pl.BlockSpec((RB, D), lambda i: (i, 0)),
            pl.BlockSpec((2 * D, C), lambda i: (0, 0)),
            pl.BlockSpec((1, C), lambda i: (0, 0)),
        ],
        out_specs=[
            pl.BlockSpec((RB, C), lambda i: (i, 0)),
            pl.BlockSpec((RB, C), lambda i: (i, 0)),
        ],
        out_shape=[
            jax.ShapeDtypeStruct((N, C), jnp.float32),
            jax.ShapeDtypeStruct((N, C), jnp.float32),
        ],
    )(x, w_mlp, b_mlp)


def _heads(p, acc, deg, gamma, beta, moving_mean, moving_var, w1, b1, w2, b2):
    def body(p_ref, acc_ref, deg_ref, g_ref, be_ref, mm_ref, v_ref,
             w1_ref, b1_ref, w2_ref, b2_ref, o_ref):
        h = deg_ref[...] * p_ref[...] + acc_ref[0] + acc_ref[1]
        hb = (g_ref[...] * (h - mm_ref[...])
              / jnp.sqrt(v_ref[...] + 1e-3) + be_ref[...])
        u = jnp.maximum(
            jnp.dot(hb.astype(jnp.bfloat16), w1_ref[...].astype(jnp.bfloat16),
                    preferred_element_type=jnp.float32) + b1_ref[...], 0.0)
        z = (jnp.dot(u.astype(jnp.bfloat16), w2_ref[...].astype(jnp.bfloat16),
                     preferred_element_type=jnp.float32) + b2_ref[...])
        o_ref[...] = jax.nn.sigmoid(z)
    return pl.pallas_call(
        body,
        grid=(N // RB,),
        in_specs=[
            pl.BlockSpec((RB, C), lambda i: (i, 0)),
            pl.BlockSpec((NC, RB, C), lambda i: (0, i, 0)),
            pl.BlockSpec((RB, C), lambda i: (i, 0)),
            pl.BlockSpec((1, C), lambda i: (0, 0)),
            pl.BlockSpec((1, C), lambda i: (0, 0)),
            pl.BlockSpec((1, C), lambda i: (0, 0)),
            pl.BlockSpec((1, C), lambda i: (0, 0)),
            pl.BlockSpec((C, 16), lambda i: (0, 0)),
            pl.BlockSpec((1, 16), lambda i: (0, 0)),
            pl.BlockSpec((16, 1), lambda i: (0, 0)),
            pl.BlockSpec((1, 1), lambda i: (0, 0)),
        ],
        out_specs=pl.BlockSpec((RB, 1), lambda i: (i, 0)),
        out_shape=jax.ShapeDtypeStruct((N, 1), jnp.float32),
    )(p, acc, deg, gamma, beta, moving_mean, moving_var, w1, b1, w2, b2)


def kernel(x, edge_index, W_mlp, b_mlp, gamma, beta, moving_mean,
           moving_var, W1, b1, W2, b2):
    g2 = gamma.reshape(1, C)
    be2 = beta.reshape(1, C)
    mm2 = moving_mean.reshape(1, C)
    mv2 = moving_var.reshape(1, C)

    p, q = _precompute_tables(x, W_mlp, b_mlp.reshape(1, C))

    acc, deg = _get_sc_kernel()(edge_index.reshape(2 * E), q)

    degb = jnp.broadcast_to((deg[0] + deg[1])[:, None], (NPAD, C))
    return _heads(p, acc, degb, g2, be2, mm2, mv2,
                  W1, b1.reshape(1, 16), W2, b2.reshape(1, 1))

# --- scband reference (transcript-rebuilt; emitter-appended) ---
"""Pipeline reference for scband-edge-conv-model-11407433138819 (READ-ONLY COPY).

The authoritative reference and input builder live on the scoring server;
editing this copy changes nothing except your own understanding.
"""

import jax, jax.numpy as jnp
import numpy as np

N = 10000
E = 320000
D = 128
C = 32

def setup_inputs(seed: int = 0):
    key = jax.random.key(seed)
    ks = jax.random.split(key, 8)
    x = jax.random.normal(ks[0], (N, D), dtype=jnp.float32)
    edge_index = jax.random.randint(ks[1], (2, E), 0, N).astype(jnp.int32)
    # EdgeConv (Spektral, mlp_hidden=None): single Dense(channels) applied to concat([x_i, x_j - x_i])
    W_mlp = jax.random.normal(ks[2], (2 * D, C), dtype=jnp.float32) / np.sqrt(2 * D)
    b_mlp = jnp.zeros((C,), dtype=jnp.float32)
    # BatchNormalization (inference mode), keras default eps=1e-3
    gamma = jnp.ones((C,), dtype=jnp.float32)
    beta = jnp.zeros((C,), dtype=jnp.float32)
    moving_mean = jnp.zeros((C,), dtype=jnp.float32)
    moving_var = jnp.ones((C,), dtype=jnp.float32)
    # Dense(16, relu) and Dense(1, sigmoid)
    W1 = jax.random.normal(ks[3], (C, 16), dtype=jnp.float32) / np.sqrt(C)
    b1 = jnp.zeros((16,), dtype=jnp.float32)
    W2 = jax.random.normal(ks[4], (16, 1), dtype=jnp.float32) / np.sqrt(16)
    b2 = jnp.zeros((1,), dtype=jnp.float32)
    return {"x": x, "edge_index": edge_index, "W_mlp": W_mlp, "b_mlp": b_mlp,
            "gamma": gamma, "beta": beta, "moving_mean": moving_mean, "moving_var": moving_var,
            "W1": W1, "b1": b1, "W2": W2, "b2": b2}

def reference(x, edge_index, W_mlp, b_mlp, gamma, beta, moving_mean, moving_var, W1, b1, W2, b2):
    src = edge_index[0]
    dst = edge_index[1]
    # EdgeConv message: MLP(x_i || x_j - x_i), aggregate = sum over incoming edges
    x_i = jnp.take(x, dst, axis=0)
    x_j = jnp.take(x, src, axis=0)
    msg = jnp.concatenate([x_i, x_j - x_i], axis=-1) @ W_mlp + b_mlp
    h = jax.ops.segment_sum(msg, dst, num_segments=x.shape[0])
    # BatchNorm (inference)
    h = gamma * (h - moving_mean) / jnp.sqrt(moving_var + 1e-3) + beta
    # output heads
    h = jax.nn.relu(h @ W1 + b1)
    out = jax.nn.sigmoid(h @ W2 + b2)
    return out

if __name__ == "__main__":
    import jax
    _d = setup_inputs()
    print(jax.jit(kernel)(*tuple(_d.values())))

</pallas_src>

<mosaic_0001>
#map = affine_map<(d0, d1) -> (0)>
#map1 = affine_map<(d0, d1) -> (0, 0)>
#map2 = affine_map<(d0, d1) -> (0, 0, 0)>
module attributes {stable_mosaic.version = 14 : i64} {
  func.func @_sc_edge_aggregate(%arg0: i32, %arg1: i32, %arg2: memref<640000xi32, #tpu.memory_space<hbm>>, %arg3: memref<10000x32xf32, #tpu.memory_space<hbm>>, %arg4: memref<2x10240x32xf32, #tpu.memory_space<hbm>>, %arg5: memref<2x10240xf32, #tpu.memory_space<hbm>>, %arg6: memref<10112xi32, #tpu.memory_space<vmem>>, %arg7: memref<10112xi32, #tpu.memory_space<vmem>>, %arg8: memref<79x128xi32, #tpu.memory_space<vmem>>, %arg9: memref<6x128x32xf32, #tpu.memory_space<vmem>>, %arg10: memref<6x128x32xf32, #tpu.memory_space<vmem>>, %arg11: memref<128xf32, #tpu.memory_space<vmem>>, %arg12: memref<640x32xf32, #tpu.memory_space<vmem>>, %arg13: memref<640xf32, #tpu.memory_space<vmem>>, %arg14: memref<10240x32xf32, #tpu.memory_space<vmem_shared>>, %arg15: memref<10240xf32, #tpu.memory_space<vmem_shared>>, %arg16: memref<!tpu.dma_semaphore, #tpu.memory_space<semaphore_mem>>, %arg17: memref<!tpu.dma_semaphore, #tpu.memory_space<semaphore_mem>>) attributes {dimension_semantics = [#tpu.dimension_semantics<core_parallel>, #tpu.dimension_semantics<subcore_parallel>], iteration_bounds = array<i64: 2, 16>, scalar_prefetch = 0 : i64, scratch_operands = 12 : i64, tpu.core_type = #tpu.core_type<sc_vector_subcore>, window_params = [{transform_indices = #map}, {transform_indices = #map1}, {transform_indices = #map2}, {transform_indices = #map1}]} {
    %mul3A = arith.constant 16 : i32
    %mul3A_0 = arith.muli %arg0, %mul3A : i32
    %add3A = arith.addi %mul3A_0, %arg1 : i32
    %broadcast_in_dim3A = arith.constant 0.000000e+00 : f32
    %broadcast_in_dim3A_1 = vector.broadcast %broadcast_in_dim3A : f32 to vector<16xf32>
    %broadcast_in_dim3A_2 = arith.constant 1.000000e+00 : f32
    %broadcast_in_dim3A_3 = vector.broadcast %broadcast_in_dim3A_2 : f32 to vector<16xf32>
    %mul3A_4 = arith.constant 9984 : i32
    %mul3A_5 = arith.muli %add3A, %mul3A_4 : i32
    "tpu.region"() ({
      %run_scoped3A_219 = tpu.sem_alloc : memref<!tpu.dma_semaphore, #tpu.memory_space<semaphore_mem>>
      %dma_start3A_220 = arith.constant 0 : i32
      %dma_start3A_221 = tpu.memref_slice %arg6[%dma_start3A_220] : memref<10112xi32, #tpu.memory_space<vmem>> -> memref<9984xi32, #tpu.memory_space<vmem>>
      %dma_start3A_222 = tpu.memref_slice %arg2[%mul3A_5] : memref<640000xi32, #tpu.memory_space<hbm>> -> memref<9984xi32, #tpu.memory_space<hbm>>
      %dma_start3A_223 = arith.constant 0 : i32
      %dma_start3A_224 = tpu.memref_slice %arg6[%dma_start3A_223] : memref<10112xi32, #tpu.memory_space<vmem>> -> memref<9984xi32, #tpu.memory_space<vmem>>
      %dma_start3A_225 = tpu.memref_slice %arg2[%mul3A_5] : memref<640000xi32, #tpu.memory_space<hbm>> -> memref<9984xi32, #tpu.memory_space<hbm>>
      tpu.enqueue_dma source(%dma_start3A_225 : memref<9984xi32, #tpu.memory_space<hbm>>) target(%dma_start3A_224 : memref<9984xi32, #tpu.memory_space<vmem>>) target_semaphore(%run_scoped3A_219 : memref<!tpu.dma_semaphore, #tpu.memory_space<semaphore_mem>>)
      %dma_wait3A_226 = arith.constant 0 : i32
      %dma_wait3A_227 = tpu.memref_slice %arg6[%dma_wait3A_226] : memref<10112xi32, #tpu.memory_space<vmem>> -> memref<9984xi32, #tpu.memory_space<vmem>>
      %dma_wait3A_228 = tpu.memref_slice %arg2[%mul3A_5] : memref<640000xi32, #tpu.memory_space<hbm>> -> memref<9984xi32, #tpu.memory_space<hbm>>
      %dma_wait3A_229 = arith.constant 0 : i32
      %dma_wait3A_230 = tpu.memref_slice %arg6[%dma_wait3A_229] : memref<10112xi32, #tpu.memory_space<vmem>> -> memref<9984xi32, #tpu.memory_space<vmem>>
      %dma_wait3A_231 = tpu.memref_slice %arg2[%mul3A_5] : memref<640000xi32, #tpu.memory_space<hbm>> -> memref<9984xi32, #tpu.memory_space<hbm>>
      tpu.wait_dma2 semaphore(%run_scoped3A_219 : memref<!tpu.dma_semaphore, #tpu.memory_space<semaphore_mem>>) src(%dma_wait3A_231 : memref<9984xi32, #tpu.memory_space<hbm>>) dst(%dma_wait3A_230 : memref<9984xi32, #tpu.memory_space<vmem>>)
      tpu.yield
    }) : () -> ()
    %mul3A_6 = arith.constant 9984 : i32
    %mul3A_7 = arith.muli %add3A, %mul3A_6 : i32
    %add3A_8 = arith.constant 320000 : i32
    %add3A_9 = arith.addi %add3A_8, %mul3A_7 : i32
    "tpu.region"() ({
      %run_scoped3A_219 = tpu.sem_alloc : memref<!tpu.dma_semaphore, #tpu.memory_space<semaphore_mem>>
      %dma_start3A_220 = arith.constant 0 : i32
      %dma_start3A_221 = tpu.memref_slice %arg7[%dma_start3A_220] : memref<10112xi32, #tpu.memory_space<vmem>> -> memref<9984xi32, #tpu.memory_space<vmem>>
      %dma_start3A_222 = tpu.memref_slice %arg2[%add3A_9] : memref<640000xi32, #tpu.memory_space<hbm>> -> memref<9984xi32, #tpu.memory_space<hbm>>
      %dma_start3A_223 = arith.constant 0 : i32
      %dma_start3A_224 = tpu.memref_slice %arg7[%dma_start3A_223] : memref<10112xi32, #tpu.memory_space<vmem>> -> memref<9984xi32, #tpu.memory_space<vmem>>
      %dma_start3A_225 = tpu.memref_slice %arg2[%add3A_9] : memref<640000xi32, #tpu.memory_space<hbm>> -> memref<9984xi32, #tpu.memory_space<hbm>>
      tpu.enqueue_dma source(%dma_start3A_225 : memref<9984xi32, #tpu.memory_space<hbm>>) target(%dma_start3A_224 : memref<9984xi32, #tpu.memory_space<vmem>>) target_semaphore(%run_scoped3A_219 : memref<!tpu.dma_semaphore, #tpu.memory_space<semaphore_mem>>)
      %dma_wait3A_226 = arith.constant 0 : i32
      %dma_wait3A_227 = tpu.memref_slice %arg7[%dma_wait3A_226] : memref<10112xi32, #tpu.memory_space<vmem>> -> memref<9984xi32, #tpu.memory_space<vmem>>
      %dma_wait3A_228 = tpu.memref_slice %arg2[%add3A_9] : memref<640000xi32, #tpu.memory_space<hbm>> -> memref<9984xi32, #tpu.memory_space<hbm>>
      %dma_wait3A_229 = arith.constant 0 : i32
      %dma_wait3A_230 = tpu.memref_slice %arg7[%dma_wait3A_229] : memref<10112xi32, #tpu.memory_space<vmem>> -> memref<9984xi32, #tpu.memory_space<vmem>>
      %dma_wait3A_231 = tpu.memref_slice %arg2[%add3A_9] : memref<640000xi32, #tpu.memory_space<hbm>> -> memref<9984xi32, #tpu.memory_space<hbm>>
      tpu.wait_dma2 semaphore(%run_scoped3A_219 : memref<!tpu.dma_semaphore, #tpu.memory_space<semaphore_mem>>) src(%dma_wait3A_231 : memref<9984xi32, #tpu.memory_space<hbm>>) dst(%dma_wait3A_230 : memref<9984xi32, #tpu.memory_space<vmem>>)
      tpu.yield
    }) : () -> ()
    %lt3A = arith.constant 4 : i32
    %lt3A_10 = arith.cmpi slt, %add3A, %lt3A : i32
    %convert_element_type3A = arith.extui %lt3A_10 : i1 to i32
    %cond3A = arith.constant 0 : i32
    %cond3A_11 = arith.cmpi ne, %convert_element_type3A, %cond3A : i32
    scf.if %cond3A_11 {
      %mul3A_219 = arith.constant 128 : i32
      %mul3A_220 = arith.muli %add3A, %mul3A_219 : i32
      %add3A_221 = arith.constant 319488 : i32
      %add3A_222 = arith.addi %add3A_221, %mul3A_220 : i32
      "tpu.region"() ({
        %run_scoped3A_227 = tpu.sem_alloc : memref<!tpu.dma_semaphore, #tpu.memory_space<semaphore_mem>>
        %dma_start3A_228 = arith.constant 9984 : i32
        %dma_start3A_229 = tpu.memref_slice %arg6[%dma_start3A_228] : memref<10112xi32, #tpu.memory_space<vmem>> -> memref<128xi32, #tpu.memory_space<vmem>>
        %dma_start3A_230 = tpu.memref_slice %arg2[%add3A_222] : memref<640000xi32, #tpu.memory_space<hbm>> -> memref<128xi32, #tpu.memory_space<hbm>>
        %dma_start3A_231 = arith.constant 9984 : i32
        %dma_start3A_232 = tpu.memref_slice %arg6[%dma_start3A_231] : memref<10112xi32, #tpu.memory_space<vmem>> -> memref<128xi32, #tpu.memory_space<vmem>>
        %dma_start3A_233 = tpu.memref_slice %arg2[%add3A_222] : memref<640000xi32, #tpu.memory_space<hbm>> -> memref<128xi32, #tpu.memory_space<hbm>>
        tpu.enqueue_dma source(%dma_start3A_233 : memref<128xi32, #tpu.memory_space<hbm>>) target(%dma_start3A_232 : memref<128xi32, #tpu.memory_space<vmem>>) target_semaphore(%run_scoped3A_227 : memref<!tpu.dma_semaphore, #tpu.memory_space<semaphore_mem>>)
        %dma_wait3A_234 = arith.constant 9984 : i32
        %dma_wait3A_235 = tpu.memref_slice %arg6[%dma_wait3A_234] : memref<10112xi32, #tpu.memory_space<vmem>> -> memref<128xi32, #tpu.memory_space<vmem>>
        %dma_wait3A_236 = tpu.memref_slice %arg2[%add3A_222] : memref<640000xi32, #tpu.memory_space<hbm>> -> memref<128xi32, #tpu.memory_space<hbm>>
        %dma_wait3A_237 = arith.constant 9984 : i32
        %dma_wait3A_238 = tpu.memref_slice %arg6[%dma_wait3A_237] : memref<10112xi32, #tpu.memory_space<vmem>> -> memref<128xi32, #tpu.memory_space<vmem>>
        %dma_wait3A_239 = tpu.memref_slice %arg2[%add3A_222] : memref<640000xi32, #tpu.memory_space<hbm>> -> memref<128xi32, #tpu.memory_space<hbm>>
        tpu.wait_dma2 semaphore(%run_scoped3A_227 : memref<!tpu.dma_semaphore, #tpu.memory_space<semaphore_mem>>) src(%dma_wait3A_239 : memref<128xi32, #tpu.memory_space<hbm>>) dst(%dma_wait3A_238 : memref<128xi32, #tpu.memory_space<vmem>>)
        tpu.yield
      }) : () -> ()
      %mul3A_223 = arith.constant 128 : i32
      %mul3A_224 = arith.muli %add3A, %mul3A_223 : i32
      %add3A_225 = arith.constant 639488 : i32
      %add3A_226 = arith.addi %add3A_225, %mul3A_224 : i32
      "tpu.region"() ({
        %run_scoped3A_227 = tpu.sem_alloc : memref<!tpu.dma_semaphore, #tpu.memory_space<semaphore_mem>>
        %dma_start3A_228 = arith.constant 9984 : i32
        %dma_start3A_229 = tpu.memref_slice %arg7[%dma_start3A_228] : memref<10112xi32, #tpu.memory_space<vmem>> -> memref<128xi32, #tpu.memory_space<vmem>>
        %dma_start3A_230 = tpu.memref_slice %arg2[%add3A_226] : memref<640000xi32, #tpu.memory_space<hbm>> -> memref<128xi32, #tpu.memory_space<hbm>>
        %dma_start3A_231 = arith.constant 9984 : i32
        %dma_start3A_232 = tpu.memref_slice %arg7[%dma_start3A_231] : memref<10112xi32, #tpu.memory_space<vmem>> -> memref<128xi32, #tpu.memory_space<vmem>>
        %dma_start3A_233 = tpu.memref_slice %arg2[%add3A_226] : memref<640000xi32, #tpu.memory_space<hbm>> -> memref<128xi32, #tpu.memory_space<hbm>>
        tpu.enqueue_dma source(%dma_start3A_233 : memref<128xi32, #tpu.memory_space<hbm>>) target(%dma_start3A_232 : memref<128xi32, #tpu.memory_space<vmem>>) target_semaphore(%run_scoped3A_227 : memref<!tpu.dma_semaphore, #tpu.memory_space<semaphore_mem>>)
        %dma_wait3A_234 = arith.constant 9984 : i32
        %dma_wait3A_235 = tpu.memref_slice %arg7[%dma_wait3A_234] : memref<10112xi32, #tpu.memory_space<vmem>> -> memref<128xi32, #tpu.memory_space<vmem>>
        %dma_wait3A_236 = tpu.memref_slice %arg2[%add3A_226] : memref<640000xi32, #tpu.memory_space<hbm>> -> memref<128xi32, #tpu.memory_space<hbm>>
        %dma_wait3A_237 = arith.constant 9984 : i32
        %dma_wait3A_238 = tpu.memref_slice %arg7[%dma_wait3A_237] : memref<10112xi32, #tpu.memory_space<vmem>> -> memref<128xi32, #tpu.memory_space<vmem>>
        %dma_wait3A_239 = tpu.memref_slice %arg2[%add3A_226] : memref<640000xi32, #tpu.memory_space<hbm>> -> memref<128xi32, #tpu.memory_space<hbm>>
        tpu.wait_dma2 semaphore(%run_scoped3A_227 : memref<!tpu.dma_semaphore, #tpu.memory_space<semaphore_mem>>) src(%dma_wait3A_239 : memref<128xi32, #tpu.memory_space<hbm>>) dst(%dma_wait3A_238 : memref<128xi32, #tpu.memory_space<vmem>>)
        tpu.yield
      }) : () -> ()
    } else {
    }
    %scan3A = arith.constant 0 : i32
    %scan3A_12 = arith.constant 0 : i32
    %scan3A_13 = arith.constant 79 : i32
    %scan3A_14 = arith.addi %scan3A_12, %scan3A_13 : i32
    %scan3A_15 = arith.constant 1 : i32
    scf.for %scan3A_219 = %scan3A_12 to %scan3A_14 step %scan3A_15  : i32 {
      %mul3A_220 = arith.constant 128 : i32
      %mul3A_221 = arith.muli %scan3A_219, %mul3A_220 : i32
      %add3A_222 = arith.constant 0 : i32
      %add3A_223 = arith.addi %mul3A_221, %add3A_222 : i32
      %get3A = arith.index_cast %add3A_223 : i32 to index
      %get3A_224 = tpu.vector_load %arg7[%get3A] {strides = array<i32>} : memref<10112xi32, #tpu.memory_space<vmem>>, vector<16xi32>,
      %get3A_225 = vector.shape_cast %get3A_224 : vector<16xi32> to vector<16xi32>
      %swap3A_226 = arith.index_cast %scan3A_219 : i32 to index
      %swap3A_227 = arith.constant 0 : index
      %swap3A_228 = tpu.vector_load %arg8[%swap3A_226, %swap3A_227] {strides = array<i32>} : memref<79x128xi32, #tpu.memory_space<vmem>>, vector<1x16xi32>,
      %swap3A_229 = vector.shape_cast %swap3A_228 : vector<1x16xi32> to vector<16xi32>
      %swap3A_230 = vector.shape_cast %get3A_225 : vector<16xi32> to vector<1x16xi32>
      tpu.vector_store %arg8[%swap3A_226, %swap3A_227], %swap3A_230 {strides = array<i32>} : memref<79x128xi32, #tpu.memory_space<vmem>>, vector<1x16xi32>,
      %mul3A_231 = arith.constant 128 : i32
      %mul3A_232 = arith.muli %scan3A_219, %mul3A_231 : i32
      %add3A_233 = arith.constant 16 : i32
      %add3A_234 = arith.addi %mul3A_232, %add3A_233 : i32
      %get3A_235 = arith.index_cast %add3A_234 : i32 to index
      %get3A_236 = tpu.vector_load %arg7[%get3A_235] {strides = array<i32>} : memref<10112xi32, #tpu.memory_space<vmem>>, vector<16xi32>,
      %get3A_237 = vector.shape_cast %get3A_236 : vector<16xi32> to vector<16xi32>
      %swap3A_238 = arith.index_cast %scan3A_219 : i32 to index
      %swap3A_239 = arith.constant 16 : index
      %swap3A_240 = tpu.vector_load %arg8[%swap3A_238, %swap3A_239] {strides = array<i32>} : memref<79x128xi32, #tpu.memory_space<vmem>>, vector<1x16xi32>,
      %swap3A_241 = vector.shape_cast %swap3A_240 : vector<1x16xi32> to vector<16xi32>
      %swap3A_242 = vector.shape_cast %get3A_237 : vector<16xi32> to vector<1x16xi32>
      tpu.vector_store %arg8[%swap3A_238, %swap3A_239], %swap3A_242 {strides = array<i32>} : memref<79x128xi32, #tpu.memory_space<vmem>>, vector<1x16xi32>,
      %mul3A_243 = arith.constant 128 : i32
      %mul3A_244 = arith.muli %scan3A_219, %mul3A_243 : i32
      %add3A_245 = arith.constant 32 : i32
      %add3A_246 = arith.addi %mul3A_244, %add3A_245 : i32
      %get3A_247 = arith.index_cast %add3A_246 : i32 to index
      %get3A_248 = tpu.vector_load %arg7[%get3A_247] {strides = array<i32>} : memref<10112xi32, #tpu.memory_space<vmem>>, vector<16xi32>,
      %get3A_249 = vector.shape_cast %get3A_248 : vector<16xi32> to vector<16xi32>
      %swap3A_250 = arith.index_cast %scan3A_219 : i32 to index
      %swap3A_251 = arith.constant 32 : index
      %swap3A_252 = tpu.vector_load %arg8[%swap3A_250, %swap3A_251] {strides = array<i32>} : memref<79x128xi32, #tpu.memory_space<vmem>>, vector<1x16xi32>,
      %swap3A_253 = vector.shape_cast %swap3A_252 : vector<1x16xi32> to vector<16xi32>
      %swap3A_254 = vector.shape_cast %get3A_249 : vector<16xi32> to vector<1x16xi32>
      tpu.vector_store %arg8[%swap3A_250, %swap3A_251], %swap3A_254 {strides = array<i32>} : memref<79x128xi32, #tpu.memory_space<vmem>>, vector<1x16xi32>,
      %mul3A_255 = arith.constant 128 : i32
      %mul3A_256 = arith.muli %scan3A_219, %mul3A_255 : i32
      %add3A_257 = arith.constant 48 : i32
      %add3A_258 = arith.addi %mul3A_256, %add3A_257 : i32
      %get3A_259 = arith.index_cast %add3A_258 : i32 to index
      %get3A_260 = tpu.vector_load %arg7[%get3A_259] {strides = array<i32>} : memref<10112xi32, #tpu.memory_space<vmem>>, vector<16xi32>,
      %get3A_261 = vector.shape_cast %get3A_260 : vector<16xi32> to vector<16xi32>
      %swap3A_262 = arith.index_cast %scan3A_219 : i32 to index
      %swap3A_263 = arith.constant 48 : index
      %swap3A_264 = tpu.vector_load %arg8[%swap3A_262, %swap3A_263] {strides = array<i32>} : memref<79x128xi32, #tpu.memory_space<vmem>>, vector<1x16xi32>,
      %swap3A_265 = vector.shape_cast %swap3A_264 : vector<1x16xi32> to vector<16xi32>
      %swap3A_266 = vector.shape_cast %get3A_261 : vector<16xi32> to vector<1x16xi32>
      tpu.vector_store %arg8[%swap3A_262, %swap3A_263], %swap3A_266 {strides = array<i32>} : memref<79x128xi32, #tpu.memory_space<vmem>>, vector<1x16xi32>,
      %mul3A_267 = arith.constant 128 : i32
      %mul3A_268 = arith.muli %scan3A_219, %mul3A_267 : i32
      %add3A_269 = arith.constant 64 : i32
      %add3A_270 = arith.addi %mul3A_268, %add3A_269 : i32
      %get3A_271 = arith.index_cast %add3A_270 : i32 to index
      %get3A_272 = tpu.vector_load %arg7[%get3A_271] {strides = array<i32>} : memref<10112xi32, #tpu.memory_space<vmem>>, vector<16xi32>,
      %get3A_273 = vector.shape_cast %get3A_272 : vector<16xi32> to vector<16xi32>
      %swap3A_274 = arith.index_cast %scan3A_219 : i32 to index
      %swap3A_275 = arith.constant 64 : index
      %swap3A_276 = tpu.vector_load %arg8[%swap3A_274, %swap3A_275] {strides = array<i32>} : memref<79x128xi32, #tpu.memory_space<vmem>>, vector<1x16xi32>,
      %swap3A_277 = vector.shape_cast %swap3A_276 : vector<1x16xi32> to vector<16xi32>
      %swap3A_278 = vector.shape_cast %get3A_273 : vector<16xi32> to vector<1x16xi32>
      tpu.vector_store %arg8[%swap3A_274, %swap3A_275], %swap3A_278 {strides = array<i32>} : memref<79x128xi32, #tpu.memory_space<vmem>>, vector<1x16xi32>,
      %mul3A_279 = arith.constant 128 : i32
      %mul3A_280 = arith.muli %scan3A_219, %mul3A_279 : i32
      %add3A_281 = arith.constant 80 : i32
      %add3A_282 = arith.addi %mul3A_280, %add3A_281 : i32
      %get3A_283 = arith.index_cast %add3A_282 : i32 to index
      %get3A_284 = tpu.vector_load %arg7[%get3A_283] {strides = array<i32>} : memref<10112xi32, #tpu.memory_space<vmem>>, vector<16xi32>,
      %get3A_285 = vector.shape_cast %get3A_284 : vector<16xi32> to vector<16xi32>
      %swap3A_286 = arith.index_cast %scan3A_219 : i32 to index
      %swap3A_287 = arith.constant 80 : index
      %swap3A_288 = tpu.vector_load %arg8[%swap3A_286, %swap3A_287] {strides = array<i32>} : memref<79x128xi32, #tpu.memory_space<vmem>>, vector<1x16xi32>,
      %swap3A_289 = vector.shape_cast %swap3A_288 : vector<1x16xi32> to vector<16xi32>
      %swap3A_290 = vector.shape_cast %get3A_285 : vector<16xi32> to vector<1x16xi32>
      tpu.vector_store %arg8[%swap3A_286, %swap3A_287], %swap3A_290 {strides = array<i32>} : memref<79x128xi32, #tpu.memory_space<vmem>>, vector<1x16xi32>,
      %mul3A_291 = arith.constant 128 : i32
      %mul3A_292 = arith.muli %scan3A_219, %mul3A_291 : i32
      %add3A_293 = arith.constant 96 : i32
      %add3A_294 = arith.addi %mul3A_292, %add3A_293 : i32
      %get3A_295 = arith.index_cast %add3A_294 : i32 to index
      %get3A_296 = tpu.vector_load %arg7[%get3A_295] {strides = array<i32>} : memref<10112xi32, #tpu.memory_space<vmem>>, vector<16xi32>,
      %get3A_297 = vector.shape_cast %get3A_296 : vector<16xi32> to vector<16xi32>
      %swap3A_298 = arith.index_cast %scan3A_219 : i32 to index
      %swap3A_299 = arith.constant 96 : index
      %swap3A_300 = tpu.vector_load %arg8[%swap3A_298, %swap3A_299] {strides = array<i32>} : memref<79x128xi32, #tpu.memory_space<vmem>>, vector<1x16xi32>,
      %swap3A_301 = vector.shape_cast %swap3A_300 : vector<1x16xi32> to vector<16xi32>
      %swap3A_302 = vector.shape_cast %get3A_297 : vector<16xi32> to vector<1x16xi32>
      tpu.vector_store %arg8[%swap3A_298, %swap3A_299], %swap3A_302 {strides = array<i32>} : memref<79x128xi32, #tpu.memory_space<vmem>>, vector<1x16xi32>,
      %mul3A_303 = arith.constant 128 : i32
      %mul3A_304 = arith.muli %scan3A_219, %mul3A_303 : i32
      %add3A_305 = arith.constant 112 : i32
      %add3A_306 = arith.addi %mul3A_304, %add3A_305 : i32
      %get3A_307 = arith.index_cast %add3A_306 : i32 to index
      %get3A_308 = tpu.vector_load %arg7[%get3A_307] {strides = array<i32>} : memref<10112xi32, #tpu.memory_space<vmem>>, vector<16xi32>,
      %get3A_309 = vector.shape_cast %get3A_308 : vector<16xi32> to vector<16xi32>
      %swap3A_310 = arith.index_cast %scan3A_219 : i32 to index
      %swap3A_311 = arith.constant 112 : index
      %swap3A_312 = tpu.vector_load %arg8[%swap3A_310, %swap3A_311] {strides = array<i32>} : memref<79x128xi32, #tpu.memory_space<vmem>>, vector<1x16xi32>,
      %swap3A_313 = vector.shape_cast %swap3A_312 : vector<1x16xi32> to vector<16xi32>
      %swap3A_314 = vector.shape_cast %get3A_309 : vector<16xi32> to vector<1x16xi32>
      tpu.vector_store %arg8[%swap3A_310, %swap3A_311], %swap3A_314 {strides = array<i32>} : memref<79x128xi32, #tpu.memory_space<vmem>>, vector<1x16xi32>,
    }
    %scan3A_16 = arith.constant 79 : i32
    %scan3A_17 = arith.constant 0 : i32
    %scan3A_18 = arith.constant 0 : i32
    %scan3A_19 = arith.constant 640 : i32
    %scan3A_20 = arith.addi %scan3A_18, %scan3A_19 : i32
    %scan3A_21 = arith.constant 1 : i32
    scf.for %scan3A_219 = %scan3A_18 to %scan3A_20 step %scan3A_21  : i32 {
      %swap3A_220 = arith.index_cast %scan3A_219 : i32 to index
      %swap3A_221 = arith.constant 0 : index
      %swap3A_222 = tpu.vector_load %arg12[%swap3A_220, %swap3A_221] {strides = array<i32>} : memref<640x32xf32, #tpu.memory_space<vmem>>, vector<1x16xf32>,
      %swap3A_223 = vector.shape_cast %swap3A_222 : vector<1x16xf32> to vector<16xf32>
      %swap3A_224 = vector.shape_cast %broadcast_in_dim3A_1 : vector<16xf32> to vector<1x16xf32>
      tpu.vector_store %arg12[%swap3A_220, %swap3A_221], %swap3A_224 {strides = array<i32>} : memref<640x32xf32, #tpu.memory_space<vmem>>, vector<1x16xf32>,
      %swap3A_225 = arith.index_cast %scan3A_219 : i32 to index
      %swap3A_226 = arith.constant 16 : index
      %swap3A_227 = tpu.vector_load %arg12[%swap3A_225, %swap3A_226] {strides = array<i32>} : memref<640x32xf32, #tpu.memory_space<vmem>>, vector<1x16xf32>,
      %swap3A_228 = vector.shape_cast %swap3A_227 : vector<1x16xf32> to vector<16xf32>
      %swap3A_229 = vector.shape_cast %broadcast_in_dim3A_1 : vector<16xf32> to vector<1x16xf32>
      tpu.vector_store %arg12[%swap3A_225, %swap3A_226], %swap3A_229 {strides = array<i32>} : memref<640x32xf32, #tpu.memory_space<vmem>>, vector<1x16xf32>,
    }
    %scan3A_22 = arith.constant 640 : i32
    %scan3A_23 = arith.constant 0 : i32
    %scan3A_24 = arith.constant 0 : i32
    %scan3A_25 = arith.constant 40 : i32
    %scan3A_26 = arith.addi %scan3A_24, %scan3A_25 : i32
    %scan3A_27 = arith.constant 1 : i32
    scf.for %scan3A_219 = %scan3A_24 to %scan3A_26 step %scan3A_27  : i32 {
      %mul3A_220 = arith.constant 16 : i32
      %mul3A_221 = arith.muli %scan3A_219, %mul3A_220 : i32
      %swap3A_222 = arith.index_cast %mul3A_221 : i32 to index
      %swap3A_223 = tpu.vector_load %arg13[%swap3A_222] {strides = array<i32>} : memref<640xf32, #tpu.memory_space<vmem>>, vector<16xf32>,
      %swap3A_224 = vector.shape_cast %swap3A_223 : vector<16xf32> to vector<16xf32>
      %swap3A_225 = vector.shape_cast %broadcast_in_dim3A_1 : vector<16xf32> to vector<16xf32>
      tpu.vector_store %arg13[%swap3A_222], %swap3A_225 {strides = array<i32>} : memref<640xf32, #tpu.memory_space<vmem>>, vector<16xf32>,
    }
    %scan3A_28 = arith.constant 40 : i32
    %swap3A = arith.constant 0 : index
    %swap3A_29 = tpu.vector_load %arg11[%swap3A] {strides = array<i32>} : memref<128xf32, #tpu.memory_space<vmem>>, vector<16xf32>,
    %swap3A_30 = vector.shape_cast %swap3A_29 : vector<16xf32> to vector<16xf32>
    %swap3A_31 = vector.shape_cast %broadcast_in_dim3A_3 : vector<16xf32> to vector<16xf32>
    tpu.vector_store %arg11[%swap3A], %swap3A_31 {strides = array<i32>} : memref<128xf32, #tpu.memory_space<vmem>>, vector<16xf32>,
    %swap3A_32 = arith.constant 16 : index
    %swap3A_33 = tpu.vector_load %arg11[%swap3A_32] {strides = array<i32>} : memref<128xf32, #tpu.memory_space<vmem>>, vector<16xf32>,
    %swap3A_34 = vector.shape_cast %swap3A_33 : vector<16xf32> to vector<16xf32>
    %swap3A_35 = vector.shape_cast %broadcast_in_dim3A_3 : vector<16xf32> to vector<16xf32>
    tpu.vector_store %arg11[%swap3A_32], %swap3A_35 {strides = array<i32>} : memref<128xf32, #tpu.memory_space<vmem>>, vector<16xf32>,
    %swap3A_36 = arith.constant 32 : index
    %swap3A_37 = tpu.vector_load %arg11[%swap3A_36] {strides = array<i32>} : memref<128xf32, #tpu.memory_space<vmem>>, vector<16xf32>,
    %swap3A_38 = vector.shape_cast %swap3A_37 : vector<16xf32> to vector<16xf32>
    %swap3A_39 = vector.shape_cast %broadcast_in_dim3A_3 : vector<16xf32> to vector<16xf32>
    tpu.vector_store %arg11[%swap3A_36], %swap3A_39 {strides = array<i32>} : memref<128xf32, #tpu.memory_space<vmem>>, vector<16xf32>,
    %swap3A_40 = arith.constant 48 : index
    %swap3A_41 = tpu.vector_load %arg11[%swap3A_40] {strides = array<i32>} : memref<128xf32, #tpu.memory_space<vmem>>, vector<16xf32>,
    %swap3A_42 = vector.shape_cast %swap3A_41 : vector<16xf32> to vector<16xf32>
    %swap3A_43 = vector.shape_cast %broadcast_in_dim3A_3 : vector<16xf32> to vector<16xf32>
    tpu.vector_store %arg11[%swap3A_40], %swap3A_43 {strides = array<i32>} : memref<128xf32, #tpu.memory_space<vmem>>, vector<16xf32>,
    %swap3A_44 = arith.constant 64 : index
    %swap3A_45 = tpu.vector_load %arg11[%swap3A_44] {strides = array<i32>} : memref<128xf32, #tpu.memory_space<vmem>>, vector<16xf32>,
    %swap3A_46 = vector.shape_cast %swap3A_45 : vector<16xf32> to vector<16xf32>
    %swap3A_47 = vector.shape_cast %broadcast_in_dim3A_3 : vector<16xf32> to vector<16xf32>
    tpu.vector_store %arg11[%swap3A_44], %swap3A_47 {strides = array<i32>} : memref<128xf32, #tpu.memory_space<vmem>>, vector<16xf32>,
    %swap3A_48 = arith.constant 80 : index
    %swap3A_49 = tpu.vector_load %arg11[%swap3A_48] {strides = array<i32>} : memref<128xf32, #tpu.memory_space<vmem>>, vector<16xf32>,
    %swap3A_50 = vector.shape_cast %swap3A_49 : vector<16xf32> to vector<16xf32>
    %swap3A_51 = vector.shape_cast %broadcast_in_dim3A_3 : vector<16xf32> to vector<16xf32>
    tpu.vector_store %arg11[%swap3A_48], %swap3A_51 {strides = array<i32>} : memref<128xf32, #tpu.memory_space<vmem>>, vector<16xf32>,
    %swap3A_52 = arith.constant 96 : index
    %swap3A_53 = tpu.vector_load %arg11[%swap3A_52] {strides = array<i32>} : memref<128xf32, #tpu.memory_space<vmem>>, vector<16xf32>,
    %swap3A_54 = vector.shape_cast %swap3A_53 : vector<16xf32> to vector<16xf32>
    %swap3A_55 = vector.shape_cast %broadcast_in_dim3A_3 : vector<16xf32> to vector<16xf32>
    tpu.vector_store %arg11[%swap3A_52], %swap3A_55 {strides = array<i32>} : memref<128xf32, #tpu.memory_space<vmem>>, vector<16xf32>,
    %swap3A_56 = arith.constant 112 : index
    %swap3A_57 = tpu.vector_load %arg11[%swap3A_56] {strides = array<i32>} : memref<128xf32, #tpu.memory_space<vmem>>, vector<16xf32>,
    %swap3A_58 = vector.shape_cast %swap3A_57 : vector<16xf32> to vector<16xf32>
    %swap3A_59 = vector.shape_cast %broadcast_in_dim3A_3 : vector<16xf32> to vector<16xf32>
    tpu.vector_store %arg11[%swap3A_56], %swap3A_59 {strides = array<i32>} : memref<128xf32, #tpu.memory_space<vmem>>, vector<16xf32>,
    %mul3A_60 = arith.constant 640 : i32
    %mul3A_61 = arith.muli %arg1, %mul3A_60 : i32
    "tpu.region"() ({
      %run_scoped3A_219 = tpu.sem_alloc : memref<!tpu.dma_semaphore, #tpu.memory_space<semaphore_mem>>
      %dma_start3A_220 = arith.constant 0 : i32
      %dma_start3A_221 = tpu.memref_slice %arg14[%mul3A_61, %dma_start3A_220] : memref<10240x32xf32, #tpu.memory_space<vmem_shared>> -> memref<640x32xf32, #tpu.memory_space<vmem_shared>>
      %dma_start3A_222 = arith.constant 0 : i32
      %dma_start3A_223 = tpu.memref_slice %arg14[%mul3A_61, %dma_start3A_222] : memref<10240x32xf32, #tpu.memory_space<vmem_shared>> -> memref<640x32xf32, #tpu.memory_space<vmem_shared>>
      tpu.enqueue_dma source(%arg12 : memref<640x32xf32, #tpu.memory_space<vmem>>) target(%dma_start3A_223 : memref<640x32xf32, #tpu.memory_space<vmem_shared>>) target_semaphore(%run_scoped3A_219 : memref<!tpu.dma_semaphore, #tpu.memory_space<semaphore_mem>>)
      %dma_wait3A_224 = arith.constant 0 : i32
      %dma_wait3A_225 = tpu.memref_slice %arg14[%mul3A_61, %dma_wait3A_224] : memref<10240x32xf32, #tpu.memory_space<vmem_shared>> -> memref<640x32xf32, #tpu.memory_space<vmem_shared>>
      %dma_wait3A_226 = arith.constant 0 : i32
      %dma_wait3A_227 = tpu.memref_slice %arg14[%mul3A_61, %dma_wait3A_226] : memref<10240x32xf32, #tpu.memory_space<vmem_shared>> -> memref<640x32xf32, #tpu.memory_space<vmem_shared>>
      tpu.wait_dma2 semaphore(%run_scoped3A_219 : memref<!tpu.dma_semaphore, #tpu.memory_space<semaphore_mem>>) src(%arg12 : memref<640x32xf32, #tpu.memory_space<vmem>>) dst(%dma_wait3A_227 : memref<640x32xf32, #tpu.memory_space<vmem_shared>>)
      tpu.yield
    }) : () -> ()
    %mul3A_62 = arith.constant 640 : i32
    %mul3A_63 = arith.muli %arg1, %mul3A_62 : i32
    "tpu.region"() ({
      %run_scoped3A_219 = tpu.sem_alloc : memref<!tpu.dma_semaphore, #tpu.memory_space<semaphore_mem>>
      %dma_start3A_220 = tpu.memref_slice %arg15[%mul3A_63] : memref<10240xf32, #tpu.memory_space<vmem_shared>> -> memref<640xf32, #tpu.memory_space<vmem_shared>>
      %dma_start3A_221 = tpu.memref_slice %arg15[%mul3A_63] : memref<10240xf32, #tpu.memory_space<vmem_shared>> -> memref<640xf32, #tpu.memory_space<vmem_shared>>
      tpu.enqueue_dma source(%arg13 : memref<640xf32, #tpu.memory_space<vmem>>) target(%dma_start3A_221 : memref<640xf32, #tpu.memory_space<vmem_shared>>) target_semaphore(%run_scoped3A_219 : memref<!tpu.dma_semaphore, #tpu.memory_space<semaphore_mem>>)
      %dma_wait3A_222 = tpu.memref_slice %arg15[%mul3A_63] : memref<10240xf32, #tpu.memory_space<vmem_shared>> -> memref<640xf32, #tpu.memory_space<vmem_shared>>
      %dma_wait3A_223 = tpu.memref_slice %arg15[%mul3A_63] : memref<10240xf32, #tpu.memory_space<vmem_shared>> -> memref<640xf32, #tpu.memory_space<vmem_shared>>
      tpu.wait_dma2 semaphore(%run_scoped3A_219 : memref<!tpu.dma_semaphore, #tpu.memory_space<semaphore_mem>>) src(%arg13 : memref<640xf32, #tpu.memory_space<vmem>>) dst(%dma_wait3A_223 : memref<640xf32, #tpu.memory_space<vmem_shared>>)
      tpu.yield
    }) : () -> ()
    %barrier3A = arith.constant 0 : index
    tpu.barrier barrier_id(%barrier3A)
    %scan3A_64 = arith.constant 0 : i32
    %scan3A_65 = arith.constant 0 : i32
    %scan3A_66 = arith.constant 6 : i32
    %scan3A_67 = arith.addi %scan3A_65, %scan3A_66 : i32
    %scan3A_68 = arith.constant 1 : i32
    scf.for %scan3A_219 = %scan3A_65 to %scan3A_67 step %scan3A_68  : i32 {
      %mul3A_220 = arith.constant 2 : i32
      %mul3A_221 = arith.muli %scan3A_219, %mul3A_220 : i32
      %mul3A_222 = arith.constant 768 : i32
      %mul3A_223 = arith.muli %mul3A_221, %mul3A_222 : i32
      %add3A_224 = arith.constant 0 : i32
      %add3A_225 = arith.addi %mul3A_223, %add3A_224 : i32
      %dma_start3A_226 = arith.constant 0 : i32
      %dma_start3A_227 = arith.constant 0 : i32
      %dma_start3A_228 = arith.constant 0 : i32
      %dma_start3A_229 = tpu.memref_slice %arg9[%dma_start3A_226, %dma_start3A_227, %dma_start3A_228] : memref<6x128x32xf32, #tpu.memory_space<vmem>> -> memref<1x128x32xf32, #tpu.memory_space<vmem>>
      %dma_start3A_230 = tpu.memref_squeeze %dma_start3A_229 : memref<1x128x32xf32, #tpu.memory_space<vmem>> -> memref<128x32xf32, #tpu.memory_space<vmem>>
      %dma_start3A_231 = tpu.memref_slice %arg6[%add3A_225] : memref<10112xi32, #tpu.memory_space<vmem>> -> memref<128xi32, #tpu.memory_space<vmem>>
      %dma_start3A_232 = arith.constant 0 : i32
      %dma_start3A_233 = arith.constant 0 : i32
      %dma_start3A_234 = tpu.memref_slice %arg3[%dma_start3A_232, %dma_start3A_233] : memref<10000x32xf32, #tpu.memory_space<hbm>> -> memref<10000x32xf32, #tpu.memory_space<hbm>>
      tpu.enqueue_indirect_dma source(%dma_start3A_234 : memref<10000x32xf32, #tpu.memory_space<hbm>>) target(%dma_start3A_230 : memref<128x32xf32, #tpu.memory_space<vmem>>) offsets(%dma_start3A_231 : memref<128xi32, #tpu.memory_space<vmem>>) semaphore(%arg16 : memref<!tpu.dma_semaphore, #tpu.memory_space<semaphore_mem>>)
      %mul3A_235 = arith.constant 768 : i32
      %mul3A_236 = arith.muli %mul3A_221, %mul3A_235 : i32
      %add3A_237 = arith.constant 128 : i32
      %add3A_238 = arith.addi %mul3A_236, %add3A_237 : i32
      %dma_start3A_239 = arith.constant 1 : i32
      %dma_start3A_240 = arith.constant 0 : i32
      %dma_start3A_241 = arith.constant 0 : i32
      %dma_start3A_242 = tpu.memref_slice %arg9[%dma_start3A_239, %dma_start3A_240, %dma_start3A_241] : memref<6x128x32xf32, #tpu.memory_space<vmem>> -> memref<1x128x32xf32, #tpu.memory_space<vmem>>
      %dma_start3A_243 = tpu.memref_squeeze %dma_start3A_242 : memref<1x128x32xf32, #tpu.memory_space<vmem>> -> memref<128x32xf32, #tpu.memory_space<vmem>>
      %dma_start3A_244 = tpu.memref_slice %arg6[%add3A_238] : memref<10112xi32, #tpu.memory_space<vmem>> -> memref<128xi32, #tpu.memory_space<vmem>>
      %dma_start3A_245 = arith.constant 0 : i32
      %dma_start3A_246 = arith.constant 0 : i32
      %dma_start3A_247 = tpu.memref_slice %arg3[%dma_start3A_245, %dma_start3A_246] : memref<10000x32xf32, #tpu.memory_space<hbm>> -> memref<10000x32xf32, #tpu.memory_space<hbm>>
      tpu.enqueue_indirect_dma source(%dma_start3A_247 : memref<10000x32xf32, #tpu.memory_space<hbm>>) target(%dma_start3A_243 : memref<128x32xf32, #tpu.memory_space<vmem>>) offsets(%dma_start3A_244 : memref<128xi32, #tpu.memory_space<vmem>>) semaphore(%arg16 : memref<!tpu.dma_semaphore, #tpu.memory_space<semaphore_mem>>)
      %mul3A_248 = arith.constant 768 : i32
      %mul3A_249 = arith.muli %mul3A_221, %mul3A_248 : i32
      %add3A_250 = arith.constant 256 : i32
      %add3A_251 = arith.addi %mul3A_249, %add3A_250 : i32
      %dma_start3A_252 = arith.constant 2 : i32
      %dma_start3A_253 = arith.constant 0 : i32
      %dma_start3A_254 = arith.constant 0 : i32
      %dma_start3A_255 = tpu.memref_slice %arg9[%dma_start3A_252, %dma_start3A_253, %dma_start3A_254] : memref<6x128x32xf32, #tpu.memory_space<vmem>> -> memref<1x128x32xf32, #tpu.memory_space<vmem>>
      %dma_start3A_256 = tpu.memref_squeeze %dma_start3A_255 : memref<1x128x32xf32, #tpu.memory_space<vmem>> -> memref<128x32xf32, #tpu.memory_space<vmem>>
      %dma_start3A_257 = tpu.memref_slice %arg6[%add3A_251] : memref<10112xi32, #tpu.memory_space<vmem>> -> memref<128xi32, #tpu.memory_space<vmem>>
      %dma_start3A_258 = arith.constant 0 : i32
      %dma_start3A_259 = arith.constant 0 : i32
      %dma_start3A_260 = tpu.memref_slice %arg3[%dma_start3A_258, %dma_start3A_259] : memref<10000x32xf32, #tpu.memory_space<hbm>> -> memref<10000x32xf32, #tpu.memory_space<hbm>>
      tpu.enqueue_indirect_dma source(%dma_start3A_260 : memref<10000x32xf32, #tpu.memory_space<hbm>>) target(%dma_start3A_256 : memref<128x32xf32, #tpu.memory_space<vmem>>) offsets(%dma_start3A_257 : memref<128xi32, #tpu.memory_space<vmem>>) semaphore(%arg16 : memref<!tpu.dma_semaphore, #tpu.memory_space<semaphore_mem>>)
      %mul3A_261 = arith.constant 768 : i32
      %mul3A_262 = arith.muli %mul3A_221, %mul3A_261 : i32
      %add3A_263 = arith.constant 384 : i32
      %add3A_264 = arith.addi %mul3A_262, %add3A_263 : i32
      %dma_start3A_265 = arith.constant 3 : i32
      %dma_start3A_266 = arith.constant 0 : i32
      %dma_start3A_267 = arith.constant 0 : i32
      %dma_start3A_268 = tpu.memref_slice %arg9[%dma_start3A_265, %dma_start3A_266, %dma_start3A_267] : memref<6x128x32xf32, #tpu.memory_space<vmem>> -> memref<1x128x32xf32, #tpu.memory_space<vmem>>
      %dma_start3A_269 = tpu.memref_squeeze %dma_start3A_268 : memref<1x128x32xf32, #tpu.memory_space<vmem>> -> memref<128x32xf32, #tpu.memory_space<vmem>>
      %dma_start3A_270 = tpu.memref_slice %arg6[%add3A_264] : memref<10112xi32, #tpu.memory_space<vmem>> -> memref<128xi32, #tpu.memory_space<vmem>>
      %dma_start3A_271 = arith.constant 0 : i32
      %dma_start3A_272 = arith.constant 0 : i32
      %dma_start3A_273 = tpu.memref_slice %arg3[%dma_start3A_271, %dma_start3A_272] : memref<10000x32xf32, #tpu.memory_space<hbm>> -> memref<10000x32xf32, #tpu.memory_space<hbm>>
      tpu.enqueue_indirect_dma source(%dma_start3A_273 : memref<10000x32xf32, #tpu.memory_space<hbm>>) target(%dma_start3A_269 : memref<128x32xf32, #tpu.memory_space<vmem>>) offsets(%dma_start3A_270 : memref<128xi32, #tpu.memory_space<vmem>>) semaphore(%arg16 : memref<!tpu.dma_semaphore, #tpu.memory_space<semaphore_mem>>)
      %mul3A_274 = arith.constant 768 : i32
      %mul3A_275 = arith.muli %mul3A_221, %mul3A_274 : i32
      %add3A_276 = arith.constant 512 : i32
      %add3A_277 = arith.addi %mul3A_275, %add3A_276 : i32
      %dma_start3A_278 = arith.constant 4 : i32
      %dma_start3A_279 = arith.constant 0 : i32
      %dma_start3A_280 = arith.constant 0 : i32
      %dma_start3A_281 = tpu.memref_slice %arg9[%dma_start3A_278, %dma_start3A_279, %dma_start3A_280] : memref<6x128x32xf32, #tpu.memory_space<vmem>> -> memref<1x128x32xf32, #tpu.memory_space<vmem>>
      %dma_start3A_282 = tpu.memref_squeeze %dma_start3A_281 : memref<1x128x32xf32, #tpu.memory_space<vmem>> -> memref<128x32xf32, #tpu.memory_space<vmem>>
      %dma_start3A_283 = tpu.memref_slice %arg6[%add3A_277] : memref<10112xi32, #tpu.memory_space<vmem>> -> memref<128xi32, #tpu.memory_space<vmem>>
      %dma_start3A_284 = arith.constant 0 : i32
      %dma_start3A_285 = arith.constant 0 : i32
      %dma_start3A_286 = tpu.memref_slice %arg3[%dma_start3A_284, %dma_start3A_285] : memref<10000x32xf32, #tpu.memory_space<hbm>> -> memref<10000x32xf32, #tpu.memory_space<hbm>>
      tpu.enqueue_indirect_dma source(%dma_start3A_286 : memref<10000x32xf32, #tpu.memory_space<hbm>>) target(%dma_start3A_282 : memref<128x32xf32, #tpu.memory_space<vmem>>) offsets(%dma_start3A_283 : memref<128xi32, #tpu.memory_space<vmem>>) semaphore(%arg16 : memref<!tpu.dma_semaphore, #tpu.memory_space<semaphore_mem>>)
      %mul3A_287 = arith.constant 768 : i32
      %mul3A_288 = arith.muli %mul3A_221, %mul3A_287 : i32
      %add3A_289 = arith.constant 640 : i32
      %add3A_290 = arith.addi %mul3A_288, %add3A_289 : i32
      %dma_start3A_291 = arith.constant 5 : i32
      %dma_start3A_292 = arith.constant 0 : i32
      %dma_start3A_293 = arith.constant 0 : i32
      %dma_start3A_294 = tpu.memref_slice %arg9[%dma_start3A_291, %dma_start3A_292, %dma_start3A_293] : memref<6x128x32xf32, #tpu.memory_space<vmem>> -> memref<1x128x32xf32, #tpu.memory_space<vmem>>
      %dma_start3A_295 = tpu.memref_squeeze %dma_start3A_294 : memref<1x128x32xf32, #tpu.memory_space<vmem>> -> memref<128x32xf32, #tpu.memory_space<vmem>>
      %dma_start3A_296 = tpu.memref_slice %arg6[%add3A_290] : memref<10112xi32, #tpu.memory_space<vmem>> -> memref<128xi32, #tpu.memory_space<vmem>>
      %dma_start3A_297 = arith.constant 0 : i32
      %dma_start3A_298 = arith.constant 0 : i32
      %dma_start3A_299 = tpu.memref_slice %arg3[%dma_start3A_297, %dma_start3A_298] : memref<10000x32xf32, #tpu.memory_space<hbm>> -> memref<10000x32xf32, #tpu.memory_space<hbm>>
      tpu.enqueue_indirect_dma source(%dma_start3A_299 : memref<10000x32xf32, #tpu.memory_space<hbm>>) target(%dma_start3A_295 : memref<128x32xf32, #tpu.memory_space<vmem>>) offsets(%dma_start3A_296 : memref<128xi32, #tpu.memory_space<vmem>>) semaphore(%arg16 : memref<!tpu.dma_semaphore, #tpu.memory_space<semaphore_mem>>)
      %add3A_300 = arith.constant 1 : i32
      %add3A_301 = arith.addi %mul3A_221, %add3A_300 : i32
      %mul3A_302 = arith.constant 768 : i32
      %mul3A_303 = arith.muli %add3A_301, %mul3A_302 : i32
      %add3A_304 = arith.constant 0 : i32
      %add3A_305 = arith.addi %mul3A_303, %add3A_304 : i32
      %dma_start3A_306 = arith.constant 0 : i32
      %dma_start3A_307 = arith.constant 0 : i32
      %dma_start3A_308 = arith.constant 0 : i32
      %dma_start3A_309 = tpu.memref_slice %arg10[%dma_start3A_306, %dma_start3A_307, %dma_start3A_308] : memref<6x128x32xf32, #tpu.memory_space<vmem>> -> memref<1x128x32xf32, #tpu.memory_space<vmem>>
      %dma_start3A_310 = tpu.memref_squeeze %dma_start3A_309 : memref<1x128x32xf32, #tpu.memory_space<vmem>> -> memref<128x32xf32, #tpu.memory_space<vmem>>
      %dma_start3A_311 = tpu.memref_slice %arg6[%add3A_305] : memref<10112xi32, #tpu.memory_space<vmem>> -> memref<128xi32, #tpu.memory_space<vmem>>
      %dma_start3A_312 = arith.constant 0 : i32
      %dma_start3A_313 = arith.constant 0 : i32
      %dma_start3A_314 = tpu.memref_slice %arg3[%dma_start3A_312, %dma_start3A_313] : memref<10000x32xf32, #tpu.memory_space<hbm>> -> memref<10000x32xf32, #tpu.memory_space<hbm>>
      tpu.enqueue_indirect_dma source(%dma_start3A_314 : memref<10000x32xf32, #tpu.memory_space<hbm>>) target(%dma_start3A_310 : memref<128x32xf32, #tpu.memory_space<vmem>>) offsets(%dma_start3A_311 : memref<128xi32, #tpu.memory_space<vmem>>) semaphore(%arg17 : memref<!tpu.dma_semaphore, #tpu.memory_space<semaphore_mem>>)
      %mul3A_315 = arith.constant 768 : i32
      %mul3A_316 = arith.muli %add3A_301, %mul3A_315 : i32
      %add3A_317 = arith.constant 128 : i32
      %add3A_318 = arith.addi %mul3A_316, %add3A_317 : i32
      %dma_start3A_319 = arith.constant 1 : i32
      %dma_start3A_320 = arith.constant 0 : i32
      %dma_start3A_321 = arith.constant 0 : i32
      %dma_start3A_322 = tpu.memref_slice %arg10[%dma_start3A_319, %dma_start3A_320, %dma_start3A_321] : memref<6x128x32xf32, #tpu.memory_space<vmem>> -> memref<1x128x32xf32, #tpu.memory_space<vmem>>
      %dma_start3A_323 = tpu.memref_squeeze %dma_start3A_322 : memref<1x128x32xf32, #tpu.memory_space<vmem>> -> memref<128x32xf32, #tpu.memory_space<vmem>>
      %dma_start3A_324 = tpu.memref_slice %arg6[%add3A_318] : memref<10112xi32, #tpu.memory_space<vmem>> -> memref<128xi32, #tpu.memory_space<vmem>>
      %dma_start3A_325 = arith.constant 0 : i32
      %dma_start3A_326 = arith.constant 0 : i32
      %dma_start3A_327 = tpu.memref_slice %arg3[%dma_start3A_325, %dma_start3A_326] : memref<10000x32xf32, #tpu.memory_space<hbm>> -> memref<10000x32xf32, #tpu.memory_space<hbm>>
      tpu.enqueue_indirect_dma source(%dma_start3A_327 : memref<10000x32xf32, #tpu.memory_space<hbm>>) target(%dma_start3A_323 : memref<128x32xf32, #tpu.memory_space<vmem>>) offsets(%dma_start3A_324 : memref<128xi32, #tpu.memory_space<vmem>>) semaphore(%arg17 : memref<!tpu.dma_semaphore, #tpu.memory_space<semaphore_mem>>)
      %mul3A_328 = arith.constant 768 : i32
      %mul3A_329 = arith.muli %add3A_301, %mul3A_328 : i32
      %add3A_330 = arith.constant 256 : i32
      %add3A_331 = arith.addi %mul3A_329, %add3A_330 : i32
      %dma_start3A_332 = arith.constant 2 : i32
      %dma_start3A_333 = arith.constant 0 : i32
      %dma_start3A_334 = arith.constant 0 : i32
      %dma_start3A_335 = tpu.memref_slice %arg10[%dma_start3A_332, %dma_start3A_333, %dma_start3A_334] : memref<6x128x32xf32, #tpu.memory_space<vmem>> -> memref<1x128x32xf32, #tpu.memory_space<vmem>>
      %dma_start3A_336 = tpu.memref_squeeze %dma_start3A_335 : memref<1x128x32xf32, #tpu.memory_space<vmem>> -> memref<128x32xf32, #tpu.memory_space<vmem>>
      %dma_start3A_337 = tpu.memref_slice %arg6[%add3A_331] : memref<10112xi32, #tpu.memory_space<vmem>> -> memref<128xi32, #tpu.memory_space<vmem>>
      %dma_start3A_338 = arith.constant 0 : i32
      %dma_start3A_339 = arith.constant 0 : i32
      %dma_start3A_340 = tpu.memref_slice %arg3[%dma_start3A_338, %dma_start3A_339] : memref<10000x32xf32, #tpu.memory_space<hbm>> -> memref<10000x32xf32, #tpu.memory_space<hbm>>
      tpu.enqueue_indirect_dma source(%dma_start3A_340 : memref<10000x32xf32, #tpu.memory_space<hbm>>) target(%dma_start3A_336 : memref<128x32xf32, #tpu.memory_space<vmem>>) offsets(%dma_start3A_337 : memref<128xi32, #tpu.memory_space<vmem>>) semaphore(%arg17 : memref<!tpu.dma_semaphore, #tpu.memory_space<semaphore_mem>>)
      %mul3A_341 = arith.constant 768 : i32
      %mul3A_342 = arith.muli %add3A_301, %mul3A_341 : i32
      %add3A_343 = arith.constant 384 : i32
      %add3A_344 = arith.addi %mul3A_342, %add3A_343 : i32
      %dma_start3A_345 = arith.constant 3 : i32
      %dma_start3A_346 = arith.constant 0 : i32
      %dma_start3A_347 = arith.constant 0 : i32
      %dma_start3A_348 = tpu.memref_slice %arg10[%dma_start3A_345, %dma_start3A_346, %dma_start3A_347] : memref<6x128x32xf32, #tpu.memory_space<vmem>> -> memref<1x128x32xf32, #tpu.memory_space<vmem>>
      %dma_start3A_349 = tpu.memref_squeeze %dma_start3A_348 : memref<1x128x32xf32, #tpu.memory_space<vmem>> -> memref<128x32xf32, #tpu.memory_space<vmem>>
      %dma_start3A_350 = tpu.memref_slice %arg6[%add3A_344] : memref<10112xi32, #tpu.memory_space<vmem>> -> memref<128xi32, #tpu.memory_space<vmem>>
      %dma_start3A_351 = arith.constant 0 : i32
      %dma_start3A_352 = arith.constant 0 : i32
      %dma_start3A_353 = tpu.memref_slice %arg3[%dma_start3A_351, %dma_start3A_352] : memref<10000x32xf32, #tpu.memory_space<hbm>> -> memref<10000x32xf32, #tpu.memory_space<hbm>>
      tpu.enqueue_indirect_dma source(%dma_start3A_353 : memref<10000x32xf32, #tpu.memory_space<hbm>>) target(%dma_start3A_349 : memref<128x32xf32, #tpu.memory_space<vmem>>) offsets(%dma_start3A_350 : memref<128xi32, #tpu.memory_space<vmem>>) semaphore(%arg17 : memref<!tpu.dma_semaphore, #tpu.memory_space<semaphore_mem>>)
      %mul3A_354 = arith.constant 768 : i32
      %mul3A_355 = arith.muli %add3A_301, %mul3A_354 : i32
      %add3A_356 = arith.constant 512 : i32
      %add3A_357 = arith.addi %mul3A_355, %add3A_356 : i32
      %dma_start3A_358 = arith.constant 4 : i32
      %dma_start3A_359 = arith.constant 0 : i32
      %dma_start3A_360 = arith.constant 0 : i32
      %dma_start3A_361 = tpu.memref_slice %arg10[%dma_start3A_358, %dma_start3A_359, %dma_start3A_360] : memref<6x128x32xf32, #tpu.memory_space<vmem>> -> memref<1x128x32xf32, #tpu.memory_space<vmem>>
      %dma_start3A_362 = tpu.memref_squeeze %dma_start3A_361 : memref<1x128x32xf32, #tpu.memory_space<vmem>> -> memref<128x32xf32, #tpu.memory_space<vmem>>
      %dma_start3A_363 = tpu.memref_slice %arg6[%add3A_357] : memref<10112xi32, #tpu.memory_space<vmem>> -> memref<128xi32, #tpu.memory_space<vmem>>
      %dma_start3A_364 = arith.constant 0 : i32
      %dma_start3A_365 = arith.constant 0 : i32
      %dma_start3A_366 = tpu.memref_slice %arg3[%dma_start3A_364, %dma_start3A_365] : memref<10000x32xf32, #tpu.memory_space<hbm>> -> memref<10000x32xf32, #tpu.memory_space<hbm>>
      tpu.enqueue_indirect_dma source(%dma_start3A_366 : memref<10000x32xf32, #tpu.memory_space<hbm>>) target(%dma_start3A_362 : memref<128x32xf32, #tpu.memory_space<vmem>>) offsets(%dma_start3A_363 : memref<128xi32, #tpu.memory_space<vmem>>) semaphore(%arg17 : memref<!tpu.dma_semaphore, #tpu.memory_space<semaphore_mem>>)
      %mul3A_367 = arith.constant 768 : i32
      %mul3A_368 = arith.muli %add3A_301, %mul3A_367 : i32
      %add3A_369 = arith.constant 640 : i32
      %add3A_370 = arith.addi %mul3A_368, %add3A_369 : i32
      %dma_start3A_371 = arith.constant 5 : i32
      %dma_start3A_372 = arith.constant 0 : i32
      %dma_start3A_373 = arith.constant 0 : i32
      %dma_start3A_374 = tpu.memref_slice %arg10[%dma_start3A_371, %dma_start3A_372, %dma_start3A_373] : memref<6x128x32xf32, #tpu.memory_space<vmem>> -> memref<1x128x32xf32, #tpu.memory_space<vmem>>
      %dma_start3A_375 = tpu.memref_squeeze %dma_start3A_374 : memref<1x128x32xf32, #tpu.memory_space<vmem>> -> memref<128x32xf32, #tpu.memory_space<vmem>>
      %dma_start3A_376 = tpu.memref_slice %arg6[%add3A_370] : memref<10112xi32, #tpu.memory_space<vmem>> -> memref<128xi32, #tpu.memory_space<vmem>>
      %dma_start3A_377 = arith.constant 0 : i32
      %dma_start3A_378 = arith.constant 0 : i32
      %dma_start3A_379 = tpu.memref_slice %arg3[%dma_start3A_377, %dma_start3A_378] : memref<10000x32xf32, #tpu.memory_space<hbm>> -> memref<10000x32xf32, #tpu.memory_space<hbm>>
      tpu.enqueue_indirect_dma source(%dma_start3A_379 : memref<10000x32xf32, #tpu.memory_space<hbm>>) target(%dma_start3A_375 : memref<128x32xf32, #tpu.memory_space<vmem>>) offsets(%dma_start3A_376 : memref<128xi32, #tpu.memory_space<vmem>>) semaphore(%arg17 : memref<!tpu.dma_semaphore, #tpu.memory_space<semaphore_mem>>)
      %dma_wait3A_380 = arith.constant 0 : i32
      %dma_wait3A_381 = arith.constant 0 : i32
      %dma_wait3A_382 = arith.constant 0 : i32
      %dma_wait3A_383 = tpu.memref_slice %arg9[%dma_wait3A_380, %dma_wait3A_381, %dma_wait3A_382] : memref<6x128x32xf32, #tpu.memory_space<vmem>> -> memref<1x128x32xf32, #tpu.memory_space<vmem>>
      %dma_wait3A_384 = tpu.memref_squeeze %dma_wait3A_383 : memref<1x128x32xf32, #tpu.memory_space<vmem>> -> memref<128x32xf32, #tpu.memory_space<vmem>>
      %dma_wait3A_385 = tpu.memref_slice %arg6[%add3A_225] : memref<10112xi32, #tpu.memory_space<vmem>> -> memref<128xi32, #tpu.memory_space<vmem>>
      %dma_wait3A_386 = arith.constant 0 : i32
      %dma_wait3A_387 = arith.constant 0 : i32
      %dma_wait3A_388 = tpu.memref_slice %arg3[%dma_wait3A_386, %dma_wait3A_387] : memref<10000x32xf32, #tpu.memory_space<hbm>> -> memref<10000x32xf32, #tpu.memory_space<hbm>>
      tpu.wait_indirect_dma semaphore(%arg16 : memref<!tpu.dma_semaphore, #tpu.memory_space<semaphore_mem>>) src(%dma_wait3A_388 : memref<10000x32xf32, #tpu.memory_space<hbm>>) dst(%dma_wait3A_384 : memref<128x32xf32, #tpu.memory_space<vmem>>)
      %dma_wait3A_389 = arith.constant 1 : i32
      %dma_wait3A_390 = arith.constant 0 : i32
      %dma_wait3A_391 = arith.constant 0 : i32
      %dma_wait3A_392 = tpu.memref_slice %arg9[%dma_wait3A_389, %dma_wait3A_390, %dma_wait3A_391] : memref<6x128x32xf32, #tpu.memory_space<vmem>> -> memref<1x128x32xf32, #tpu.memory_space<vmem>>
      %dma_wait3A_393 = tpu.memref_squeeze %dma_wait3A_392 : memref<1x128x32xf32, #tpu.memory_space<vmem>> -> memref<128x32xf32, #tpu.memory_space<vmem>>
      %dma_wait3A_394 = tpu.memref_slice %arg6[%add3A_238] : memref<10112xi32, #tpu.memory_space<vmem>> -> memref<128xi32, #tpu.memory_space<vmem>>
      %dma_wait3A_395 = arith.constant 0 : i32
      %dma_wait3A_396 = arith.constant 0 : i32
      %dma_wait3A_397 = tpu.memref_slice %arg3[%dma_wait3A_395, %dma_wait3A_396] : memref<10000x32xf32, #tpu.memory_space<hbm>> -> memref<10000x32xf32, #tpu.memory_space<hbm>>
      tpu.wait_indirect_dma semaphore(%arg16 : memref<!tpu.dma_semaphore, #tpu.memory_space<semaphore_mem>>) src(%dma_wait3A_397 : memref<10000x32xf32, #tpu.memory_space<hbm>>) dst(%dma_wait3A_393 : memref<128x32xf32, #tpu.memory_space<vmem>>)
      %dma_wait3A_398 = arith.constant 2 : i32
      %dma_wait3A_399 = arith.constant 0 : i32
      %dma_wait3A_400 = arith.constant 0 : i32
      %dma_wait3A_401 = tpu.memref_slice %arg9[%dma_wait3A_398, %dma_wait3A_399, %dma_wait3A_400] : memref<6x128x32xf32, #tpu.memory_space<vmem>> -> memref<1x128x32xf32, #tpu.memory_space<vmem>>
      %dma_wait3A_402 = tpu.memref_squeeze %dma_wait3A_401 : memref<1x128x32xf32, #tpu.memory_space<vmem>> -> memref<128x32xf32, #tpu.memory_space<vmem>>
      %dma_wait3A_403 = tpu.memref_slice %arg6[%add3A_251] : memref<10112xi32, #tpu.memory_space<vmem>> -> memref<128xi32, #tpu.memory_space<vmem>>
      %dma_wait3A_404 = arith.constant 0 : i32
      %dma_wait3A_405 = arith.constant 0 : i32
      %dma_wait3A_406 = tpu.memref_slice %arg3[%dma_wait3A_404, %dma_wait3A_405] : memref<10000x32xf32, #tpu.memory_space<hbm>> -> memref<10000x32xf32, #tpu.memory_space<hbm>>
      tpu.wait_indirect_dma semaphore(%arg16 : memref<!tpu.dma_semaphore, #tpu.memory_space<semaphore_mem>>) src(%dma_wait3A_406 : memref<10000x32xf32, #tpu.memory_space<hbm>>) dst(%dma_wait3A_402 : memref<128x32xf32, #tpu.memory_space<vmem>>)
      %dma_wait3A_407 = arith.constant 3 : i32
      %dma_wait3A_408 = arith.constant 0 : i32
      %dma_wait3A_409 = arith.constant 0 : i32
      %dma_wait3A_410 = tpu.memref_slice %arg9[%dma_wait3A_407, %dma_wait3A_408, %dma_wait3A_409] : memref<6x128x32xf32, #tpu.memory_space<vmem>> -> memref<1x128x32xf32, #tpu.memory_space<vmem>>
      %dma_wait3A_411 = tpu.memref_squeeze %dma_wait3A_410 : memref<1x128x32xf32, #tpu.memory_space<vmem>> -> memref<128x32xf32, #tpu.memory_space<vmem>>
      %dma_wait3A_412 = tpu.memref_slice %arg6[%add3A_264] : memref<10112xi32, #tpu.memory_space<vmem>> -> memref<128xi32, #tpu.memory_space<vmem>>
      %dma_wait3A_413 = arith.constant 0 : i32
      %dma_wait3A_414 = arith.constant 0 : i32
      %dma_wait3A_415 = tpu.memref_slice %arg3[%dma_wait3A_413, %dma_wait3A_414] : memref<10000x32xf32, #tpu.memory_space<hbm>> -> memref<10000x32xf32, #tpu.memory_space<hbm>>
      tpu.wait_indirect_dma semaphore(%arg16 : memref<!tpu.dma_semaphore, #tpu.memory_space<semaphore_mem>>) src(%dma_wait3A_415 : memref<10000x32xf32, #tpu.memory_space<hbm>>) dst(%dma_wait3A_411 : memref<128x32xf32, #tpu.memory_space<vmem>>)
      %dma_wait3A_416 = arith.constant 4 : i32
      %dma_wait3A_417 = arith.constant 0 : i32
      %dma_wait3A_418 = arith.constant 0 : i32
      %dma_wait3A_419 = tpu.memref_slice %arg9[%dma_wait3A_416, %dma_wait3A_417, %dma_wait3A_418] : memref<6x128x32xf32, #tpu.memory_space<vmem>> -> memref<1x128x32xf32, #tpu.memory_space<vmem>>
      %dma_wait3A_420 = tpu.memref_squeeze %dma_wait3A_419 : memref<1x128x32xf32, #tpu.memory_space<vmem>> -> memref<128x32xf32, #tpu.memory_space<vmem>>
      %dma_wait3A_421 = tpu.memref_slice %arg6[%add3A_277] : memref<10112xi32, #tpu.memory_space<vmem>> -> memref<128xi32, #tpu.memory_space<vmem>>
      %dma_wait3A_422 = arith.constant 0 : i32
      %dma_wait3A_423 = arith.constant 0 : i32
      %dma_wait3A_424 = tpu.memref_slice %arg3[%dma_wait3A_422, %dma_wait3A_423] : memref<10000x32xf32, #tpu.memory_space<hbm>> -> memref<10000x32xf32, #tpu.memory_space<hbm>>
      tpu.wait_indirect_dma semaphore(%arg16 : memref<!tpu.dma_semaphore, #tpu.memory_space<semaphore_mem>>) src(%dma_wait3A_424 : memref<10000x32xf32, #tpu.memory_space<hbm>>) dst(%dma_wait3A_420 : memref<128x32xf32, #tpu.memory_space<vmem>>)
      %dma_wait3A_425 = arith.constant 5 : i32
      %dma_wait3A_426 = arith.constant 0 : i32
      %dma_wait3A_427 = arith.constant 0 : i32
      %dma_wait3A_428 = tpu.memref_slice %arg9[%dma_wait3A_425, %dma_wait3A_426, %dma_wait3A_427] : memref<6x128x32xf32, #tpu.memory_space<vmem>> -> memref<1x128x32xf32, #tpu.memory_space<vmem>>
      %dma_wait3A_429 = tpu.memref_squeeze %dma_wait3A_428 : memref<1x128x32xf32, #tpu.memory_space<vmem>> -> memref<128x32xf32, #tpu.memory_space<vmem>>
      %dma_wait3A_430 = tpu.memref_slice %arg6[%add3A_290] : memref<10112xi32, #tpu.memory_space<vmem>> -> memref<128xi32, #tpu.memory_space<vmem>>
      %dma_wait3A_431 = arith.constant 0 : i32
      %dma_wait3A_432 = arith.constant 0 : i32
      %dma_wait3A_433 = tpu.memref_slice %arg3[%dma_wait3A_431, %dma_wait3A_432] : memref<10000x32xf32, #tpu.memory_space<hbm>> -> memref<10000x32xf32, #tpu.memory_space<hbm>>
      tpu.wait_indirect_dma semaphore(%arg16 : memref<!tpu.dma_semaphore, #tpu.memory_space<semaphore_mem>>) src(%dma_wait3A_433 : memref<10000x32xf32, #tpu.memory_space<hbm>>) dst(%dma_wait3A_429 : memref<128x32xf32, #tpu.memory_space<vmem>>)
      %mul3A_434 = arith.constant 6 : i32
      %mul3A_435 = arith.muli %mul3A_221, %mul3A_434 : i32
      %add3A_436 = arith.constant 0 : i32
      %add3A_437 = arith.addi %mul3A_435, %add3A_436 : i32
      %run_scoped3A_438 = arith.constant 0 : i32
      "tpu.region"() ({
        %run_scoped3A_598 = tpu.sem_alloc : memref<!tpu.dma_semaphore, #tpu.memory_space<semaphore_mem>>
        %dma_start3A_599 = arith.constant 0 : i32
        %dma_start3A_600 = arith.constant 0 : i32
        %dma_start3A_601 = tpu.memref_slice %arg9[%run_scoped3A_438, %dma_start3A_599, %dma_start3A_600] : memref<6x128x32xf32, #tpu.memory_space<vmem>> -> memref<1x128x32xf32, #tpu.memory_space<vmem>>
        %dma_start3A_602 = tpu.memref_squeeze %dma_start3A_601 : memref<1x128x32xf32, #tpu.memory_space<vmem>> -> memref<128x32xf32, #tpu.memory_space<vmem>>
        %dma_start3A_603 = arith.constant 0 : i32
        %dma_start3A_604 = tpu.memref_slice %arg8[%add3A_437, %dma_start3A_603] : memref<79x128xi32, #tpu.memory_space<vmem>> -> memref<1x128xi32, #tpu.memory_space<vmem>>
        %dma_start3A_605 = tpu.memref_squeeze %dma_start3A_604 : memref<1x128xi32, #tpu.memory_space<vmem>> -> memref<128xi32, #tpu.memory_space<vmem>>
        %dma_start3A_606 = arith.constant 0 : i32
        %dma_start3A_607 = arith.constant 0 : i32
        %dma_start3A_608 = tpu.memref_slice %arg14[%dma_start3A_606, %dma_start3A_607] : memref<10240x32xf32, #tpu.memory_space<vmem_shared>> -> memref<10240x32xf32, #tpu.memory_space<vmem_shared>>
        tpu.enqueue_indirect_dma source(%dma_start3A_602 : memref<128x32xf32, #tpu.memory_space<vmem>>) target(%dma_start3A_608 : memref<10240x32xf32, #tpu.memory_space<vmem_shared>>) offsets(%dma_start3A_605 : memref<128xi32, #tpu.memory_space<vmem>>) semaphore(%run_scoped3A_598 : memref<!tpu.dma_semaphore, #tpu.memory_space<semaphore_mem>>) {add = true}
        %dma_wait3A_609 = arith.constant 0 : i32
        %dma_wait3A_610 = arith.constant 0 : i32
        %dma_wait3A_611 = tpu.memref_slice %arg9[%run_scoped3A_438, %dma_wait3A_609, %dma_wait3A_610] : memref<6x128x32xf32, #tpu.memory_space<vmem>> -> memref<1x128x32xf32, #tpu.memory_space<vmem>>
        %dma_wait3A_612 = tpu.memref_squeeze %dma_wait3A_611 : memref<1x128x32xf32, #tpu.memory_space<vmem>> -> memref<128x32xf32, #tpu.memory_space<vmem>>
        %dma_wait3A_613 = arith.constant 0 : i32
        %dma_wait3A_614 = tpu.memref_slice %arg8[%add3A_437, %dma_wait3A_613] : memref<79x128xi32, #tpu.memory_space<vmem>> -> memref<1x128xi32, #tpu.memory_space<vmem>>
        %dma_wait3A_615 = tpu.memref_squeeze %dma_wait3A_614 : memref<1x128xi32, #tpu.memory_space<vmem>> -> memref<128xi32, #tpu.memory_space<vmem>>
        %dma_wait3A_616 = arith.constant 0 : i32
        %dma_wait3A_617 = arith.constant 0 : i32
        %dma_wait3A_618 = tpu.memref_slice %arg14[%dma_wait3A_616, %dma_wait3A_617] : memref<10240x32xf32, #tpu.memory_space<vmem_shared>> -> memref<10240x32xf32, #tpu.memory_space<vmem_shared>>
        tpu.wait_indirect_dma semaphore(%run_scoped3A_598 : memref<!tpu.dma_semaphore, #tpu.memory_space<semaphore_mem>>) src(%dma_wait3A_612 : memref<128x32xf32, #tpu.memory_space<vmem>>) dst(%dma_wait3A_618 : memref<10240x32xf32, #tpu.memory_space<vmem_shared>>)
        tpu.yield
      }) : () -> ()
      %mul3A_439 = arith.constant 6 : i32
      %mul3A_440 = arith.muli %mul3A_221, %mul3A_439 : i32
      %add3A_441 = arith.constant 0 : i32
      %add3A_442 = arith.addi %mul3A_440, %add3A_441 : i32
      "tpu.region"() ({
        %run_scoped3A_598 = tpu.sem_alloc : memref<!tpu.dma_semaphore, #tpu.memory_space<semaphore_mem>>
        %dma_start3A_599 = arith.constant 0 : i32
        %dma_start3A_600 = tpu.memref_slice %arg8[%add3A_442, %dma_start3A_599] : memref<79x128xi32, #tpu.memory_space<vmem>> -> memref<1x128xi32, #tpu.memory_space<vmem>>
        %dma_start3A_601 = tpu.memref_squeeze %dma_start3A_600 : memref<1x128xi32, #tpu.memory_space<vmem>> -> memref<128xi32, #tpu.memory_space<vmem>>
        %dma_start3A_602 = arith.constant 0 : i32
        %dma_start3A_603 = tpu.memref_slice %arg15[%dma_start3A_602] : memref<10240xf32, #tpu.memory_space<vmem_shared>> -> memref<10240xf32, #tpu.memory_space<vmem_shared>>
        tpu.enqueue_indirect_dma source(%arg11 : memref<128xf32, #tpu.memory_space<vmem>>) target(%dma_start3A_603 : memref<10240xf32, #tpu.memory_space<vmem_shared>>) offsets(%dma_start3A_601 : memref<128xi32, #tpu.memory_space<vmem>>) semaphore(%run_scoped3A_598 : memref<!tpu.dma_semaphore, #tpu.memory_space<semaphore_mem>>) {add = true}
        %dma_wait3A_604 = arith.constant 0 : i32
        %dma_wait3A_605 = tpu.memref_slice %arg8[%add3A_442, %dma_wait3A_604] : memref<79x128xi32, #tpu.memory_space<vmem>> -> memref<1x128xi32, #tpu.memory_space<vmem>>
        %dma_wait3A_606 = tpu.memref_squeeze %dma_wait3A_605 : memref<1x128xi32, #tpu.memory_space<vmem>> -> memref<128xi32, #tpu.memory_space<vmem>>
        %dma_wait3A_607 = arith.constant 0 : i32
        %dma_wait3A_608 = tpu.memref_slice %arg15[%dma_wait3A_607] : memref<10240xf32, #tpu.memory_space<vmem_shared>> -> memref<10240xf32, #tpu.memory_space<vmem_shared>>
        tpu.wait_indirect_dma semaphore(%run_scoped3A_598 : memref<!tpu.dma_semaphore, #tpu.memory_space<semaphore_mem>>) src(%arg11 : memref<128xf32, #tpu.memory_space<vmem>>) dst(%dma_wait3A_608 : memref<10240xf32, #tpu.memory_space<vmem_shared>>)
        tpu.yield
      }) : () -> ()
      %mul3A_443 = arith.constant 6 : i32
      %mul3A_444 = arith.muli %mul3A_221, %mul3A_443 : i32
      %add3A_445 = arith.constant 1 : i32
      %add3A_446 = arith.addi %mul3A_444, %add3A_445 : i32
      %run_scoped3A_447 = arith.constant 1 : i32
      "tpu.region"() ({
        %run_scoped3A_598 = tpu.sem_alloc : memref<!tpu.dma_semaphore, #tpu.memory_space<semaphore_mem>>
        %dma_start3A_599 = arith.constant 0 : i32
        %dma_start3A_600 = arith.constant 0 : i32
        %dma_start3A_601 = tpu.memref_slice %arg9[%run_scoped3A_447, %dma_start3A_599, %dma_start3A_600] : memref<6x128x32xf32, #tpu.memory_space<vmem>> -> memref<1x128x32xf32, #tpu.memory_space<vmem>>
        %dma_start3A_602 = tpu.memref_squeeze %dma_start3A_601 : memref<1x128x32xf32, #tpu.memory_space<vmem>> -> memref<128x32xf32, #tpu.memory_space<vmem>>
        %dma_start3A_603 = arith.constant 0 : i32
        %dma_start3A_604 = tpu.memref_slice %arg8[%add3A_446, %dma_start3A_603] : memref<79x128xi32, #tpu.memory_space<vmem>> -> memref<1x128xi32, #tpu.memory_space<vmem>>
        %dma_start3A_605 = tpu.memref_squeeze %dma_start3A_604 : memref<1x128xi32, #tpu.memory_space<vmem>> -> memref<128xi32, #tpu.memory_space<vmem>>
        %dma_start3A_606 = arith.constant 0 : i32
        %dma_start3A_607 = arith.constant 0 : i32
        %dma_start3A_608 = tpu.memref_slice %arg14[%dma_start3A_606, %dma_start3A_607] : memref<10240x32xf32, #tpu.memory_space<vmem_shared>> -> memref<10240x32xf32, #tpu.memory_space<vmem_shared>>
        tpu.enqueue_indirect_dma source(%dma_start3A_602 : memref<128x32xf32, #tpu.memory_space<vmem>>) target(%dma_start3A_608 : memref<10240x32xf32, #tpu.memory_space<vmem_shared>>) offsets(%dma_start3A_605 : memref<128xi32, #tpu.memory_space<vmem>>) semaphore(%run_scoped3A_598 : memref<!tpu.dma_semaphore, #tpu.memory_space<semaphore_mem>>) {add = true}
        %dma_wait3A_609 = arith.constant 0 : i32
        %dma_wait3A_610 = arith.constant 0 : i32
        %dma_wait3A_611 = tpu.memref_slice %arg9[%run_scoped3A_447, %dma_wait3A_609, %dma_wait3A_610] : memref<6x128x32xf32, #tpu.memory_space<vmem>> -> memref<1x128x32xf32, #tpu.memory_space<vmem>>
        %dma_wait3A_612 = tpu.memref_squeeze %dma_wait3A_611 : memref<1x128x32xf32, #tpu.memory_space<vmem>> -> memref<128x32xf32, #tpu.memory_space<vmem>>
        %dma_wait3A_613 = arith.constant 0 : i32
        %dma_wait3A_614 = tpu.memref_slice %arg8[%add3A_446, %dma_wait3A_613] : memref<79x128xi32, #tpu.memory_space<vmem>> -> memref<1x128xi32, #tpu.memory_space<vmem>>
        %dma_wait3A_615 = tpu.memref_squeeze %dma_wait3A_614 : memref<1x128xi32, #tpu.memory_space<vmem>> -> memref<128xi32, #tpu.memory_space<vmem>>
        %dma_wait3A_616 = arith.constant 0 : i32
        %dma_wait3A_617 = arith.constant 0 : i32
        %dma_wait3A_618 = tpu.memref_slice %arg14[%dma_wait3A_616, %dma_wait3A_617] : memref<10240x32xf32, #tpu.memory_space<vmem_shared>> -> memref<10240x32xf32, #tpu.memory_space<vmem_shared>>
        tpu.wait_indirect_dma semaphore(%run_scoped3A_598 : memref<!tpu.dma_semaphore, #tpu.memory_space<semaphore_mem>>) src(%dma_wait3A_612 : memref<128x32xf32, #tpu.memory_space<vmem>>) dst(%dma_wait3A_618 : memref<10240x32xf32, #tpu.memory_space<vmem_shared>>)
        tpu.yield
      }) : () -> ()
      %mul3A_448 = arith.constant 6 : i32
      %mul3A_449 = arith.muli %mul3A_221, %mul3A_448 : i32
      %add3A_450 = arith.constant 1 : i32
      %add3A_451 = arith.addi %mul3A_449, %add3A_450 : i32
      "tpu.region"() ({
        %run_scoped3A_598 = tpu.sem_alloc : memref<!tpu.dma_semaphore, #tpu.memory_space<semaphore_mem>>
        %dma_start3A_599 = arith.constant 0 : i32
        %dma_start3A_600 = tpu.memref_slice %arg8[%add3A_451, %dma_start3A_599] : memref<79x128xi32, #tpu.memory_space<vmem>> -> memref<1x128xi32, #tpu.memory_space<vmem>>
        %dma_start3A_601 = tpu.memref_squeeze %dma_start3A_600 : memref<1x128xi32, #tpu.memory_space<vmem>> -> memref<128xi32, #tpu.memory_space<vmem>>
        %dma_start3A_602 = arith.constant 0 : i32
        %dma_start3A_603 = tpu.memref_slice %arg15[%dma_start3A_602] : memref<10240xf32, #tpu.memory_space<vmem_shared>> -> memref<10240xf32, #tpu.memory_space<vmem_shared>>
        tpu.enqueue_indirect_dma source(%arg11 : memref<128xf32, #tpu.memory_space<vmem>>) target(%dma_start3A_603 : memref<10240xf32, #tpu.memory_space<vmem_shared>>) offsets(%dma_start3A_601 : memref<128xi32, #tpu.memory_space<vmem>>) semaphore(%run_scoped3A_598 : memref<!tpu.dma_semaphore, #tpu.memory_space<semaphore_mem>>) {add = true}
        %dma_wait3A_604 = arith.constant 0 : i32
        %dma_wait3A_605 = tpu.memref_slice %arg8[%add3A_451, %dma_wait3A_604] : memref<79x128xi32, #tpu.memory_space<vmem>> -> memref<1x128xi32, #tpu.memory_space<vmem>>
        %dma_wait3A_606 = tpu.memref_squeeze %dma_wait3A_605 : memref<1x128xi32, #tpu.memory_space<vmem>> -> memref<128xi32, #tpu.memory_space<vmem>>
        %dma_wait3A_607 = arith.constant 0 : i32
        %dma_wait3A_608 = tpu.memref_slice %arg15[%dma_wait3A_607] : memref<10240xf32, #tpu.memory_space<vmem_shared>> -> memref<10240xf32, #tpu.memory_space<vmem_shared>>
        tpu.wait_indirect_dma semaphore(%run_scoped3A_598 : memref<!tpu.dma_semaphore, #tpu.memory_space<semaphore_mem>>) src(%arg11 : memref<128xf32, #tpu.memory_space<vmem>>) dst(%dma_wait3A_608 : memref<10240xf32, #tpu.memory_space<vmem_shared>>)
        tpu.yield
      }) : () -> ()
      %mul3A_452 = arith.constant 6 : i32
      %mul3A_453 = arith.muli %mul3A_221, %mul3A_452 : i32
      %add3A_454 = arith.constant 2 : i32
      %add3A_455 = arith.addi %mul3A_453, %add3A_454 : i32
      %run_scoped3A_456 = arith.constant 2 : i32
      "tpu.region"() ({
        %run_scoped3A_598 = tpu.sem_alloc : memref<!tpu.dma_semaphore, #tpu.memory_space<semaphore_mem>>
        %dma_start3A_599 = arith.constant 0 : i32
        %dma_start3A_600 = arith.constant 0 : i32
        %dma_start3A_601 = tpu.memref_slice %arg9[%run_scoped3A_456, %dma_start3A_599, %dma_start3A_600] : memref<6x128x32xf32, #tpu.memory_space<vmem>> -> memref<1x128x32xf32, #tpu.memory_space<vmem>>
        %dma_start3A_602 = tpu.memref_squeeze %dma_start3A_601 : memref<1x128x32xf32, #tpu.memory_space<vmem>> -> memref<128x32xf32, #tpu.memory_space<vmem>>
        %dma_start3A_603 = arith.constant 0 : i32
        %dma_start3A_604 = tpu.memref_slice %arg8[%add3A_455, %dma_start3A_603] : memref<79x128xi32, #tpu.memory_space<vmem>> -> memref<1x128xi32, #tpu.memory_space<vmem>>
        %dma_start3A_605 = tpu.memref_squeeze %dma_start3A_604 : memref<1x128xi32, #tpu.memory_space<vmem>> -> memref<128xi32, #tpu.memory_space<vmem>>
        %dma_start3A_606 = arith.constant 0 : i32
        %dma_start3A_607 = arith.constant 0 : i32
        %dma_start3A_608 = tpu.memref_slice %arg14[%dma_start3A_606, %dma_start3A_607] : memref<10240x32xf32, #tpu.memory_space<vmem_shared>> -> memref<10240x32xf32, #tpu.memory_space<vmem_shared>>
        tpu.enqueue_indirect_dma source(%dma_start3A_602 : memref<128x32xf32, #tpu.memory_space<vmem>>) target(%dma_start3A_608 : memref<10240x32xf32, #tpu.memory_space<vmem_shared>>) offsets(%dma_start3A_605 : memref<128xi32, #tpu.memory_space<vmem>>) semaphore(%run_scoped3A_598 : memref<!tpu.dma_semaphore, #tpu.memory_space<semaphore_mem>>) {add = true}
        %dma_wait3A_609 = arith.constant 0 : i32
        %dma_wait3A_610 = arith.constant 0 : i32
        %dma_wait3A_611 = tpu.memref_slice %arg9[%run_scoped3A_456, %dma_wait3A_609, %dma_wait3A_610] : memref<6x128x32xf32, #tpu.memory_space<vmem>> -> memref<1x128x32xf32, #tpu.memory_space<vmem>>
        %dma_wait3A_612 = tpu.memref_squeeze %dma_wait3A_611 : memref<1x128x32xf32, #tpu.memory_space<vmem>> -> memref<128x32xf32, #tpu.memory_space<vmem>>
        %dma_wait3A_613 = arith.constant 0 : i32
        %dma_wait3A_614 = tpu.memref_slice %arg8[%add3A_455, %dma_wait3A_613] : memref<79x128xi32, #tpu.memory_space<vmem>> -> memref<1x128xi32, #tpu.memory_space<vmem>>
        %dma_wait3A_615 = tpu.memref_squeeze %dma_wait3A_614 : memref<1x128xi32, #tpu.memory_space<vmem>> -> memref<128xi32, #tpu.memory_space<vmem>>
        %dma_wait3A_616 = arith.constant 0 : i32
        %dma_wait3A_617 = arith.constant 0 : i32
        %dma_wait3A_618 = tpu.memref_slice %arg14[%dma_wait3A_616, %dma_wait3A_617] : memref<10240x32xf32, #tpu.memory_space<vmem_shared>> -> memref<10240x32xf32, #tpu.memory_space<vmem_shared>>
        tpu.wait_indirect_dma semaphore(%run_scoped3A_598 : memref<!tpu.dma_semaphore, #tpu.memory_space<semaphore_mem>>) src(%dma_wait3A_612 : memref<128x32xf32, #tpu.memory_space<vmem>>) dst(%dma_wait3A_618 : memref<10240x32xf32, #tpu.memory_space<vmem_shared>>)
        tpu.yield
      }) : () -> ()
      %mul3A_457 = arith.constant 6 : i32
      %mul3A_458 = arith.muli %mul3A_221, %mul3A_457 : i32
      %add3A_459 = arith.constant 2 : i32
      %add3A_460 = arith.addi %mul3A_458, %add3A_459 : i32
      "tpu.region"() ({
        %run_scoped3A_598 = tpu.sem_alloc : memref<!tpu.dma_semaphore, #tpu.memory_space<semaphore_mem>>
        %dma_start3A_599 = arith.constant 0 : i32
        %dma_start3A_600 = tpu.memref_slice %arg8[%add3A_460, %dma_start3A_599] : memref<79x128xi32, #tpu.memory_space<vmem>> -> memref<1x128xi32, #tpu.memory_space<vmem>>
        %dma_start3A_601 = tpu.memref_squeeze %dma_start3A_600 : memref<1x128xi32, #tpu.memory_space<vmem>> -> memref<128xi32, #tpu.memory_space<vmem>>
        %dma_start3A_602 = arith.constant 0 : i32
        %dma_start3A_603 = tpu.memref_slice %arg15[%dma_start3A_602] : memref<10240xf32, #tpu.memory_space<vmem_shared>> -> memref<10240xf32, #tpu.memory_space<vmem_shared>>
        tpu.enqueue_indirect_dma source(%arg11 : memref<128xf32, #tpu.memory_space<vmem>>) target(%dma_start3A_603 : memref<10240xf32, #tpu.memory_space<vmem_shared>>) offsets(%dma_start3A_601 : memref<128xi32, #tpu.memory_space<vmem>>) semaphore(%run_scoped3A_598 : memref<!tpu.dma_semaphore, #tpu.memory_space<semaphore_mem>>) {add = true}
        %dma_wait3A_604 = arith.constant 0 : i32
        %dma_wait3A_605 = tpu.memref_slice %arg8[%add3A_460, %dma_wait3A_604] : memref<79x128xi32, #tpu.memory_space<vmem>> -> memref<1x128xi32, #tpu.memory_space<vmem>>
        %dma_wait3A_606 = tpu.memref_squeeze %dma_wait3A_605 : memref<1x128xi32, #tpu.memory_space<vmem>> -> memref<128xi32, #tpu.memory_space<vmem>>
        %dma_wait3A_607 = arith.constant 0 : i32
        %dma_wait3A_608 = tpu.memref_slice %arg15[%dma_wait3A_607] : memref<10240xf32, #tpu.memory_space<vmem_shared>> -> memref<10240xf32, #tpu.memory_space<vmem_shared>>
        tpu.wait_indirect_dma semaphore(%run_scoped3A_598 : memref<!tpu.dma_semaphore, #tpu.memory_space<semaphore_mem>>) src(%arg11 : memref<128xf32, #tpu.memory_space<vmem>>) dst(%dma_wait3A_608 : memref<10240xf32, #tpu.memory_space<vmem_shared>>)
        tpu.yield
      }) : () -> ()
      %mul3A_461 = arith.constant 6 : i32
      %mul3A_462 = arith.muli %mul3A_221, %mul3A_461 : i32
      %add3A_463 = arith.constant 3 : i32
      %add3A_464 = arith.addi %mul3A_462, %add3A_463 : i32
      %run_scoped3A_465 = arith.constant 3 : i32
      "tpu.region"() ({
        %run_scoped3A_598 = tpu.sem_alloc : memref<!tpu.dma_semaphore, #tpu.memory_space<semaphore_mem>>
        %dma_start3A_599 = arith.constant 0 : i32
        %dma_start3A_600 = arith.constant 0 : i32
        %dma_start3A_601 = tpu.memref_slice %arg9[%run_scoped3A_465, %dma_start3A_599, %dma_start3A_600] : memref<6x128x32xf32, #tpu.memory_space<vmem>> -> memref<1x128x32xf32, #tpu.memory_space<vmem>>
        %dma_start3A_602 = tpu.memref_squeeze %dma_start3A_601 : memref<1x128x32xf32, #tpu.memory_space<vmem>> -> memref<128x32xf32, #tpu.memory_space<vmem>>
        %dma_start3A_603 = arith.constant 0 : i32
        %dma_start3A_604 = tpu.memref_slice %arg8[%add3A_464, %dma_start3A_603] : memref<79x128xi32, #tpu.memory_space<vmem>> -> memref<1x128xi32, #tpu.memory_space<vmem>>
        %dma_start3A_605 = tpu.memref_squeeze %dma_start3A_604 : memref<1x128xi32, #tpu.memory_space<vmem>> -> memref<128xi32, #tpu.memory_space<vmem>>
        %dma_start3A_606 = arith.constant 0 : i32
        %dma_start3A_607 = arith.constant 0 : i32
        %dma_start3A_608 = tpu.memref_slice %arg14[%dma_start3A_606, %dma_start3A_607] : memref<10240x32xf32, #tpu.memory_space<vmem_shared>> -> memref<10240x32xf32, #tpu.memory_space<vmem_shared>>
        tpu.enqueue_indirect_dma source(%dma_start3A_602 : memref<128x32xf32, #tpu.memory_space<vmem>>) target(%dma_start3A_608 : memref<10240x32xf32, #tpu.memory_space<vmem_shared>>) offsets(%dma_start3A_605 : memref<128xi32, #tpu.memory_space<vmem>>) semaphore(%run_scoped3A_598 : memref<!tpu.dma_semaphore, #tpu.memory_space<semaphore_mem>>) {add = true}
        %dma_wait3A_609 = arith.constant 0 : i32
        %dma_wait3A_610 = arith.constant 0 : i32
        %dma_wait3A_611 = tpu.memref_slice %arg9[%run_scoped3A_465, %dma_wait3A_609, %dma_wait3A_610] : memref<6x128x32xf32, #tpu.memory_space<vmem>> -> memref<1x128x32xf32, #tpu.memory_space<vmem>>
        %dma_wait3A_612 = tpu.memref_squeeze %dma_wait3A_611 : memref<1x128x32xf32, #tpu.memory_space<vmem>> -> memref<128x32xf32, #tpu.memory_space<vmem>>
        %dma_wait3A_613 = arith.constant 0 : i32
        %dma_wait3A_614 = tpu.memref_slice %arg8[%add3A_464, %dma_wait3A_613] : memref<79x128xi32, #tpu.memory_space<vmem>> -> memref<1x128xi32, #tpu.memory_space<vmem>>
        %dma_wait3A_615 = tpu.memref_squeeze %dma_wait3A_614 : memref<1x128xi32, #tpu.memory_space<vmem>> -> memref<128xi32, #tpu.memory_space<vmem>>
        %dma_wait3A_616 = arith.constant 0 : i32
        %dma_wait3A_617 = arith.constant 0 : i32
        %dma_wait3A_618 = tpu.memref_slice %arg14[%dma_wait3A_616, %dma_wait3A_617] : memref<10240x32xf32, #tpu.memory_space<vmem_shared>> -> memref<10240x32xf32, #tpu.memory_space<vmem_shared>>
        tpu.wait_indirect_dma semaphore(%run_scoped3A_598 : memref<!tpu.dma_semaphore, #tpu.memory_space<semaphore_mem>>) src(%dma_wait3A_612 : memref<128x32xf32, #tpu.memory_space<vmem>>) dst(%dma_wait3A_618 : memref<10240x32xf32, #tpu.memory_space<vmem_shared>>)
        tpu.yield
      }) : () -> ()
      %mul3A_466 = arith.constant 6 : i32
      %mul3A_467 = arith.muli %mul3A_221, %mul3A_466 : i32
      %add3A_468 = arith.constant 3 : i32
      %add3A_469 = arith.addi %mul3A_467, %add3A_468 : i32
      "tpu.region"() ({
        %run_scoped3A_598 = tpu.sem_alloc : memref<!tpu.dma_semaphore, #tpu.memory_space<semaphore_mem>>
        %dma_start3A_599 = arith.constant 0 : i32
        %dma_start3A_600 = tpu.memref_slice %arg8[%add3A_469, %dma_start3A_599] : memref<79x128xi32, #tpu.memory_space<vmem>> -> memref<1x128xi32, #tpu.memory_space<vmem>>
        %dma_start3A_601 = tpu.memref_squeeze %dma_start3A_600 : memref<1x128xi32, #tpu.memory_space<vmem>> -> memref<128xi32, #tpu.memory_space<vmem>>
        %dma_start3A_602 = arith.constant 0 : i32
        %dma_start3A_603 = tpu.memref_slice %arg15[%dma_start3A_602] : memref<10240xf32, #tpu.memory_space<vmem_shared>> -> memref<10240xf32, #tpu.memory_space<vmem_shared>>
        tpu.enqueue_indirect_dma source(%arg11 : memref<128xf32, #tpu.memory_space<vmem>>) target(%dma_start3A_603 : memref<10240xf32, #tpu.memory_space<vmem_shared>>) offsets(%dma_start3A_601 : memref<128xi32, #tpu.memory_space<vmem>>) semaphore(%run_scoped3A_598 : memref<!tpu.dma_semaphore, #tpu.memory_space<semaphore_mem>>) {add = true}
        %dma_wait3A_604 = arith.constant 0 : i32
        %dma_wait3A_605 = tpu.memref_slice %arg8[%add3A_469, %dma_wait3A_604] : memref<79x128xi32, #tpu.memory_space<vmem>> -> memref<1x128xi32, #tpu.memory_space<vmem>>
        %dma_wait3A_606 = tpu.memref_squeeze %dma_wait3A_605 : memref<1x128xi32, #tpu.memory_space<vmem>> -> memref<128xi32, #tpu.memory_space<vmem>>
        %dma_wait3A_607 = arith.constant 0 : i32
        %dma_wait3A_608 = tpu.memref_slice %arg15[%dma_wait3A_607] : memref<10240xf32, #tpu.memory_space<vmem_shared>> -> memref<10240xf32, #tpu.memory_space<vmem_shared>>
        tpu.wait_indirect_dma semaphore(%run_scoped3A_598 : memref<!tpu.dma_semaphore, #tpu.memory_space<semaphore_mem>>) src(%arg11 : memref<128xf32, #tpu.memory_space<vmem>>) dst(%dma_wait3A_608 : memref<10240xf32, #tpu.memory_space<vmem_shared>>)
        tpu.yield
      }) : () -> ()
      %mul3A_470 = arith.constant 6 : i32
      %mul3A_471 = arith.muli %mul3A_221, %mul3A_470 : i32
      %add3A_472 = arith.constant 4 : i32
      %add3A_473 = arith.addi %mul3A_471, %add3A_472 : i32
      %run_scoped3A_474 = arith.constant 4 : i32
      "tpu.region"() ({
        %run_scoped3A_598 = tpu.sem_alloc : memref<!tpu.dma_semaphore, #tpu.memory_space<semaphore_mem>>
        %dma_start3A_599 = arith.constant 0 : i32
        %dma_start3A_600 = arith.constant 0 : i32
        %dma_start3A_601 = tpu.memref_slice %arg9[%run_scoped3A_474, %dma_start3A_599, %dma_start3A_600] : memref<6x128x32xf32, #tpu.memory_space<vmem>> -> memref<1x128x32xf32, #tpu.memory_space<vmem>>
        %dma_start3A_602 = tpu.memref_squeeze %dma_start3A_601 : memref<1x128x32xf32, #tpu.memory_space<vmem>> -> memref<128x32xf32, #tpu.memory_space<vmem>>
        %dma_start3A_603 = arith.constant 0 : i32
        %dma_start3A_604 = tpu.memref_slice %arg8[%add3A_473, %dma_start3A_603] : memref<79x128xi32, #tpu.memory_space<vmem>> -> memref<1x128xi32, #tpu.memory_space<vmem>>
        %dma_start3A_605 = tpu.memref_squeeze %dma_start3A_604 : memref<1x128xi32, #tpu.memory_space<vmem>> -> memref<128xi32, #tpu.memory_space<vmem>>
        %dma_start3A_606 = arith.constant 0 : i32
        %dma_start3A_607 = arith.constant 0 : i32
        %dma_start3A_608 = tpu.memref_slice %arg14[%dma_start3A_606, %dma_start3A_607] : memref<10240x32xf32, #tpu.memory_space<vmem_shared>> -> memref<10240x32xf32, #tpu.memory_space<vmem_shared>>
        tpu.enqueue_indirect_dma source(%dma_start3A_602 : memref<128x32xf32, #tpu.memory_space<vmem>>) target(%dma_start3A_608 : memref<10240x32xf32, #tpu.memory_space<vmem_shared>>) offsets(%dma_start3A_605 : memref<128xi32, #tpu.memory_space<vmem>>) semaphore(%run_scoped3A_598 : memref<!tpu.dma_semaphore, #tpu.memory_space<semaphore_mem>>) {add = true}
        %dma_wait3A_609 = arith.constant 0 : i32
        %dma_wait3A_610 = arith.constant 0 : i32
        %dma_wait3A_611 = tpu.memref_slice %arg9[%run_scoped3A_474, %dma_wait3A_609, %dma_wait3A_610] : memref<6x128x32xf32, #tpu.memory_space<vmem>> -> memref<1x128x32xf32, #tpu.memory_space<vmem>>
        %dma_wait3A_612 = tpu.memref_squeeze %dma_wait3A_611 : memref<1x128x32xf32, #tpu.memory_space<vmem>> -> memref<128x32xf32, #tpu.memory_space<vmem>>
        %dma_wait3A_613 = arith.constant 0 : i32
        %dma_wait3A_614 = tpu.memref_slice %arg8[%add3A_473, %dma_wait3A_613] : memref<79x128xi32, #tpu.memory_space<vmem>> -> memref<1x128xi32, #tpu.memory_space<vmem>>
        %dma_wait3A_615 = tpu.memref_squeeze %dma_wait3A_614 : memref<1x128xi32, #tpu.memory_space<vmem>> -> memref<128xi32, #tpu.memory_space<vmem>>
        %dma_wait3A_616 = arith.constant 0 : i32
        %dma_wait3A_617 = arith.constant 0 : i32
        %dma_wait3A_618 = tpu.memref_slice %arg14[%dma_wait3A_616, %dma_wait3A_617] : memref<10240x32xf32, #tpu.memory_space<vmem_shared>> -> memref<10240x32xf32, #tpu.memory_space<vmem_shared>>
        tpu.wait_indirect_dma semaphore(%run_scoped3A_598 : memref<!tpu.dma_semaphore, #tpu.memory_space<semaphore_mem>>) src(%dma_wait3A_612 : memref<128x32xf32, #tpu.memory_space<vmem>>) dst(%dma_wait3A_618 : memref<10240x32xf32, #tpu.memory_space<vmem_shared>>)
        tpu.yield
      }) : () -> ()
      %mul3A_475 = arith.constant 6 : i32
      %mul3A_476 = arith.muli %mul3A_221, %mul3A_475 : i32
      %add3A_477 = arith.constant 4 : i32
      %add3A_478 = arith.addi %mul3A_476, %add3A_477 : i32
      "tpu.region"() ({
        %run_scoped3A_598 = tpu.sem_alloc : memref<!tpu.dma_semaphore, #tpu.memory_space<semaphore_mem>>
        %dma_start3A_599 = arith.constant 0 : i32
        %dma_start3A_600 = tpu.memref_slice %arg8[%add3A_478, %dma_start3A_599] : memref<79x128xi32, #tpu.memory_space<vmem>> -> memref<1x128xi32, #tpu.memory_space<vmem>>
        %dma_start3A_601 = tpu.memref_squeeze %dma_start3A_600 : memref<1x128xi32, #tpu.memory_space<vmem>> -> memref<128xi32, #tpu.memory_space<vmem>>
        %dma_start3A_602 = arith.constant 0 : i32
        %dma_start3A_603 = tpu.memref_slice %arg15[%dma_start3A_602] : memref<10240xf32, #tpu.memory_space<vmem_shared>> -> memref<10240xf32, #tpu.memory_space<vmem_shared>>
        tpu.enqueue_indirect_dma source(%arg11 : memref<128xf32, #tpu.memory_space<vmem>>) target(%dma_start3A_603 : memref<10240xf32, #tpu.memory_space<vmem_shared>>) offsets(%dma_start3A_601 : memref<128xi32, #tpu.memory_space<vmem>>) semaphore(%run_scoped3A_598 : memref<!tpu.dma_semaphore, #tpu.memory_space<semaphore_mem>>) {add = true}
        %dma_wait3A_604 = arith.constant 0 : i32
        %dma_wait3A_605 = tpu.memref_slice %arg8[%add3A_478, %dma_wait3A_604] : memref<79x128xi32, #tpu.memory_space<vmem>> -> memref<1x128xi32, #tpu.memory_space<vmem>>
        %dma_wait3A_606 = tpu.memref_squeeze %dma_wait3A_605 : memref<1x128xi32, #tpu.memory_space<vmem>> -> memref<128xi32, #tpu.memory_space<vmem>>
        %dma_wait3A_607 = arith.constant 0 : i32
        %dma_wait3A_608 = tpu.memref_slice %arg15[%dma_wait3A_607] : memref<10240xf32, #tpu.memory_space<vmem_shared>> -> memref<10240xf32, #tpu.memory_space<vmem_shared>>
        tpu.wait_indirect_dma semaphore(%run_scoped3A_598 : memref<!tpu.dma_semaphore, #tpu.memory_space<semaphore_mem>>) src(%arg11 : memref<128xf32, #tpu.memory_space<vmem>>) dst(%dma_wait3A_608 : memref<10240xf32, #tpu.memory_space<vmem_shared>>)
        tpu.yield
      }) : () -> ()
      %mul3A_479 = arith.constant 6 : i32
      %mul3A_480 = arith.muli %mul3A_221, %mul3A_479 : i32
      %add3A_481 = arith.constant 5 : i32
      %add3A_482 = arith.addi %mul3A_480, %add3A_481 : i32
      %run_scoped3A_483 = arith.constant 5 : i32
      "tpu.region"() ({
        %run_scoped3A_598 = tpu.sem_alloc : memref<!tpu.dma_semaphore, #tpu.memory_space<semaphore_mem>>
        %dma_start3A_599 = arith.constant 0 : i32
        %dma_start3A_600 = arith.constant 0 : i32
        %dma_start3A_601 = tpu.memref_slice %arg9[%run_scoped3A_483, %dma_start3A_599, %dma_start3A_600] : memref<6x128x32xf32, #tpu.memory_space<vmem>> -> memref<1x128x32xf32, #tpu.memory_space<vmem>>
        %dma_start3A_602 = tpu.memref_squeeze %dma_start3A_601 : memref<1x128x32xf32, #tpu.memory_space<vmem>> -> memref<128x32xf32, #tpu.memory_space<vmem>>
        %dma_start3A_603 = arith.constant 0 : i32
        %dma_start3A_604 = tpu.memref_slice %arg8[%add3A_482, %dma_start3A_603] : memref<79x128xi32, #tpu.memory_space<vmem>> -> memref<1x128xi32, #tpu.memory_space<vmem>>
        %dma_start3A_605 = tpu.memref_squeeze %dma_start3A_604 : memref<1x128xi32, #tpu.memory_space<vmem>> -> memref<128xi32, #tpu.memory_space<vmem>>
        %dma_start3A_606 = arith.constant 0 : i32
        %dma_start3A_607 = arith.constant 0 : i32
        %dma_start3A_608 = tpu.memref_slice %arg14[%dma_start3A_606, %dma_start3A_607] : memref<10240x32xf32, #tpu.memory_space<vmem_shared>> -> memref<10240x32xf32, #tpu.memory_space<vmem_shared>>
        tpu.enqueue_indirect_dma source(%dma_start3A_602 : memref<128x32xf32, #tpu.memory_space<vmem>>) target(%dma_start3A_608 : memref<10240x32xf32, #tpu.memory_space<vmem_shared>>) offsets(%dma_start3A_605 : memref<128xi32, #tpu.memory_space<vmem>>) semaphore(%run_scoped3A_598 : memref<!tpu.dma_semaphore, #tpu.memory_space<semaphore_mem>>) {add = true}
        %dma_wait3A_609 = arith.constant 0 : i32
        %dma_wait3A_610 = arith.constant 0 : i32
        %dma_wait3A_611 = tpu.memref_slice %arg9[%run_scoped3A_483, %dma_wait3A_609, %dma_wait3A_610] : memref<6x128x32xf32, #tpu.memory_space<vmem>> -> memref<1x128x32xf32, #tpu.memory_space<vmem>>
        %dma_wait3A_612 = tpu.memref_squeeze %dma_wait3A_611 : memref<1x128x32xf32, #tpu.memory_space<vmem>> -> memref<128x32xf32, #tpu.memory_space<vmem>>
        %dma_wait3A_613 = arith.constant 0 : i32
        %dma_wait3A_614 = tpu.memref_slice %arg8[%add3A_482, %dma_wait3A_613] : memref<79x128xi32, #tpu.memory_space<vmem>> -> memref<1x128xi32, #tpu.memory_space<vmem>>
        %dma_wait3A_615 = tpu.memref_squeeze %dma_wait3A_614 : memref<1x128xi32, #tpu.memory_space<vmem>> -> memref<128xi32, #tpu.memory_space<vmem>>
        %dma_wait3A_616 = arith.constant 0 : i32
        %dma_wait3A_617 = arith.constant 0 : i32
        %dma_wait3A_618 = tpu.memref_slice %arg14[%dma_wait3A_616, %dma_wait3A_617] : memref<10240x32xf32, #tpu.memory_space<vmem_shared>> -> memref<10240x32xf32, #tpu.memory_space<vmem_shared>>
        tpu.wait_indirect_dma semaphore(%run_scoped3A_598 : memref<!tpu.dma_semaphore, #tpu.memory_space<semaphore_mem>>) src(%dma_wait3A_612 : memref<128x32xf32, #tpu.memory_space<vmem>>) dst(%dma_wait3A_618 : memref<10240x32xf32, #tpu.memory_space<vmem_shared>>)
        tpu.yield
      }) : () -> ()
      %mul3A_484 = arith.constant 6 : i32
      %mul3A_485 = arith.muli %mul3A_221, %mul3A_484 : i32
      %add3A_486 = arith.constant 5 : i32
      %add3A_487 = arith.addi %mul3A_485, %add3A_486 : i32
      "tpu.region"() ({
        %run_scoped3A_598 = tpu.sem_alloc : memref<!tpu.dma_semaphore, #tpu.memory_space<semaphore_mem>>
        %dma_start3A_599 = arith.constant 0 : i32
        %dma_start3A_600 = tpu.memref_slice %arg8[%add3A_487, %dma_start3A_599] : memref<79x128xi32, #tpu.memory_space<vmem>> -> memref<1x128xi32, #tpu.memory_space<vmem>>
        %dma_start3A_601 = tpu.memref_squeeze %dma_start3A_600 : memref<1x128xi32, #tpu.memory_space<vmem>> -> memref<128xi32, #tpu.memory_space<vmem>>
        %dma_start3A_602 = arith.constant 0 : i32
        %dma_start3A_603 = tpu.memref_slice %arg15[%dma_start3A_602] : memref<10240xf32, #tpu.memory_space<vmem_shared>> -> memref<10240xf32, #tpu.memory_space<vmem_shared>>
        tpu.enqueue_indirect_dma source(%arg11 : memref<128xf32, #tpu.memory_space<vmem>>) target(%dma_start3A_603 : memref<10240xf32, #tpu.memory_space<vmem_shared>>) offsets(%dma_start3A_601 : memref<128xi32, #tpu.memory_space<vmem>>) semaphore(%run_scoped3A_598 : memref<!tpu.dma_semaphore, #tpu.memory_space<semaphore_mem>>) {add = true}
        %dma_wait3A_604 = arith.constant 0 : i32
        %dma_wait3A_605 = tpu.memref_slice %arg8[%add3A_487, %dma_wait3A_604] : memref<79x128xi32, #tpu.memory_space<vmem>> -> memref<1x128xi32, #tpu.memory_space<vmem>>
        %dma_wait3A_606 = tpu.memref_squeeze %dma_wait3A_605 : memref<1x128xi32, #tpu.memory_space<vmem>> -> memref<128xi32, #tpu.memory_space<vmem>>
        %dma_wait3A_607 = arith.constant 0 : i32
        %dma_wait3A_608 = tpu.memref_slice %arg15[%dma_wait3A_607] : memref<10240xf32, #tpu.memory_space<vmem_shared>> -> memref<10240xf32, #tpu.memory_space<vmem_shared>>
        tpu.wait_indirect_dma semaphore(%run_scoped3A_598 : memref<!tpu.dma_semaphore, #tpu.memory_space<semaphore_mem>>) src(%arg11 : memref<128xf32, #tpu.memory_space<vmem>>) dst(%dma_wait3A_608 : memref<10240xf32, #tpu.memory_space<vmem_shared>>)
        tpu.yield
      }) : () -> ()
      %dma_wait3A_488 = arith.constant 0 : i32
      %dma_wait3A_489 = arith.constant 0 : i32
      %dma_wait3A_490 = arith.constant 0 : i32
      %dma_wait3A_491 = tpu.memref_slice %arg10[%dma_wait3A_488, %dma_wait3A_489, %dma_wait3A_490] : memref<6x128x32xf32, #tpu.memory_space<vmem>> -> memref<1x128x32xf32, #tpu.memory_space<vmem>>
      %dma_wait3A_492 = tpu.memref_squeeze %dma_wait3A_491 : memref<1x128x32xf32, #tpu.memory_space<vmem>> -> memref<128x32xf32, #tpu.memory_space<vmem>>
      %dma_wait3A_493 = tpu.memref_slice %arg6[%add3A_305] : memref<10112xi32, #tpu.memory_space<vmem>> -> memref<128xi32, #tpu.memory_space<vmem>>
      %dma_wait3A_494 = arith.constant 0 : i32
      %dma_wait3A_495 = arith.constant 0 : i32
      %dma_wait3A_496 = tpu.memref_slice %arg3[%dma_wait3A_494, %dma_wait3A_495] : memref<10000x32xf32, #tpu.memory_space<hbm>> -> memref<10000x32xf32, #tpu.memory_space<hbm>>
      tpu.wait_indirect_dma semaphore(%arg17 : memref<!tpu.dma_semaphore, #tpu.memory_space<semaphore_mem>>) src(%dma_wait3A_496 : memref<10000x32xf32, #tpu.memory_space<hbm>>) dst(%dma_wait3A_492 : memref<128x32xf32, #tpu.memory_space<vmem>>)
      %dma_wait3A_497 = arith.constant 1 : i32
      %dma_wait3A_498 = arith.constant 0 : i32
      %dma_wait3A_499 = arith.constant 0 : i32
      %dma_wait3A_500 = tpu.memref_slice %arg10[%dma_wait3A_497, %dma_wait3A_498, %dma_wait3A_499] : memref<6x128x32xf32, #tpu.memory_space<vmem>> -> memref<1x128x32xf32, #tpu.memory_space<vmem>>
      %dma_wait3A_501 = tpu.memref_squeeze %dma_wait3A_500 : memref<1x128x32xf32, #tpu.memory_space<vmem>> -> memref<128x32xf32, #tpu.memory_space<vmem>>
      %dma_wait3A_502 = tpu.memref_slice %arg6[%add3A_318] : memref<10112xi32, #tpu.memory_space<vmem>> -> memref<128xi32, #tpu.memory_space<vmem>>
      %dma_wait3A_503 = arith.constant 0 : i32
      %dma_wait3A_504 = arith.constant 0 : i32
      %dma_wait3A_505 = tpu.memref_slice %arg3[%dma_wait3A_503, %dma_wait3A_504] : memref<10000x32xf32, #tpu.memory_space<hbm>> -> memref<10000x32xf32, #tpu.memory_space<hbm>>
      tpu.wait_indirect_dma semaphore(%arg17 : memref<!tpu.dma_semaphore, #tpu.memory_space<semaphore_mem>>) src(%dma_wait3A_505 : memref<10000x32xf32, #tpu.memory_space<hbm>>) dst(%dma_wait3A_501 : memref<128x32xf32, #tpu.memory_space<vmem>>)
      %dma_wait3A_506 = arith.constant 2 : i32
      %dma_wait3A_507 = arith.constant 0 : i32
      %dma_wait3A_508 = arith.constant 0 : i32
      %dma_wait3A_509 = tpu.memref_slice %arg10[%dma_wait3A_506, %dma_wait3A_507, %dma_wait3A_508] : memref<6x128x32xf32, #tpu.memory_space<vmem>> -> memref<1x128x32xf32, #tpu.memory_space<vmem>>
      %dma_wait3A_510 = tpu.memref_squeeze %dma_wait3A_509 : memref<1x128x32xf32, #tpu.memory_space<vmem>> -> memref<128x32xf32, #tpu.memory_space<vmem>>
      %dma_wait3A_511 = tpu.memref_slice %arg6[%add3A_331] : memref<10112xi32, #tpu.memory_space<vmem>> -> memref<128xi32, #tpu.memory_space<vmem>>
      %dma_wait3A_512 = arith.constant 0 : i32
      %dma_wait3A_513 = arith.constant 0 : i32
      %dma_wait3A_514 = tpu.memref_slice %arg3[%dma_wait3A_512, %dma_wait3A_513] : memref<10000x32xf32, #tpu.memory_space<hbm>> -> memref<10000x32xf32, #tpu.memory_space<hbm>>
      tpu.wait_indirect_dma semaphore(%arg17 : memref<!tpu.dma_semaphore, #tpu.memory_space<semaphore_mem>>) src(%dma_wait3A_514 : memref<10000x32xf32, #tpu.memory_space<hbm>>) dst(%dma_wait3A_510 : memref<128x32xf32, #tpu.memory_space<vmem>>)
      %dma_wait3A_515 = arith.constant 3 : i32
      %dma_wait3A_516 = arith.constant 0 : i32
      %dma_wait3A_517 = arith.constant 0 : i32
      %dma_wait3A_518 = tpu.memref_slice %arg10[%dma_wait3A_515, %dma_wait3A_516, %dma_wait3A_517] : memref<6x128x32xf32, #tpu.memory_space<vmem>> -> memref<1x128x32xf32, #tpu.memory_space<vmem>>
      %dma_wait3A_519 = tpu.memref_squeeze %dma_wait3A_518 : memref<1x128x32xf32, #tpu.memory_space<vmem>> -> memref<128x32xf32, #tpu.memory_space<vmem>>
      %dma_wait3A_520 = tpu.memref_slice %arg6[%add3A_344] : memref<10112xi32, #tpu.memory_space<vmem>> -> memref<128xi32, #tpu.memory_space<vmem>>
      %dma_wait3A_521 = arith.constant 0 : i32
      %dma_wait3A_522 = arith.constant 0 : i32
      %dma_wait3A_523 = tpu.memref_slice %arg3[%dma_wait3A_521, %dma_wait3A_522] : memref<10000x32xf32, #tpu.memory_space<hbm>> -> memref<10000x32xf32, #tpu.memory_space<hbm>>
      tpu.wait_indirect_dma semaphore(%arg17 : memref<!tpu.dma_semaphore, #tpu.memory_space<semaphore_mem>>) src(%dma_wait3A_523 : memref<10000x32xf32, #tpu.memory_space<hbm>>) dst(%dma_wait3A_519 : memref<128x32xf32, #tpu.memory_space<vmem>>)
      %dma_wait3A_524 = arith.constant 4 : i32
      %dma_wait3A_525 = arith.constant 0 : i32
      %dma_wait3A_526 = arith.constant 0 : i32
      %dma_wait3A_527 = tpu.memref_slice %arg10[%dma_wait3A_524, %dma_wait3A_525, %dma_wait3A_526] : memref<6x128x32xf32, #tpu.memory_space<vmem>> -> memref<1x128x32xf32, #tpu.memory_space<vmem>>
      %dma_wait3A_528 = tpu.memref_squeeze %dma_wait3A_527 : memref<1x128x32xf32, #tpu.memory_space<vmem>> -> memref<128x32xf32, #tpu.memory_space<vmem>>
      %dma_wait3A_529 = tpu.memref_slice %arg6[%add3A_357] : memref<10112xi32, #tpu.memory_space<vmem>> -> memref<128xi32, #tpu.memory_space<vmem>>
      %dma_wait3A_530 = arith.constant 0 : i32
      %dma_wait3A_531 = arith.constant 0 : i32
      %dma_wait3A_532 = tpu.memref_slice %arg3[%dma_wait3A_530, %dma_wait3A_531] : memref<10000x32xf32, #tpu.memory_space<hbm>> -> memref<10000x32xf32, #tpu.memory_space<hbm>>
      tpu.wait_indirect_dma semaphore(%arg17 : memref<!tpu.dma_semaphore, #tpu.memory_space<semaphore_mem>>) src(%dma_wait3A_532 : memref<10000x32xf32, #tpu.memory_space<hbm>>) dst(%dma_wait3A_528 : memref<128x32xf32, #tpu.memory_space<vmem>>)
      %dma_wait3A_533 = arith.constant 5 : i32
      %dma_wait3A_534 = arith.constant 0 : i32
      %dma_wait3A_535 = arith.constant 0 : i32
      %dma_wait3A_536 = tpu.memref_slice %arg10[%dma_wait3A_533, %dma_wait3A_534, %dma_wait3A_535] : memref<6x128x32xf32, #tpu.memory_space<vmem>> -> memref<1x128x32xf32, #tpu.memory_space<vmem>>
      %dma_wait3A_537 = tpu.memref_squeeze %dma_wait3A_536 : memref<1x128x32xf32, #tpu.memory_space<vmem>> -> memref<128x32xf32, #tpu.memory_space<vmem>>
      %dma_wait3A_538 = tpu.memref_slice %arg6[%add3A_370] : memref<10112xi32, #tpu.memory_space<vmem>> -> memref<128xi32, #tpu.memory_space<vmem>>
      %dma_wait3A_539 = arith.constant 0 : i32
      %dma_wait3A_540 = arith.constant 0 : i32
      %dma_wait3A_541 = tpu.memref_slice %arg3[%dma_wait3A_539, %dma_wait3A_540] : memref<10000x32xf32, #tpu.memory_space<hbm>> -> memref<10000x32xf32, #tpu.memory_space<hbm>>
      tpu.wait_indirect_dma semaphore(%arg17 : memref<!tpu.dma_semaphore, #tpu.memory_space<semaphore_mem>>) src(%dma_wait3A_541 : memref<10000x32xf32, #tpu.memory_space<hbm>>) dst(%dma_wait3A_537 : memref<128x32xf32, #tpu.memory_space<vmem>>)
      %add3A_542 = arith.constant 1 : i32
      %add3A_543 = arith.addi %mul3A_221, %add3A_542 : i32
      %mul3A_544 = arith.constant 6 : i32
      %mul3A_545 = arith.muli %add3A_543, %mul3A_544 : i32
      %add3A_546 = arith.constant 0 : i32
      %add3A_547 = arith.addi %mul3A_545, %add3A_546 : i32
      %run_scoped3A_548 = arith.constant 0 : i32
      "tpu.region"() ({
        %run_scoped3A_598 = tpu.sem_alloc : memref<!tpu.dma_semaphore, #tpu.memory_space<semaphore_mem>>
        %dma_start3A_599 = arith.constant 0 : i32
        %dma_start3A_600 = arith.constant 0 : i32
        %dma_start3A_601 = tpu.memref_slice %arg10[%run_scoped3A_548, %dma_start3A_599, %dma_start3A_600] : memref<6x128x32xf32, #tpu.memory_space<vmem>> -> memref<1x128x32xf32, #tpu.memory_space<vmem>>
        %dma_start3A_602 = tpu.memref_squeeze %dma_start3A_601 : memref<1x128x32xf32, #tpu.memory_space<vmem>> -> memref<128x32xf32, #tpu.memory_space<vmem>>
        %dma_start3A_603 = arith.constant 0 : i32
        %dma_start3A_604 = tpu.memref_slice %arg8[%add3A_547, %dma_start3A_603] : memref<79x128xi32, #tpu.memory_space<vmem>> -> memref<1x128xi32, #tpu.memory_space<vmem>>
        %dma_start3A_605 = tpu.memref_squeeze %dma_start3A_604 : memref<1x128xi32, #tpu.memory_space<vmem>> -> memref<128xi32, #tpu.memory_space<vmem>>
        %dma_start3A_606 = arith.constant 0 : i32
        %dma_start3A_607 = arith.constant 0 : i32
        %dma_start3A_608 = tpu.memref_slice %arg14[%dma_start3A_606, %dma_start3A_607] : memref<10240x32xf32, #tpu.memory_space<vmem_shared>> -> memref<10240x32xf32, #tpu.memory_space<vmem_shared>>
        tpu.enqueue_indirect_dma source(%dma_start3A_602 : memref<128x32xf32, #tpu.memory_space<vmem>>) target(%dma_start3A_608 : memref<10240x32xf32, #tpu.memory_space<vmem_shared>>) offsets(%dma_start3A_605 : memref<128xi32, #tpu.memory_space<vmem>>) semaphore(%run_scoped3A_598 : memref<!tpu.dma_semaphore, #tpu.memory_space<semaphore_mem>>) {add = true}
        %dma_wait3A_609 = arith.constant 0 : i32
        %dma_wait3A_610 = arith.constant 0 : i32
        %dma_wait3A_611 = tpu.memref_slice %arg10[%run_scoped3A_548, %dma_wait3A_609, %dma_wait3A_610] : memref<6x128x32xf32, #tpu.memory_space<vmem>> -> memref<1x128x32xf32, #tpu.memory_space<vmem>>
        %dma_wait3A_612 = tpu.memref_squeeze %dma_wait3A_611 : memref<1x128x32xf32, #tpu.memory_space<vmem>> -> memref<128x32xf32, #tpu.memory_space<vmem>>
        %dma_wait3A_613 = arith.constant 0 : i32
        %dma_wait3A_614 = tpu.memref_slice %arg8[%add3A_547, %dma_wait3A_613] : memref<79x128xi32, #tpu.memory_space<vmem>> -> memref<1x128xi32, #tpu.memory_space<vmem>>
        %dma_wait3A_615 = tpu.memref_squeeze %dma_wait3A_614 : memref<1x128xi32, #tpu.memory_space<vmem>> -> memref<128xi32, #tpu.memory_space<vmem>>
        %dma_wait3A_616 = arith.constant 0 : i32
        %dma_wait3A_617 = arith.constant 0 : i32
        %dma_wait3A_618 = tpu.memref_slice %arg14[%dma_wait3A_616, %dma_wait3A_617] : memref<10240x32xf32, #tpu.memory_space<vmem_shared>> -> memref<10240x32xf32, #tpu.memory_space<vmem_shared>>
        tpu.wait_indirect_dma semaphore(%run_scoped3A_598 : memref<!tpu.dma_semaphore, #tpu.memory_space<semaphore_mem>>) src(%dma_wait3A_612 : memref<128x32xf32, #tpu.memory_space<vmem>>) dst(%dma_wait3A_618 : memref<10240x32xf32, #tpu.memory_space<vmem_shared>>)
        tpu.yield
      }) : () -> ()
      %mul3A_549 = arith.constant 6 : i32
      %mul3A_550 = arith.muli %add3A_543, %mul3A_549 : i32
      %add3A_551 = arith.constant 0 : i32
      %add3A_552 = arith.addi %mul3A_550, %add3A_551 : i32
      "tpu.region"() ({
        %run_scoped3A_598 = tpu.sem_alloc : memref<!tpu.dma_semaphore, #tpu.memory_space<semaphore_mem>>
        %dma_start3A_599 = arith.constant 0 : i32
        %dma_start3A_600 = tpu.memref_slice %arg8[%add3A_552, %dma_start3A_599] : memref<79x128xi32, #tpu.memory_space<vmem>> -> memref<1x128xi32, #tpu.memory_space<vmem>>
        %dma_start3A_601 = tpu.memref_squeeze %dma_start3A_600 : memref<1x128xi32, #tpu.memory_space<vmem>> -> memref<128xi32, #tpu.memory_space<vmem>>
        %dma_start3A_602 = arith.constant 0 : i32
        %dma_start3A_603 = tpu.memref_slice %arg15[%dma_start3A_602] : memref<10240xf32, #tpu.memory_space<vmem_shared>> -> memref<10240xf32, #tpu.memory_space<vmem_shared>>
        tpu.enqueue_indirect_dma source(%arg11 : memref<128xf32, #tpu.memory_space<vmem>>) target(%dma_start3A_603 : memref<10240xf32, #tpu.memory_space<vmem_shared>>) offsets(%dma_start3A_601 : memref<128xi32, #tpu.memory_space<vmem>>) semaphore(%run_scoped3A_598 : memref<!tpu.dma_semaphore, #tpu.memory_space<semaphore_mem>>) {add = true}
        %dma_wait3A_604 = arith.constant 0 : i32
        %dma_wait3A_605 = tpu.memref_slice %arg8[%add3A_552, %dma_wait3A_604] : memref<79x128xi32, #tpu.memory_space<vmem>> -> memref<1x128xi32, #tpu.memory_space<vmem>>
        %dma_wait3A_606 = tpu.memref_squeeze %dma_wait3A_605 : memref<1x128xi32, #tpu.memory_space<vmem>> -> memref<128xi32, #tpu.memory_space<vmem>>
        %dma_wait3A_607 = arith.constant 0 : i32
        %dma_wait3A_608 = tpu.memref_slice %arg15[%dma_wait3A_607] : memref<10240xf32, #tpu.memory_space<vmem_shared>> -> memref<10240xf32, #tpu.memory_space<vmem_shared>>
        tpu.wait_indirect_dma semaphore(%run_scoped3A_598 : memref<!tpu.dma_semaphore, #tpu.memory_space<semaphore_mem>>) src(%arg11 : memref<128xf32, #tpu.memory_space<vmem>>) dst(%dma_wait3A_608 : memref<10240xf32, #tpu.memory_space<vmem_shared>>)
        tpu.yield
      }) : () -> ()
      %mul3A_553 = arith.constant 6 : i32
      %mul3A_554 = arith.muli %add3A_543, %mul3A_553 : i32
      %add3A_555 = arith.constant 1 : i32
      %add3A_556 = arith.addi %mul3A_554, %add3A_555 : i32
      %run_scoped3A_557 = arith.constant 1 : i32
      "tpu.region"() ({
        %run_scoped3A_598 = tpu.sem_alloc : memref<!tpu.dma_semaphore, #tpu.memory_space<semaphore_mem>>
        %dma_start3A_599 = arith.constant 0 : i32
        %dma_start3A_600 = arith.constant 0 : i32
        %dma_start3A_601 = tpu.memref_slice %arg10[%run_scoped3A_557, %dma_start3A_599, %dma_start3A_600] : memref<6x128x32xf32, #tpu.memory_space<vmem>> -> memref<1x128x32xf32, #tpu.memory_space<vmem>>
        %dma_start3A_602 = tpu.memref_squeeze %dma_start3A_601 : memref<1x128x32xf32, #tpu.memory_space<vmem>> -> memref<128x32xf32, #tpu.memory_space<vmem>>
        %dma_start3A_603 = arith.constant 0 : i32
        %dma_start3A_604 = tpu.memref_slice %arg8[%add3A_556, %dma_start3A_603] : memref<79x128xi32, #tpu.memory_space<vmem>> -> memref<1x128xi32, #tpu.memory_space<vmem>>
        %dma_start3A_605 = tpu.memref_squeeze %dma_start3A_604 : memref<1x128xi32, #tpu.memory_space<vmem>> -> memref<128xi32, #tpu.memory_space<vmem>>
        %dma_start3A_606 = arith.constant 0 : i32
        %dma_start3A_607 = arith.constant 0 : i32
        %dma_start3A_608 = tpu.memref_slice %arg14[%dma_start3A_606, %dma_start3A_607] : memref<10240x32xf32, #tpu.memory_space<vmem_shared>> -> memref<10240x32xf32, #tpu.memory_space<vmem_shared>>
        tpu.enqueue_indirect_dma source(%dma_start3A_602 : memref<128x32xf32, #tpu.memory_space<vmem>>) target(%dma_start3A_608 : memref<10240x32xf32, #tpu.memory_space<vmem_shared>>) offsets(%dma_start3A_605 : memref<128xi32, #tpu.memory_space<vmem>>) semaphore(%run_scoped3A_598 : memref<!tpu.dma_semaphore, #tpu.memory_space<semaphore_mem>>) {add = true}
        %dma_wait3A_609 = arith.constant 0 : i32
        %dma_wait3A_610 = arith.constant 0 : i32
        %dma_wait3A_611 = tpu.memref_slice %arg10[%run_scoped3A_557, %dma_wait3A_609, %dma_wait3A_610] : memref<6x128x32xf32, #tpu.memory_space<vmem>> -> memref<1x128x32xf32, #tpu.memory_space<vmem>>
        %dma_wait3A_612 = tpu.memref_squeeze %dma_wait3A_611 : memref<1x128x32xf32, #tpu.memory_space<vmem>> -> memref<128x32xf32, #tpu.memory_space<vmem>>
        %dma_wait3A_613 = arith.constant 0 : i32
        %dma_wait3A_614 = tpu.memref_slice %arg8[%add3A_556, %dma_wait3A_613] : memref<79x128xi32, #tpu.memory_space<vmem>> -> memref<1x128xi32, #tpu.memory_space<vmem>>
        %dma_wait3A_615 = tpu.memref_squeeze %dma_wait3A_614 : memref<1x128xi32, #tpu.memory_space<vmem>> -> memref<128xi32, #tpu.memory_space<vmem>>
        %dma_wait3A_616 = arith.constant 0 : i32
        %dma_wait3A_617 = arith.constant 0 : i32
        %dma_wait3A_618 = tpu.memref_slice %arg14[%dma_wait3A_616, %dma_wait3A_617] : memref<10240x32xf32, #tpu.memory_space<vmem_shared>> -> memref<10240x32xf32, #tpu.memory_space<vmem_shared>>
        tpu.wait_indirect_dma semaphore(%run_scoped3A_598 : memref<!tpu.dma_semaphore, #tpu.memory_space<semaphore_mem>>) src(%dma_wait3A_612 : memref<128x32xf32, #tpu.memory_space<vmem>>) dst(%dma_wait3A_618 : memref<10240x32xf32, #tpu.memory_space<vmem_shared>>)
        tpu.yield
      }) : () -> ()
      %mul3A_558 = arith.constant 6 : i32
      %mul3A_559 = arith.muli %add3A_543, %mul3A_558 : i32
      %add3A_560 = arith.constant 1 : i32
      %add3A_561 = arith.addi %mul3A_559, %add3A_560 : i32
      "tpu.region"() ({
        %run_scoped3A_598 = tpu.sem_alloc : memref<!tpu.dma_semaphore, #tpu.memory_space<semaphore_mem>>
        %dma_start3A_599 = arith.constant 0 : i32
        %dma_start3A_600 = tpu.memref_slice %arg8[%add3A_561, %dma_start3A_599] : memref<79x128xi32, #tpu.memory_space<vmem>> -> memref<1x128xi32, #tpu.memory_space<vmem>>
        %dma_start3A_601 = tpu.memref_squeeze %dma_start3A_600 : memref<1x128xi32, #tpu.memory_space<vmem>> -> memref<128xi32, #tpu.memory_space<vmem>>
        %dma_start3A_602 = arith.constant 0 : i32
        %dma_start3A_603 = tpu.memref_slice %arg15[%dma_start3A_602] : memref<10240xf32, #tpu.memory_space<vmem_shared>> -> memref<10240xf32, #tpu.memory_space<vmem_shared>>
        tpu.enqueue_indirect_dma source(%arg11 : memref<128xf32, #tpu.memory_space<vmem>>) target(%dma_start3A_603 : memref<10240xf32, #tpu.memory_space<vmem_shared>>) offsets(%dma_start3A_601 : memref<128xi32, #tpu.memory_space<vmem>>) semaphore(%run_scoped3A_598 : memref<!tpu.dma_semaphore, #tpu.memory_space<semaphore_mem>>) {add = true}
        %dma_wait3A_604 = arith.constant 0 : i32
        %dma_wait3A_605 = tpu.memref_slice %arg8[%add3A_561, %dma_wait3A_604] : memref<79x128xi32, #tpu.memory_space<vmem>> -> memref<1x128xi32, #tpu.memory_space<vmem>>
        %dma_wait3A_606 = tpu.memref_squeeze %dma_wait3A_605 : memref<1x128xi32, #tpu.memory_space<vmem>> -> memref<128xi32, #tpu.memory_space<vmem>>
        %dma_wait3A_607 = arith.constant 0 : i32
        %dma_wait3A_608 = tpu.memref_slice %arg15[%dma_wait3A_607] : memref<10240xf32, #tpu.memory_space<vmem_shared>> -> memref<10240xf32, #tpu.memory_space<vmem_shared>>
        tpu.wait_indirect_dma semaphore(%run_scoped3A_598 : memref<!tpu.dma_semaphore, #tpu.memory_space<semaphore_mem>>) src(%arg11 : memref<128xf32, #tpu.memory_space<vmem>>) dst(%dma_wait3A_608 : memref<10240xf32, #tpu.memory_space<vmem_shared>>)
        tpu.yield
      }) : () -> ()
      %mul3A_562 = arith.constant 6 : i32
      %mul3A_563 = arith.muli %add3A_543, %mul3A_562 : i32
      %add3A_564 = arith.constant 2 : i32
      %add3A_565 = arith.addi %mul3A_563, %add3A_564 : i32
      %run_scoped3A_566 = arith.constant 2 : i32
      "tpu.region"() ({
        %run_scoped3A_598 = tpu.sem_alloc : memref<!tpu.dma_semaphore, #tpu.memory_space<semaphore_mem>>
        %dma_start3A_599 = arith.constant 0 : i32
        %dma_start3A_600 = arith.constant 0 : i32
        %dma_start3A_601 = tpu.memref_slice %arg10[%run_scoped3A_566, %dma_start3A_599, %dma_start3A_600] : memref<6x128x32xf32, #tpu.memory_space<vmem>> -> memref<1x128x32xf32, #tpu.memory_space<vmem>>
        %dma_start3A_602 = tpu.memref_squeeze %dma_start3A_601 : memref<1x128x32xf32, #tpu.memory_space<vmem>> -> memref<128x32xf32, #tpu.memory_space<vmem>>
        %dma_start3A_603 = arith.constant 0 : i32
        %dma_start3A_604 = tpu.memref_slice %arg8[%add3A_565, %dma_start3A_603] : memref<79x128xi32, #tpu.memory_space<vmem>> -> memref<1x128xi32, #tpu.memory_space<vmem>>
        %dma_start3A_605 = tpu.memref_squeeze %dma_start3A_604 : memref<1x128xi32, #tpu.memory_space<vmem>> -> memref<128xi32, #tpu.memory_space<vmem>>
        %dma_start3A_606 = arith.constant 0 : i32
        %dma_start3A_607 = arith.constant 0 : i32
        %dma_start3A_608 = tpu.memref_slice %arg14[%dma_start3A_606, %dma_start3A_607] : memref<10240x32xf32, #tpu.memory_space<vmem_shared>> -> memref<10240x32xf32, #tpu.memory_space<vmem_shared>>
        tpu.enqueue_indirect_dma source(%dma_start3A_602 : memref<128x32xf32, #tpu.memory_space<vmem>>) target(%dma_start3A_608 : memref<10240x32xf32, #tpu.memory_space<vmem_shared>>) offsets(%dma_start3A_605 : memref<128xi32, #tpu.memory_space<vmem>>) semaphore(%run_scoped3A_598 : memref<!tpu.dma_semaphore, #tpu.memory_space<semaphore_mem>>) {add = true}
        %dma_wait3A_609 = arith.constant 0 : i32
        %dma_wait3A_610 = arith.constant 0 : i32
        %dma_wait3A_611 = tpu.memref_slice %arg10[%run_scoped3A_566, %dma_wait3A_609, %dma_wait3A_610] : memref<6x128x32xf32, #tpu.memory_space<vmem>> -> memref<1x128x32xf32, #tpu.memory_space<vmem>>
        %dma_wait3A_612 = tpu.memref_squeeze %dma_wait3A_611 : memref<1x128x32xf32, #tpu.memory_space<vmem>> -> memref<128x32xf32, #tpu.memory_space<vmem>>
        %dma_wait3A_613 = arith.constant 0 : i32
        %dma_wait3A_614 = tpu.memref_slice %arg8[%add3A_565, %dma_wait3A_613] : memref<79x128xi32, #tpu.memory_space<vmem>> -> memref<1x128xi32, #tpu.memory_space<vmem>>
        %dma_wait3A_615 = tpu.memref_squeeze %dma_wait3A_614 : memref<1x128xi32, #tpu.memory_space<vmem>> -> memref<128xi32, #tpu.memory_space<vmem>>
        %dma_wait3A_616 = arith.constant 0 : i32
        %dma_wait3A_617 = arith.constant 0 : i32
        %dma_wait3A_618 = tpu.memref_slice %arg14[%dma_wait3A_616, %dma_wait3A_617] : memref<10240x32xf32, #tpu.memory_space<vmem_shared>> -> memref<10240x32xf32, #tpu.memory_space<vmem_shared>>
        tpu.wait_indirect_dma semaphore(%run_scoped3A_598 : memref<!tpu.dma_semaphore, #tpu.memory_space<semaphore_mem>>) src(%dma_wait3A_612 : memref<128x32xf32, #tpu.memory_space<vmem>>) dst(%dma_wait3A_618 : memref<10240x32xf32, #tpu.memory_space<vmem_shared>>)
        tpu.yield
      }) : () -> ()
      %mul3A_567 = arith.constant 6 : i32
      %mul3A_568 = arith.muli %add3A_543, %mul3A_567 : i32
      %add3A_569 = arith.constant 2 : i32
      %add3A_570 = arith.addi %mul3A_568, %add3A_569 : i32
      "tpu.region"() ({
        %run_scoped3A_598 = tpu.sem_alloc : memref<!tpu.dma_semaphore, #tpu.memory_space<semaphore_mem>>
        %dma_start3A_599 = arith.constant 0 : i32
        %dma_start3A_600 = tpu.memref_slice %arg8[%add3A_570, %dma_start3A_599] : memref<79x128xi32, #tpu.memory_space<vmem>> -> memref<1x128xi32, #tpu.memory_space<vmem>>
        %dma_start3A_601 = tpu.memref_squeeze %dma_start3A_600 : memref<1x128xi32, #tpu.memory_space<vmem>> -> memref<128xi32, #tpu.memory_space<vmem>>
        %dma_start3A_602 = arith.constant 0 : i32
        %dma_start3A_603 = tpu.memref_slice %arg15[%dma_start3A_602] : memref<10240xf32, #tpu.memory_space<vmem_shared>> -> memref<10240xf32, #tpu.memory_space<vmem_shared>>
        tpu.enqueue_indirect_dma source(%arg11 : memref<128xf32, #tpu.memory_space<vmem>>) target(%dma_start3A_603 : memref<10240xf32, #tpu.memory_space<vmem_shared>>) offsets(%dma_start3A_601 : memref<128xi32, #tpu.memory_space<vmem>>) semaphore(%run_scoped3A_598 : memref<!tpu.dma_semaphore, #tpu.memory_space<semaphore_mem>>) {add = true}
        %dma_wait3A_604 = arith.constant 0 : i32
        %dma_wait3A_605 = tpu.memref_slice %arg8[%add3A_570, %dma_wait3A_604] : memref<79x128xi32, #tpu.memory_space<vmem>> -> memref<1x128xi32, #tpu.memory_space<vmem>>
        %dma_wait3A_606 = tpu.memref_squeeze %dma_wait3A_605 : memref<1x128xi32, #tpu.memory_space<vmem>> -> memref<128xi32, #tpu.memory_space<vmem>>
        %dma_wait3A_607 = arith.constant 0 : i32
        %dma_wait3A_608 = tpu.memref_slice %arg15[%dma_wait3A_607] : memref<10240xf32, #tpu.memory_space<vmem_shared>> -> memref<10240xf32, #tpu.memory_space<vmem_shared>>
        tpu.wait_indirect_dma semaphore(%run_scoped3A_598 : memref<!tpu.dma_semaphore, #tpu.memory_space<semaphore_mem>>) src(%arg11 : memref<128xf32, #tpu.memory_space<vmem>>) dst(%dma_wait3A_608 : memref<10240xf32, #tpu.memory_space<vmem_shared>>)
        tpu.yield
      }) : () -> ()
      %mul3A_571 = arith.constant 6 : i32
      %mul3A_572 = arith.muli %add3A_543, %mul3A_571 : i32
      %add3A_573 = arith.constant 3 : i32
      %add3A_574 = arith.addi %mul3A_572, %add3A_573 : i32
      %run_scoped3A_575 = arith.constant 3 : i32
      "tpu.region"() ({
        %run_scoped3A_598 = tpu.sem_alloc : memref<!tpu.dma_semaphore, #tpu.memory_space<semaphore_mem>>
        %dma_start3A_599 = arith.constant 0 : i32
        %dma_start3A_600 = arith.constant 0 : i32
        %dma_start3A_601 = tpu.memref_slice %arg10[%run_scoped3A_575, %dma_start3A_599, %dma_start3A_600] : memref<6x128x32xf32, #tpu.memory_space<vmem>> -> memref<1x128x32xf32, #tpu.memory_space<vmem>>
        %dma_start3A_602 = tpu.memref_squeeze %dma_start3A_601 : memref<1x128x32xf32, #tpu.memory_space<vmem>> -> memref<128x32xf32, #tpu.memory_space<vmem>>
        %dma_start3A_603 = arith.constant 0 : i32
        %dma_start3A_604 = tpu.memref_slice %arg8[%add3A_574, %dma_start3A_603] : memref<79x128xi32, #tpu.memory_space<vmem>> -> memref<1x128xi32, #tpu.memory_space<vmem>>
        %dma_start3A_605 = tpu.memref_squeeze %dma_start3A_604 : memref<1x128xi32, #tpu.memory_space<vmem>> -> memref<128xi32, #tpu.memory_space<vmem>>
        %dma_start3A_606 = arith.constant 0 : i32
        %dma_start3A_607 = arith.constant 0 : i32
        %dma_start3A_608 = tpu.memref_slice %arg14[%dma_start3A_606, %dma_start3A_607] : memref<10240x32xf32, #tpu.memory_space<vmem_shared>> -> memref<10240x32xf32, #tpu.memory_space<vmem_shared>>
        tpu.enqueue_indirect_dma source(%dma_start3A_602 : memref<128x32xf32, #tpu.memory_space<vmem>>) target(%dma_start3A_608 : memref<10240x32xf32, #tpu.memory_space<vmem_shared>>) offsets(%dma_start3A_605 : memref<128xi32, #tpu.memory_space<vmem>>) semaphore(%run_scoped3A_598 : memref<!tpu.dma_semaphore, #tpu.memory_space<semaphore_mem>>) {add = true}
        %dma_wait3A_609 = arith.constant 0 : i32
        %dma_wait3A_610 = arith.constant 0 : i32
        %dma_wait3A_611 = tpu.memref_slice %arg10[%run_scoped3A_575, %dma_wait3A_609, %dma_wait3A_610] : memref<6x128x32xf32, #tpu.memory_space<vmem>> -> memref<1x128x32xf32, #tpu.memory_space<vmem>>
        %dma_wait3A_612 = tpu.memref_squeeze %dma_wait3A_611 : memref<1x128x32xf32, #tpu.memory_space<vmem>> -> memref<128x32xf32, #tpu.memory_space<vmem>>
        %dma_wait3A_613 = arith.constant 0 : i32
        %dma_wait3A_614 = tpu.memref_slice %arg8[%add3A_574, %dma_wait3A_613] : memref<79x128xi32, #tpu.memory_space<vmem>> -> memref<1x128xi32, #tpu.memory_space<vmem>>
        %dma_wait3A_615 = tpu.memref_squeeze %dma_wait3A_614 : memref<1x128xi32, #tpu.memory_space<vmem>> -> memref<128xi32, #tpu.memory_space<vmem>>
        %dma_wait3A_616 = arith.constant 0 : i32
        %dma_wait3A_617 = arith.constant 0 : i32
        %dma_wait3A_618 = tpu.memref_slice %arg14[%dma_wait3A_616, %dma_wait3A_617] : memref<10240x32xf32, #tpu.memory_space<vmem_shared>> -> memref<10240x32xf32, #tpu.memory_space<vmem_shared>>
        tpu.wait_indirect_dma semaphore(%run_scoped3A_598 : memref<!tpu.dma_semaphore, #tpu.memory_space<semaphore_mem>>) src(%dma_wait3A_612 : memref<128x32xf32, #tpu.memory_space<vmem>>) dst(%dma_wait3A_618 : memref<10240x32xf32, #tpu.memory_space<vmem_shared>>)
        tpu.yield
      }) : () -> ()
      %mul3A_576 = arith.constant 6 : i32
      %mul3A_577 = arith.muli %add3A_543, %mul3A_576 : i32
      %add3A_578 = arith.constant 3 : i32
      %add3A_579 = arith.addi %mul3A_577, %add3A_578 : i32
      "tpu.region"() ({
        %run_scoped3A_598 = tpu.sem_alloc : memref<!tpu.dma_semaphore, #tpu.memory_space<semaphore_mem>>
        %dma_start3A_599 = arith.constant 0 : i32
        %dma_start3A_600 = tpu.memref_slice %arg8[%add3A_579, %dma_start3A_599] : memref<79x128xi32, #tpu.memory_space<vmem>> -> memref<1x128xi32, #tpu.memory_space<vmem>>
        %dma_start3A_601 = tpu.memref_squeeze %dma_start3A_600 : memref<1x128xi32, #tpu.memory_space<vmem>> -> memref<128xi32, #tpu.memory_space<vmem>>
        %dma_start3A_602 = arith.constant 0 : i32
        %dma_start3A_603 = tpu.memref_slice %arg15[%dma_start3A_602] : memref<10240xf32, #tpu.memory_space<vmem_shared>> -> memref<10240xf32, #tpu.memory_space<vmem_shared>>
        tpu.enqueue_indirect_dma source(%arg11 : memref<128xf32, #tpu.memory_space<vmem>>) target(%dma_start3A_603 : memref<10240xf32, #tpu.memory_space<vmem_shared>>) offsets(%dma_start3A_601 : memref<128xi32, #tpu.memory_space<vmem>>) semaphore(%run_scoped3A_598 : memref<!tpu.dma_semaphore, #tpu.memory_space<semaphore_mem>>) {add = true}
        %dma_wait3A_604 = arith.constant 0 : i32
        %dma_wait3A_605 = tpu.memref_slice %arg8[%add3A_579, %dma_wait3A_604] : memref<79x128xi32, #tpu.memory_space<vmem>> -> memref<1x128xi32, #tpu.memory_space<vmem>>
        %dma_wait3A_606 = tpu.memref_squeeze %dma_wait3A_605 : memref<1x128xi32, #tpu.memory_space<vmem>> -> memref<128xi32, #tpu.memory_space<vmem>>
        %dma_wait3A_607 = arith.constant 0 : i32
        %dma_wait3A_608 = tpu.memref_slice %arg15[%dma_wait3A_607] : memref<10240xf32, #tpu.memory_space<vmem_shared>> -> memref<10240xf32, #tpu.memory_space<vmem_shared>>
        tpu.wait_indirect_dma semaphore(%run_scoped3A_598 : memref<!tpu.dma_semaphore, #tpu.memory_space<semaphore_mem>>) src(%arg11 : memref<128xf32, #tpu.memory_space<vmem>>) dst(%dma_wait3A_608 : memref<10240xf32, #tpu.memory_space<vmem_shared>>)
        tpu.yield
      }) : () -> ()
      %mul3A_580 = arith.constant 6 : i32
      %mul3A_581 = arith.muli %add3A_543, %mul3A_580 : i32
      %add3A_582 = arith.constant 4 : i32
      %add3A_583 = arith.addi %mul3A_581, %add3A_582 : i32
      %run_scoped3A_584 = arith.constant 4 : i32
      "tpu.region"() ({
        %run_scoped3A_598 = tpu.sem_alloc : memref<!tpu.dma_semaphore, #tpu.memory_space<semaphore_mem>>
        %dma_start3A_599 = arith.constant 0 : i32
        %dma_start3A_600 = arith.constant 0 : i32
        %dma_start3A_601 = tpu.memref_slice %arg10[%run_scoped3A_584, %dma_start3A_599, %dma_start3A_600] : memref<6x128x32xf32, #tpu.memory_space<vmem>> -> memref<1x128x32xf32, #tpu.memory_space<vmem>>
        %dma_start3A_602 = tpu.memref_squeeze %dma_start3A_601 : memref<1x128x32xf32, #tpu.memory_space<vmem>> -> memref<128x32xf32, #tpu.memory_space<vmem>>
        %dma_start3A_603 = arith.constant 0 : i32
        %dma_start3A_604 = tpu.memref_slice %arg8[%add3A_583, %dma_start3A_603] : memref<79x128xi32, #tpu.memory_space<vmem>> -> memref<1x128xi32, #tpu.memory_space<vmem>>
        %dma_start3A_605 = tpu.memref_squeeze %dma_start3A_604 : memref<1x128xi32, #tpu.memory_space<vmem>> -> memref<128xi32, #tpu.memory_space<vmem>>
        %dma_start3A_606 = arith.constant 0 : i32
        %dma_start3A_607 = arith.constant 0 : i32
        %dma_start3A_608 = tpu.memref_slice %arg14[%dma_start3A_606, %dma_start3A_607] : memref<10240x32xf32, #tpu.memory_space<vmem_shared>> -> memref<10240x32xf32, #tpu.memory_space<vmem_shared>>
        tpu.enqueue_indirect_dma source(%dma_start3A_602 : memref<128x32xf32, #tpu.memory_space<vmem>>) target(%dma_start3A_608 : memref<10240x32xf32, #tpu.memory_space<vmem_shared>>) offsets(%dma_start3A_605 : memref<128xi32, #tpu.memory_space<vmem>>) semaphore(%run_scoped3A_598 : memref<!tpu.dma_semaphore, #tpu.memory_space<semaphore_mem>>) {add = true}
        %dma_wait3A_609 = arith.constant 0 : i32
        %dma_wait3A_610 = arith.constant 0 : i32
        %dma_wait3A_611 = tpu.memref_slice %arg10[%run_scoped3A_584, %dma_wait3A_609, %dma_wait3A_610] : memref<6x128x32xf32, #tpu.memory_space<vmem>> -> memref<1x128x32xf32, #tpu.memory_space<vmem>>
        %dma_wait3A_612 = tpu.memref_squeeze %dma_wait3A_611 : memref<1x128x32xf32, #tpu.memory_space<vmem>> -> memref<128x32xf32, #tpu.memory_space<vmem>>
        %dma_wait3A_613 = arith.constant 0 : i32
        %dma_wait3A_614 = tpu.memref_slice %arg8[%add3A_583, %dma_wait3A_613] : memref<79x128xi32, #tpu.memory_space<vmem>> -> memref<1x128xi32, #tpu.memory_space<vmem>>
        %dma_wait3A_615 = tpu.memref_squeeze %dma_wait3A_614 : memref<1x128xi32, #tpu.memory_space<vmem>> -> memref<128xi32, #tpu.memory_space<vmem>>
        %dma_wait3A_616 = arith.constant 0 : i32
        %dma_wait3A_617 = arith.constant 0 : i32
        %dma_wait3A_618 = tpu.memref_slice %arg14[%dma_wait3A_616, %dma_wait3A_617] : memref<10240x32xf32, #tpu.memory_space<vmem_shared>> -> memref<10240x32xf32, #tpu.memory_space<vmem_shared>>
        tpu.wait_indirect_dma semaphore(%run_scoped3A_598 : memref<!tpu.dma_semaphore, #tpu.memory_space<semaphore_mem>>) src(%dma_wait3A_612 : memref<128x32xf32, #tpu.memory_space<vmem>>) dst(%dma_wait3A_618 : memref<10240x32xf32, #tpu.memory_space<vmem_shared>>)
        tpu.yield
      }) : () -> ()
      %mul3A_585 = arith.constant 6 : i32
      %mul3A_586 = arith.muli %add3A_543, %mul3A_585 : i32
      %add3A_587 = arith.constant 4 : i32
      %add3A_588 = arith.addi %mul3A_586, %add3A_587 : i32
      "tpu.region"() ({
        %run_scoped3A_598 = tpu.sem_alloc : memref<!tpu.dma_semaphore, #tpu.memory_space<semaphore_mem>>
        %dma_start3A_599 = arith.constant 0 : i32
        %dma_start3A_600 = tpu.memref_slice %arg8[%add3A_588, %dma_start3A_599] : memref<79x128xi32, #tpu.memory_space<vmem>> -> memref<1x128xi32, #tpu.memory_space<vmem>>
        %dma_start3A_601 = tpu.memref_squeeze %dma_start3A_600 : memref<1x128xi32, #tpu.memory_space<vmem>> -> memref<128xi32, #tpu.memory_space<vmem>>
        %dma_start3A_602 = arith.constant 0 : i32
        %dma_start3A_603 = tpu.memref_slice %arg15[%dma_start3A_602] : memref<10240xf32, #tpu.memory_space<vmem_shared>> -> memref<10240xf32, #tpu.memory_space<vmem_shared>>
        tpu.enqueue_indirect_dma source(%arg11 : memref<128xf32, #tpu.memory_space<vmem>>) target(%dma_start3A_603 : memref<10240xf32, #tpu.memory_space<vmem_shared>>) offsets(%dma_start3A_601 : memref<128xi32, #tpu.memory_space<vmem>>) semaphore(%run_scoped3A_598 : memref<!tpu.dma_semaphore, #tpu.memory_space<semaphore_mem>>) {add = true}
        %dma_wait3A_604 = arith.constant 0 : i32
        %dma_wait3A_605 = tpu.memref_slice %arg8[%add3A_588, %dma_wait3A_604] : memref<79x128xi32, #tpu.memory_space<vmem>> -> memref<1x128xi32, #tpu.memory_space<vmem>>
        %dma_wait3A_606 = tpu.memref_squeeze %dma_wait3A_605 : memref<1x128xi32, #tpu.memory_space<vmem>> -> memref<128xi32, #tpu.memory_space<vmem>>
        %dma_wait3A_607 = arith.constant 0 : i32
        %dma_wait3A_608 = tpu.memref_slice %arg15[%dma_wait3A_607] : memref<10240xf32, #tpu.memory_space<vmem_shared>> -> memref<10240xf32, #tpu.memory_space<vmem_shared>>
        tpu.wait_indirect_dma semaphore(%run_scoped3A_598 : memref<!tpu.dma_semaphore, #tpu.memory_space<semaphore_mem>>) src(%arg11 : memref<128xf32, #tpu.memory_space<vmem>>) dst(%dma_wait3A_608 : memref<10240xf32, #tpu.memory_space<vmem_shared>>)
        tpu.yield
      }) : () -> ()
      %mul3A_589 = arith.constant 6 : i32
      %mul3A_590 = arith.muli %add3A_543, %mul3A_589 : i32
      %add3A_591 = arith.constant 5 : i32
      %add3A_592 = arith.addi %mul3A_590, %add3A_591 : i32
      %run_scoped3A_593 = arith.constant 5 : i32
      "tpu.region"() ({
        %run_scoped3A_598 = tpu.sem_alloc : memref<!tpu.dma_semaphore, #tpu.memory_space<semaphore_mem>>
        %dma_start3A_599 = arith.constant 0 : i32
        %dma_start3A_600 = arith.constant 0 : i32
        %dma_start3A_601 = tpu.memref_slice %arg10[%run_scoped3A_593, %dma_start3A_599, %dma_start3A_600] : memref<6x128x32xf32, #tpu.memory_space<vmem>> -> memref<1x128x32xf32, #tpu.memory_space<vmem>>
        %dma_start3A_602 = tpu.memref_squeeze %dma_start3A_601 : memref<1x128x32xf32, #tpu.memory_space<vmem>> -> memref<128x32xf32, #tpu.memory_space<vmem>>
        %dma_start3A_603 = arith.constant 0 : i32
        %dma_start3A_604 = tpu.memref_slice %arg8[%add3A_592, %dma_start3A_603] : memref<79x128xi32, #tpu.memory_space<vmem>> -> memref<1x128xi32, #tpu.memory_space<vmem>>
        %dma_start3A_605 = tpu.memref_squeeze %dma_start3A_604 : memref<1x128xi32, #tpu.memory_space<vmem>> -> memref<128xi32, #tpu.memory_space<vmem>>
        %dma_start3A_606 = arith.constant 0 : i32
        %dma_start3A_607 = arith.constant 0 : i32
        %dma_start3A_608 = tpu.memref_slice %arg14[%dma_start3A_606, %dma_start3A_607] : memref<10240x32xf32, #tpu.memory_space<vmem_shared>> -> memref<10240x32xf32, #tpu.memory_space<vmem_shared>>
        tpu.enqueue_indirect_dma source(%dma_start3A_602 : memref<128x32xf32, #tpu.memory_space<vmem>>) target(%dma_start3A_608 : memref<10240x32xf32, #tpu.memory_space<vmem_shared>>) offsets(%dma_start3A_605 : memref<128xi32, #tpu.memory_space<vmem>>) semaphore(%run_scoped3A_598 : memref<!tpu.dma_semaphore, #tpu.memory_space<semaphore_mem>>) {add = true}
        %dma_wait3A_609 = arith.constant 0 : i32
        %dma_wait3A_610 = arith.constant 0 : i32
        %dma_wait3A_611 = tpu.memref_slice %arg10[%run_scoped3A_593, %dma_wait3A_609, %dma_wait3A_610] : memref<6x128x32xf32, #tpu.memory_space<vmem>> -> memref<1x128x32xf32, #tpu.memory_space<vmem>>
        %dma_wait3A_612 = tpu.memref_squeeze %dma_wait3A_611 : memref<1x128x32xf32, #tpu.memory_space<vmem>> -> memref<128x32xf32, #tpu.memory_space<vmem>>
        %dma_wait3A_613 = arith.constant 0 : i32
        %dma_wait3A_614 = tpu.memref_slice %arg8[%add3A_592, %dma_wait3A_613] : memref<79x128xi32, #tpu.memory_space<vmem>> -> memref<1x128xi32, #tpu.memory_space<vmem>>
        %dma_wait3A_615 = tpu.memref_squeeze %dma_wait3A_614 : memref<1x128xi32, #tpu.memory_space<vmem>> -> memref<128xi32, #tpu.memory_space<vmem>>
        %dma_wait3A_616 = arith.constant 0 : i32
        %dma_wait3A_617 = arith.constant 0 : i32
        %dma_wait3A_618 = tpu.memref_slice %arg14[%dma_wait3A_616, %dma_wait3A_617] : memref<10240x32xf32, #tpu.memory_space<vmem_shared>> -> memref<10240x32xf32, #tpu.memory_space<vmem_shared>>
        tpu.wait_indirect_dma semaphore(%run_scoped3A_598 : memref<!tpu.dma_semaphore, #tpu.memory_space<semaphore_mem>>) src(%dma_wait3A_612 : memref<128x32xf32, #tpu.memory_space<vmem>>) dst(%dma_wait3A_618 : memref<10240x32xf32, #tpu.memory_space<vmem_shared>>)
        tpu.yield
      }) : () -> ()
      %mul3A_594 = arith.constant 6 : i32
      %mul3A_595 = arith.muli %add3A_543, %mul3A_594 : i32
      %add3A_596 = arith.constant 5 : i32
      %add3A_597 = arith.addi %mul3A_595, %add3A_596 : i32
      "tpu.region"() ({
        %run_scoped3A_598 = tpu.sem_alloc : memref<!tpu.dma_semaphore, #tpu.memory_space<semaphore_mem>>
        %dma_start3A_599 = arith.constant 0 : i32
        %dma_start3A_600 = tpu.memref_slice %arg8[%add3A_597, %dma_start3A_599] : memref<79x128xi32, #tpu.memory_space<vmem>> -> memref<1x128xi32, #tpu.memory_space<vmem>>
        %dma_start3A_601 = tpu.memref_squeeze %dma_start3A_600 : memref<1x128xi32, #tpu.memory_space<vmem>> -> memref<128xi32, #tpu.memory_space<vmem>>
        %dma_start3A_602 = arith.constant 0 : i32
        %dma_start3A_603 = tpu.memref_slice %arg15[%dma_start3A_602] : memref<10240xf32, #tpu.memory_space<vmem_shared>> -> memref<10240xf32, #tpu.memory_space<vmem_shared>>
        tpu.enqueue_indirect_dma source(%arg11 : memref<128xf32, #tpu.memory_space<vmem>>) target(%dma_start3A_603 : memref<10240xf32, #tpu.memory_space<vmem_shared>>) offsets(%dma_start3A_601 : memref<128xi32, #tpu.memory_space<vmem>>) semaphore(%run_scoped3A_598 : memref<!tpu.dma_semaphore, #tpu.memory_space<semaphore_mem>>) {add = true}
        %dma_wait3A_604 = arith.constant 0 : i32
        %dma_wait3A_605 = tpu.memref_slice %arg8[%add3A_597, %dma_wait3A_604] : memref<79x128xi32, #tpu.memory_space<vmem>> -> memref<1x128xi32, #tpu.memory_space<vmem>>
        %dma_wait3A_606 = tpu.memref_squeeze %dma_wait3A_605 : memref<1x128xi32, #tpu.memory_space<vmem>> -> memref<128xi32, #tpu.memory_space<vmem>>
        %dma_wait3A_607 = arith.constant 0 : i32
        %dma_wait3A_608 = tpu.memref_slice %arg15[%dma_wait3A_607] : memref<10240xf32, #tpu.memory_space<vmem_shared>> -> memref<10240xf32, #tpu.memory_space<vmem_shared>>
        tpu.wait_indirect_dma semaphore(%run_scoped3A_598 : memref<!tpu.dma_semaphore, #tpu.memory_space<semaphore_mem>>) src(%arg11 : memref<128xf32, #tpu.memory_space<vmem>>) dst(%dma_wait3A_608 : memref<10240xf32, #tpu.memory_space<vmem_shared>>)
        tpu.yield
      }) : () -> ()
    }
    %scan3A_69 = arith.constant 6 : i32
    %dma_start3A = arith.constant 0 : i32
    %dma_start3A_70 = arith.constant 0 : i32
    %dma_start3A_71 = arith.constant 0 : i32
    %dma_start3A_72 = tpu.memref_slice %arg9[%dma_start3A, %dma_start3A_70, %dma_start3A_71] : memref<6x128x32xf32, #tpu.memory_space<vmem>> -> memref<1x128x32xf32, #tpu.memory_space<vmem>>
    %dma_start3A_73 = tpu.memref_squeeze %dma_start3A_72 : memref<1x128x32xf32, #tpu.memory_space<vmem>> -> memref<128x32xf32, #tpu.memory_space<vmem>>
    %dma_start3A_74 = arith.constant 9216 : i32
    %dma_start3A_75 = tpu.memref_slice %arg6[%dma_start3A_74] : memref<10112xi32, #tpu.memory_space<vmem>> -> memref<128xi32, #tpu.memory_space<vmem>>
    %dma_start3A_76 = arith.constant 0 : i32
    %dma_start3A_77 = arith.constant 0 : i32
    %dma_start3A_78 = tpu.memref_slice %arg3[%dma_start3A_76, %dma_start3A_77] : memref<10000x32xf32, #tpu.memory_space<hbm>> -> memref<10000x32xf32, #tpu.memory_space<hbm>>
    tpu.enqueue_indirect_dma source(%dma_start3A_78 : memref<10000x32xf32, #tpu.memory_space<hbm>>) target(%dma_start3A_73 : memref<128x32xf32, #tpu.memory_space<vmem>>) offsets(%dma_start3A_75 : memref<128xi32, #tpu.memory_space<vmem>>) semaphore(%arg16 : memref<!tpu.dma_semaphore, #tpu.memory_space<semaphore_mem>>)
    %dma_start3A_79 = arith.constant 1 : i32
    %dma_start3A_80 = arith.constant 0 : i32
    %dma_start3A_81 = arith.constant 0 : i32
    %dma_start3A_82 = tpu.memref_slice %arg9[%dma_start3A_79, %dma_start3A_80, %dma_start3A_81] : memref<6x128x32xf32, #tpu.memory_space<vmem>> -> memref<1x128x32xf32, #tpu.memory_space<vmem>>
    %dma_start3A_83 = tpu.memref_squeeze %dma_start3A_82 : memref<1x128x32xf32, #tpu.memory_space<vmem>> -> memref<128x32xf32, #tpu.memory_space<vmem>>
    %dma_start3A_84 = arith.constant 9344 : i32
    %dma_start3A_85 = tpu.memref_slice %arg6[%dma_start3A_84] : memref<10112xi32, #tpu.memory_space<vmem>> -> memref<128xi32, #tpu.memory_space<vmem>>
    %dma_start3A_86 = arith.constant 0 : i32
    %dma_start3A_87 = arith.constant 0 : i32
    %dma_start3A_88 = tpu.memref_slice %arg3[%dma_start3A_86, %dma_start3A_87] : memref<10000x32xf32, #tpu.memory_space<hbm>> -> memref<10000x32xf32, #tpu.memory_space<hbm>>
    tpu.enqueue_indirect_dma source(%dma_start3A_88 : memref<10000x32xf32, #tpu.memory_space<hbm>>) target(%dma_start3A_83 : memref<128x32xf32, #tpu.memory_space<vmem>>) offsets(%dma_start3A_85 : memref<128xi32, #tpu.memory_space<vmem>>) semaphore(%arg16 : memref<!tpu.dma_semaphore, #tpu.memory_space<semaphore_mem>>)
    %dma_start3A_89 = arith.constant 2 : i32
    %dma_start3A_90 = arith.constant 0 : i32
    %dma_start3A_91 = arith.constant 0 : i32
    %dma_start3A_92 = tpu.memref_slice %arg9[%dma_start3A_89, %dma_start3A_90, %dma_start3A_91] : memref<6x128x32xf32, #tpu.memory_space<vmem>> -> memref<1x128x32xf32, #tpu.memory_space<vmem>>
    %dma_start3A_93 = tpu.memref_squeeze %dma_start3A_92 : memref<1x128x32xf32, #tpu.memory_space<vmem>> -> memref<128x32xf32, #tpu.memory_space<vmem>>
    %dma_start3A_94 = arith.constant 9472 : i32
    %dma_start3A_95 = tpu.memref_slice %arg6[%dma_start3A_94] : memref<10112xi32, #tpu.memory_space<vmem>> -> memref<128xi32, #tpu.memory_space<vmem>>
    %dma_start3A_96 = arith.constant 0 : i32
    %dma_start3A_97 = arith.constant 0 : i32
    %dma_start3A_98 = tpu.memref_slice %arg3[%dma_start3A_96, %dma_start3A_97] : memref<10000x32xf32, #tpu.memory_space<hbm>> -> memref<10000x32xf32, #tpu.memory_space<hbm>>
    tpu.enqueue_indirect_dma source(%dma_start3A_98 : memref<10000x32xf32, #tpu.memory_space<hbm>>) target(%dma_start3A_93 : memref<128x32xf32, #tpu.memory_space<vmem>>) offsets(%dma_start3A_95 : memref<128xi32, #tpu.memory_space<vmem>>) semaphore(%arg16 : memref<!tpu.dma_semaphore, #tpu.memory_space<semaphore_mem>>)
    %dma_start3A_99 = arith.constant 3 : i32
    %dma_start3A_100 = arith.constant 0 : i32
    %dma_start3A_101 = arith.constant 0 : i32
    %dma_start3A_102 = tpu.memref_slice %arg9[%dma_start3A_99, %dma_start3A_100, %dma_start3A_101] : memref<6x128x32xf32, #tpu.memory_space<vmem>> -> memref<1x128x32xf32, #tpu.memory_space<vmem>>
    %dma_start3A_103 = tpu.memref_squeeze %dma_start3A_102 : memref<1x128x32xf32, #tpu.memory_space<vmem>> -> memref<128x32xf32, #tpu.memory_space<vmem>>
    %dma_start3A_104 = arith.constant 9600 : i32
    %dma_start3A_105 = tpu.memref_slice %arg6[%dma_start3A_104] : memref<10112xi32, #tpu.memory_space<vmem>> -> memref<128xi32, #tpu.memory_space<vmem>>
    %dma_start3A_106 = arith.constant 0 : i32
    %dma_start3A_107 = arith.constant 0 : i32
    %dma_start3A_108 = tpu.memref_slice %arg3[%dma_start3A_106, %dma_start3A_107] : memref<10000x32xf32, #tpu.memory_space<hbm>> -> memref<10000x32xf32, #tpu.memory_space<hbm>>
    tpu.enqueue_indirect_dma source(%dma_start3A_108 : memref<10000x32xf32, #tpu.memory_space<hbm>>) target(%dma_start3A_103 : memref<128x32xf32, #tpu.memory_space<vmem>>) offsets(%dma_start3A_105 : memref<128xi32, #tpu.memory_space<vmem>>) semaphore(%arg16 : memref<!tpu.dma_semaphore, #tpu.memory_space<semaphore_mem>>)
    %dma_start3A_109 = arith.constant 4 : i32
    %dma_start3A_110 = arith.constant 0 : i32
    %dma_start3A_111 = arith.constant 0 : i32
    %dma_start3A_112 = tpu.memref_slice %arg9[%dma_start3A_109, %dma_start3A_110, %dma_start3A_111] : memref<6x128x32xf32, #tpu.memory_space<vmem>> -> memref<1x128x32xf32, #tpu.memory_space<vmem>>
    %dma_start3A_113 = tpu.memref_squeeze %dma_start3A_112 : memref<1x128x32xf32, #tpu.memory_space<vmem>> -> memref<128x32xf32, #tpu.memory_space<vmem>>
    %dma_start3A_114 = arith.constant 9728 : i32
    %dma_start3A_115 = tpu.memref_slice %arg6[%dma_start3A_114] : memref<10112xi32, #tpu.memory_space<vmem>> -> memref<128xi32, #tpu.memory_space<vmem>>
    %dma_start3A_116 = arith.constant 0 : i32
    %dma_start3A_117 = arith.constant 0 : i32
    %dma_start3A_118 = tpu.memref_slice %arg3[%dma_start3A_116, %dma_start3A_117] : memref<10000x32xf32, #tpu.memory_space<hbm>> -> memref<10000x32xf32, #tpu.memory_space<hbm>>
    tpu.enqueue_indirect_dma source(%dma_start3A_118 : memref<10000x32xf32, #tpu.memory_space<hbm>>) target(%dma_start3A_113 : memref<128x32xf32, #tpu.memory_space<vmem>>) offsets(%dma_start3A_115 : memref<128xi32, #tpu.memory_space<vmem>>) semaphore(%arg16 : memref<!tpu.dma_semaphore, #tpu.memory_space<semaphore_mem>>)
    %dma_start3A_119 = arith.constant 5 : i32
    %dma_start3A_120 = arith.constant 0 : i32
    %dma_start3A_121 = arith.constant 0 : i32
    %dma_start3A_122 = tpu.memref_slice %arg9[%dma_start3A_119, %dma_start3A_120, %dma_start3A_121] : memref<6x128x32xf32, #tpu.memory_space<vmem>> -> memref<1x128x32xf32, #tpu.memory_space<vmem>>
    %dma_start3A_123 = tpu.memref_squeeze %dma_start3A_122 : memref<1x128x32xf32, #tpu.memory_space<vmem>> -> memref<128x32xf32, #tpu.memory_space<vmem>>
    %dma_start3A_124 = arith.constant 9856 : i32
    %dma_start3A_125 = tpu.memref_slice %arg6[%dma_start3A_124] : memref<10112xi32, #tpu.memory_space<vmem>> -> memref<128xi32, #tpu.memory_space<vmem>>
    %dma_start3A_126 = arith.constant 0 : i32
    %dma_start3A_127 = arith.constant 0 : i32
    %dma_start3A_128 = tpu.memref_slice %arg3[%dma_start3A_126, %dma_start3A_127] : memref<10000x32xf32, #tpu.memory_space<hbm>> -> memref<10000x32xf32, #tpu.memory_space<hbm>>
    tpu.enqueue_indirect_dma source(%dma_start3A_128 : memref<10000x32xf32, #tpu.memory_space<hbm>>) target(%dma_start3A_123 : memref<128x32xf32, #tpu.memory_space<vmem>>) offsets(%dma_start3A_125 : memref<128xi32, #tpu.memory_space<vmem>>) semaphore(%arg16 : memref<!tpu.dma_semaphore, #tpu.memory_space<semaphore_mem>>)
    %dma_wait3A = arith.constant 0 : i32
    %dma_wait3A_129 = arith.constant 0 : i32
    %dma_wait3A_130 = arith.constant 0 : i32
    %dma_wait3A_131 = tpu.memref_slice %arg9[%dma_wait3A, %dma_wait3A_129, %dma_wait3A_130] : memref<6x128x32xf32, #tpu.memory_space<vmem>> -> memref<1x128x32xf32, #tpu.memory_space<vmem>>
    %dma_wait3A_132 = tpu.memref_squeeze %dma_wait3A_131 : memref<1x128x32xf32, #tpu.memory_space<vmem>> -> memref<128x32xf32, #tpu.memory_space<vmem>>
    %dma_wait3A_133 = arith.constant 9216 : i32
    %dma_wait3A_134 = tpu.memref_slice %arg6[%dma_wait3A_133] : memref<10112xi32, #tpu.memory_space<vmem>> -> memref<128xi32, #tpu.memory_space<vmem>>
    %dma_wait3A_135 = arith.constant 0 : i32
    %dma_wait3A_136 = arith.constant 0 : i32
    %dma_wait3A_137 = tpu.memref_slice %arg3[%dma_wait3A_135, %dma_wait3A_136] : memref<10000x32xf32, #tpu.memory_space<hbm>> -> memref<10000x32xf32, #tpu.memory_space<hbm>>
    tpu.wait_indirect_dma semaphore(%arg16 : memref<!tpu.dma_semaphore, #tpu.memory_space<semaphore_mem>>) src(%dma_wait3A_137 : memref<10000x32xf32, #tpu.memory_space<hbm>>) dst(%dma_wait3A_132 : memref<128x32xf32, #tpu.memory_space<vmem>>)
    %dma_wait3A_138 = arith.constant 1 : i32
    %dma_wait3A_139 = arith.constant 0 : i32
    %dma_wait3A_140 = arith.constant 0 : i32
    %dma_wait3A_141 = tpu.memref_slice %arg9[%dma_wait3A_138, %dma_wait3A_139, %dma_wait3A_140] : memref<6x128x32xf32, #tpu.memory_space<vmem>> -> memref<1x128x32xf32, #tpu.memory_space<vmem>>
    %dma_wait3A_142 = tpu.memref_squeeze %dma_wait3A_141 : memref<1x128x32xf32, #tpu.memory_space<vmem>> -> memref<128x32xf32, #tpu.memory_space<vmem>>
    %dma_wait3A_143 = arith.constant 9344 : i32
    %dma_wait3A_144 = tpu.memref_slice %arg6[%dma_wait3A_143] : memref<10112xi32, #tpu.memory_space<vmem>> -> memref<128xi32, #tpu.memory_space<vmem>>
    %dma_wait3A_145 = arith.constant 0 : i32
    %dma_wait3A_146 = arith.constant 0 : i32
    %dma_wait3A_147 = tpu.memref_slice %arg3[%dma_wait3A_145, %dma_wait3A_146] : memref<10000x32xf32, #tpu.memory_space<hbm>> -> memref<10000x32xf32, #tpu.memory_space<hbm>>
    tpu.wait_indirect_dma semaphore(%arg16 : memref<!tpu.dma_semaphore, #tpu.memory_space<semaphore_mem>>) src(%dma_wait3A_147 : memref<10000x32xf32, #tpu.memory_space<hbm>>) dst(%dma_wait3A_142 : memref<128x32xf32, #tpu.memory_space<vmem>>)
    %dma_wait3A_148 = arith.constant 2 : i32
    %dma_wait3A_149 = arith.constant 0 : i32
    %dma_wait3A_150 = arith.constant 0 : i32
    %dma_wait3A_151 = tpu.memref_slice %arg9[%dma_wait3A_148, %dma_wait3A_149, %dma_wait3A_150] : memref<6x128x32xf32, #tpu.memory_space<vmem>> -> memref<1x128x32xf32, #tpu.memory_space<vmem>>
    %dma_wait3A_152 = tpu.memref_squeeze %dma_wait3A_151 : memref<1x128x32xf32, #tpu.memory_space<vmem>> -> memref<128x32xf32, #tpu.memory_space<vmem>>
    %dma_wait3A_153 = arith.constant 9472 : i32
    %dma_wait3A_154 = tpu.memref_slice %arg6[%dma_wait3A_153] : memref<10112xi32, #tpu.memory_space<vmem>> -> memref<128xi32, #tpu.memory_space<vmem>>
    %dma_wait3A_155 = arith.constant 0 : i32
    %dma_wait3A_156 = arith.constant 0 : i32
    %dma_wait3A_157 = tpu.memref_slice %arg3[%dma_wait3A_155, %dma_wait3A_156] : memref<10000x32xf32, #tpu.memory_space<hbm>> -> memref<10000x32xf32, #tpu.memory_space<hbm>>
    tpu.wait_indirect_dma semaphore(%arg16 : memref<!tpu.dma_semaphore, #tpu.memory_space<semaphore_mem>>) src(%dma_wait3A_157 : memref<10000x32xf32, #tpu.memory_space<hbm>>) dst(%dma_wait3A_152 : memref<128x32xf32, #tpu.memory_space<vmem>>)
    %dma_wait3A_158 = arith.constant 3 : i32
    %dma_wait3A_159 = arith.constant 0 : i32
    %dma_wait3A_160 = arith.constant 0 : i32
    %dma_wait3A_161 = tpu.memref_slice %arg9[%dma_wait3A_158, %dma_wait3A_159, %dma_wait3A_160] : memref<6x128x32xf32, #tpu.memory_space<vmem>> -> memref<1x128x32xf32, #tpu.memory_space<vmem>>
    %dma_wait3A_162 = tpu.memref_squeeze %dma_wait3A_161 : memref<1x128x32xf32, #tpu.memory_space<vmem>> -> memref<128x32xf32, #tpu.memory_space<vmem>>
    %dma_wait3A_163 = arith.constant 9600 : i32
    %dma_wait3A_164 = tpu.memref_slice %arg6[%dma_wait3A_163] : memref<10112xi32, #tpu.memory_space<vmem>> -> memref<128xi32, #tpu.memory_space<vmem>>
    %dma_wait3A_165 = arith.constant 0 : i32
    %dma_wait3A_166 = arith.constant 0 : i32
    %dma_wait3A_167 = tpu.memref_slice %arg3[%dma_wait3A_165, %dma_wait3A_166] : memref<10000x32xf32, #tpu.memory_space<hbm>> -> memref<10000x32xf32, #tpu.memory_space<hbm>>
    tpu.wait_indirect_dma semaphore(%arg16 : memref<!tpu.dma_semaphore, #tpu.memory_space<semaphore_mem>>) src(%dma_wait3A_167 : memref<10000x32xf32, #tpu.memory_space<hbm>>) dst(%dma_wait3A_162 : memref<128x32xf32, #tpu.memory_space<vmem>>)
    %dma_wait3A_168 = arith.constant 4 : i32
    %dma_wait3A_169 = arith.constant 0 : i32
    %dma_wait3A_170 = arith.constant 0 : i32
    %dma_wait3A_171 = tpu.memref_slice %arg9[%dma_wait3A_168, %dma_wait3A_169, %dma_wait3A_170] : memref<6x128x32xf32, #tpu.memory_space<vmem>> -> memref<1x128x32xf32, #tpu.memory_space<vmem>>
    %dma_wait3A_172 = tpu.memref_squeeze %dma_wait3A_171 : memref<1x128x32xf32, #tpu.memory_space<vmem>> -> memref<128x32xf32, #tpu.memory_space<vmem>>
    %dma_wait3A_173 = arith.constant 9728 : i32
    %dma_wait3A_174 = tpu.memref_slice %arg6[%dma_wait3A_173] : memref<10112xi32, #tpu.memory_space<vmem>> -> memref<128xi32, #tpu.memory_space<vmem>>
    %dma_wait3A_175 = arith.constant 0 : i32
    %dma_wait3A_176 = arith.constant 0 : i32
    %dma_wait3A_177 = tpu.memref_slice %arg3[%dma_wait3A_175, %dma_wait3A_176] : memref<10000x32xf32, #tpu.memory_space<hbm>> -> memref<10000x32xf32, #tpu.memory_space<hbm>>
    tpu.wait_indirect_dma semaphore(%arg16 : memref<!tpu.dma_semaphore, #tpu.memory_space<semaphore_mem>>) src(%dma_wait3A_177 : memref<10000x32xf32, #tpu.memory_space<hbm>>) dst(%dma_wait3A_172 : memref<128x32xf32, #tpu.memory_space<vmem>>)
    %dma_wait3A_178 = arith.constant 5 : i32
    %dma_wait3A_179 = arith.constant 0 : i32
    %dma_wait3A_180 = arith.constant 0 : i32
    %dma_wait3A_181 = tpu.memref_slice %arg9[%dma_wait3A_178, %dma_wait3A_179, %dma_wait3A_180] : memref<6x128x32xf32, #tpu.memory_space<vmem>> -> memref<1x128x32xf32, #tpu.memory_space<vmem>>
    %dma_wait3A_182 = tpu.memref_squeeze %dma_wait3A_181 : memref<1x128x32xf32, #tpu.memory_space<vmem>> -> memref<128x32xf32, #tpu.memory_space<vmem>>
    %dma_wait3A_183 = arith.constant 9856 : i32
    %dma_wait3A_184 = tpu.memref_slice %arg6[%dma_wait3A_183] : memref<10112xi32, #tpu.memory_space<vmem>> -> memref<128xi32, #tpu.memory_space<vmem>>
    %dma_wait3A_185 = arith.constant 0 : i32
    %dma_wait3A_186 = arith.constant 0 : i32
    %dma_wait3A_187 = tpu.memref_slice %arg3[%dma_wait3A_185, %dma_wait3A_186] : memref<10000x32xf32, #tpu.memory_space<hbm>> -> memref<10000x32xf32, #tpu.memory_space<hbm>>
    tpu.wait_indirect_dma semaphore(%arg16 : memref<!tpu.dma_semaphore, #tpu.memory_space<semaphore_mem>>) src(%dma_wait3A_187 : memref<10000x32xf32, #tpu.memory_space<hbm>>) dst(%dma_wait3A_182 : memref<128x32xf32, #tpu.memory_space<vmem>>)
    %run_scoped3A = arith.constant 0 : i32
    %run_scoped3A_188 = arith.constant 72 : i32
    "tpu.region"() ({
      %run_scoped3A_219 = tpu.sem_alloc : memref<!tpu.dma_semaphore, #tpu.memory_space<semaphore_mem>>
      %dma_start3A_220 = arith.constant 0 : i32
      %dma_start3A_221 = arith.constant 0 : i32
      %dma_start3A_222 = tpu.memref_slice %arg9[%run_scoped3A, %dma_start3A_220, %dma_start3A_221] : memref<6x128x32xf32, #tpu.memory_space<vmem>> -> memref<1x128x32xf32, #tpu.memory_space<vmem>>
      %dma_start3A_223 = tpu.memref_squeeze %dma_start3A_222 : memref<1x128x32xf32, #tpu.memory_space<vmem>> -> memref<128x32xf32, #tpu.memory_space<vmem>>
      %dma_start3A_224 = arith.constant 0 : i32
      %dma_start3A_225 = tpu.memref_slice %arg8[%run_scoped3A_188, %dma_start3A_224] : memref<79x128xi32, #tpu.memory_space<vmem>> -> memref<1x128xi32, #tpu.memory_space<vmem>>
      %dma_start3A_226 = tpu.memref_squeeze %dma_start3A_225 : memref<1x128xi32, #tpu.memory_space<vmem>> -> memref<128xi32, #tpu.memory_space<vmem>>
      %dma_start3A_227 = arith.constant 0 : i32
      %dma_start3A_228 = arith.constant 0 : i32
      %dma_start3A_229 = tpu.memref_slice %arg14[%dma_start3A_227, %dma_start3A_228] : memref<10240x32xf32, #tpu.memory_space<vmem_shared>> -> memref<10240x32xf32, #tpu.memory_space<vmem_shared>>
      tpu.enqueue_indirect_dma source(%dma_start3A_223 : memref<128x32xf32, #tpu.memory_space<vmem>>) target(%dma_start3A_229 : memref<10240x32xf32, #tpu.memory_space<vmem_shared>>) offsets(%dma_start3A_226 : memref<128xi32, #tpu.memory_space<vmem>>) semaphore(%run_scoped3A_219 : memref<!tpu.dma_semaphore, #tpu.memory_space<semaphore_mem>>) {add = true}
      %dma_wait3A_230 = arith.constant 0 : i32
      %dma_wait3A_231 = arith.constant 0 : i32
      %dma_wait3A_232 = tpu.memref_slice %arg9[%run_scoped3A, %dma_wait3A_230, %dma_wait3A_231] : memref<6x128x32xf32, #tpu.memory_space<vmem>> -> memref<1x128x32xf32, #tpu.memory_space<vmem>>
      %dma_wait3A_233 = tpu.memref_squeeze %dma_wait3A_232 : memref<1x128x32xf32, #tpu.memory_space<vmem>> -> memref<128x32xf32, #tpu.memory_space<vmem>>
      %dma_wait3A_234 = arith.constant 0 : i32
      %dma_wait3A_235 = tpu.memref_slice %arg8[%run_scoped3A_188, %dma_wait3A_234] : memref<79x128xi32, #tpu.memory_space<vmem>> -> memref<1x128xi32, #tpu.memory_space<vmem>>
      %dma_wait3A_236 = tpu.memref_squeeze %dma_wait3A_235 : memref<1x128xi32, #tpu.memory_space<vmem>> -> memref<128xi32, #tpu.memory_space<vmem>>
      %dma_wait3A_237 = arith.constant 0 : i32
      %dma_wait3A_238 = arith.constant 0 : i32
      %dma_wait3A_239 = tpu.memref_slice %arg14[%dma_wait3A_237, %dma_wait3A_238] : memref<10240x32xf32, #tpu.memory_space<vmem_shared>> -> memref<10240x32xf32, #tpu.memory_space<vmem_shared>>
      tpu.wait_indirect_dma semaphore(%run_scoped3A_219 : memref<!tpu.dma_semaphore, #tpu.memory_space<semaphore_mem>>) src(%dma_wait3A_233 : memref<128x32xf32, #tpu.memory_space<vmem>>) dst(%dma_wait3A_239 : memref<10240x32xf32, #tpu.memory_space<vmem_shared>>)
      tpu.yield
    }) : () -> ()
    %run_scoped3A_189 = arith.constant 72 : i32
    "tpu.region"() ({
      %run_scoped3A_219 = tpu.sem_alloc : memref<!tpu.dma_semaphore, #tpu.memory_space<semaphore_mem>>
      %dma_start3A_220 = arith.constant 0 : i32
      %dma_start3A_221 = tpu.memref_slice %arg8[%run_scoped3A_189, %dma_start3A_220] : memref<79x128xi32, #tpu.memory_space<vmem>> -> memref<1x128xi32, #tpu.memory_space<vmem>>
      %dma_start3A_222 = tpu.memref_squeeze %dma_start3A_221 : memref<1x128xi32, #tpu.memory_space<vmem>> -> memref<128xi32, #tpu.memory_space<vmem>>
      %dma_start3A_223 = arith.constant 0 : i32
      %dma_start3A_224 = tpu.memref_slice %arg15[%dma_start3A_223] : memref<10240xf32, #tpu.memory_space<vmem_shared>> -> memref<10240xf32, #tpu.memory_space<vmem_shared>>
      tpu.enqueue_indirect_dma source(%arg11 : memref<128xf32, #tpu.memory_space<vmem>>) target(%dma_start3A_224 : memref<10240xf32, #tpu.memory_space<vmem_shared>>) offsets(%dma_start3A_222 : memref<128xi32, #tpu.memory_space<vmem>>) semaphore(%run_scoped3A_219 : memref<!tpu.dma_semaphore, #tpu.memory_space<semaphore_mem>>) {add = true}
      %dma_wait3A_225 = arith.constant 0 : i32
      %dma_wait3A_226 = tpu.memref_slice %arg8[%run_scoped3A_189, %dma_wait3A_225] : memref<79x128xi32, #tpu.memory_space<vmem>> -> memref<1x128xi32, #tpu.memory_space<vmem>>
      %dma_wait3A_227 = tpu.memref_squeeze %dma_wait3A_226 : memref<1x128xi32, #tpu.memory_space<vmem>> -> memref<128xi32, #tpu.memory_space<vmem>>
      %dma_wait3A_228 = arith.constant 0 : i32
      %dma_wait3A_229 = tpu.memref_slice %arg15[%dma_wait3A_228] : memref<10240xf32, #tpu.memory_space<vmem_shared>> -> memref<10240xf32, #tpu.memory_space<vmem_shared>>
      tpu.wait_indirect_dma semaphore(%run_scoped3A_219 : memref<!tpu.dma_semaphore, #tpu.memory_space<semaphore_mem>>) src(%arg11 : memref<128xf32, #tpu.memory_space<vmem>>) dst(%dma_wait3A_229 : memref<10240xf32, #tpu.memory_space<vmem_shared>>)
      tpu.yield
    }) : () -> ()
    %run_scoped3A_190 = arith.constant 1 : i32
    %run_scoped3A_191 = arith.constant 73 : i32
    "tpu.region"() ({
      %run_scoped3A_219 = tpu.sem_alloc : memref<!tpu.dma_semaphore, #tpu.memory_space<semaphore_mem>>
      %dma_start3A_220 = arith.constant 0 : i32
      %dma_start3A_221 = arith.constant 0 : i32
      %dma_start3A_222 = tpu.memref_slice %arg9[%run_scoped3A_190, %dma_start3A_220, %dma_start3A_221] : memref<6x128x32xf32, #tpu.memory_space<vmem>> -> memref<1x128x32xf32, #tpu.memory_space<vmem>>
      %dma_start3A_223 = tpu.memref_squeeze %dma_start3A_222 : memref<1x128x32xf32, #tpu.memory_space<vmem>> -> memref<128x32xf32, #tpu.memory_space<vmem>>
      %dma_start3A_224 = arith.constant 0 : i32
      %dma_start3A_225 = tpu.memref_slice %arg8[%run_scoped3A_191, %dma_start3A_224] : memref<79x128xi32, #tpu.memory_space<vmem>> -> memref<1x128xi32, #tpu.memory_space<vmem>>
      %dma_start3A_226 = tpu.memref_squeeze %dma_start3A_225 : memref<1x128xi32, #tpu.memory_space<vmem>> -> memref<128xi32, #tpu.memory_space<vmem>>
      %dma_start3A_227 = arith.constant 0 : i32
      %dma_start3A_228 = arith.constant 0 : i32
      %dma_start3A_229 = tpu.memref_slice %arg14[%dma_start3A_227, %dma_start3A_228] : memref<10240x32xf32, #tpu.memory_space<vmem_shared>> -> memref<10240x32xf32, #tpu.memory_space<vmem_shared>>
      tpu.enqueue_indirect_dma source(%dma_start3A_223 : memref<128x32xf32, #tpu.memory_space<vmem>>) target(%dma_start3A_229 : memref<10240x32xf32, #tpu.memory_space<vmem_shared>>) offsets(%dma_start3A_226 : memref<128xi32, #tpu.memory_space<vmem>>) semaphore(%run_scoped3A_219 : memref<!tpu.dma_semaphore, #tpu.memory_space<semaphore_mem>>) {add = true}
      %dma_wait3A_230 = arith.constant 0 : i32
      %dma_wait3A_231 = arith.constant 0 : i32
      %dma_wait3A_232 = tpu.memref_slice %arg9[%run_scoped3A_190, %dma_wait3A_230, %dma_wait3A_231] : memref<6x128x32xf32, #tpu.memory_space<vmem>> -> memref<1x128x32xf32, #tpu.memory_space<vmem>>
      %dma_wait3A_233 = tpu.memref_squeeze %dma_wait3A_232 : memref<1x128x32xf32, #tpu.memory_space<vmem>> -> memref<128x32xf32, #tpu.memory_space<vmem>>
      %dma_wait3A_234 = arith.constant 0 : i32
      %dma_wait3A_235 = tpu.memref_slice %arg8[%run_scoped3A_191, %dma_wait3A_234] : memref<79x128xi32, #tpu.memory_space<vmem>> -> memref<1x128xi32, #tpu.memory_space<vmem>>
      %dma_wait3A_236 = tpu.memref_squeeze %dma_wait3A_235 : memref<1x128xi32, #tpu.memory_space<vmem>> -> memref<128xi32, #tpu.memory_space<vmem>>
      %dma_wait3A_237 = arith.constant 0 : i32
      %dma_wait3A_238 = arith.constant 0 : i32
      %dma_wait3A_239 = tpu.memref_slice %arg14[%dma_wait3A_237, %dma_wait3A_238] : memref<10240x32xf32, #tpu.memory_space<vmem_shared>> -> memref<10240x32xf32, #tpu.memory_space<vmem_shared>>
      tpu.wait_indirect_dma semaphore(%run_scoped3A_219 : memref<!tpu.dma_semaphore, #tpu.memory_space<semaphore_mem>>) src(%dma_wait3A_233 : memref<128x32xf32, #tpu.memory_space<vmem>>) dst(%dma_wait3A_239 : memref<10240x32xf32, #tpu.memory_space<vmem_shared>>)
      tpu.yield
    }) : () -> ()
    %run_scoped3A_192 = arith.constant 73 : i32
    "tpu.region"() ({
      %run_scoped3A_219 = tpu.sem_alloc : memref<!tpu.dma_semaphore, #tpu.memory_space<semaphore_mem>>
      %dma_start3A_220 = arith.constant 0 : i32
      %dma_start3A_221 = tpu.memref_slice %arg8[%run_scoped3A_192, %dma_start3A_220] : memref<79x128xi32, #tpu.memory_space<vmem>> -> memref<1x128xi32, #tpu.memory_space<vmem>>
      %dma_start3A_222 = tpu.memref_squeeze %dma_start3A_221 : memref<1x128xi32, #tpu.memory_space<vmem>> -> memref<128xi32, #tpu.memory_space<vmem>>
      %dma_start3A_223 = arith.constant 0 : i32
      %dma_start3A_224 = tpu.memref_slice %arg15[%dma_start3A_223] : memref<10240xf32, #tpu.memory_space<vmem_shared>> -> memref<10240xf32, #tpu.memory_space<vmem_shared>>
      tpu.enqueue_indirect_dma source(%arg11 : memref<128xf32, #tpu.memory_space<vmem>>) target(%dma_start3A_224 : memref<10240xf32, #tpu.memory_space<vmem_shared>>) offsets(%dma_start3A_222 : memref<128xi32, #tpu.memory_space<vmem>>) semaphore(%run_scoped3A_219 : memref<!tpu.dma_semaphore, #tpu.memory_space<semaphore_mem>>) {add = true}
      %dma_wait3A_225 = arith.constant 0 : i32
      %dma_wait3A_226 = tpu.memref_slice %arg8[%run_scoped3A_192, %dma_wait3A_225] : memref<79x128xi32, #tpu.memory_space<vmem>> -> memref<1x128xi32, #tpu.memory_space<vmem>>
      %dma_wait3A_227 = tpu.memref_squeeze %dma_wait3A_226 : memref<1x128xi32, #tpu.memory_space<vmem>> -> memref<128xi32, #tpu.memory_space<vmem>>
      %dma_wait3A_228 = arith.constant 0 : i32
      %dma_wait3A_229 = tpu.memref_slice %arg15[%dma_wait3A_228] : memref<10240xf32, #tpu.memory_space<vmem_shared>> -> memref<10240xf32, #tpu.memory_space<vmem_shared>>
      tpu.wait_indirect_dma semaphore(%run_scoped3A_219 : memref<!tpu.dma_semaphore, #tpu.memory_space<semaphore_mem>>) src(%arg11 : memref<128xf32, #tpu.memory_space<vmem>>) dst(%dma_wait3A_229 : memref<10240xf32, #tpu.memory_space<vmem_shared>>)
      tpu.yield
    }) : () -> ()
    %run_scoped3A_193 = arith.constant 2 : i32
    %run_scoped3A_194 = arith.constant 74 : i32
    "tpu.region"() ({
      %run_scoped3A_219 = tpu.sem_alloc : memref<!tpu.dma_semaphore, #tpu.memory_space<semaphore_mem>>
      %dma_start3A_220 = arith.constant 0 : i32
      %dma_start3A_221 = arith.constant 0 : i32
      %dma_start3A_222 = tpu.memref_slice %arg9[%run_scoped3A_193, %dma_start3A_220, %dma_start3A_221] : memref<6x128x32xf32, #tpu.memory_space<vmem>> -> memref<1x128x32xf32, #tpu.memory_space<vmem>>
      %dma_start3A_223 = tpu.memref_squeeze %dma_start3A_222 : memref<1x128x32xf32, #tpu.memory_space<vmem>> -> memref<128x32xf32, #tpu.memory_space<vmem>>
      %dma_start3A_224 = arith.constant 0 : i32
      %dma_start3A_225 = tpu.memref_slice %arg8[%run_scoped3A_194, %dma_start3A_224] : memref<79x128xi32, #tpu.memory_space<vmem>> -> memref<1x128xi32, #tpu.memory_space<vmem>>
      %dma_start3A_226 = tpu.memref_squeeze %dma_start3A_225 : memref<1x128xi32, #tpu.memory_space<vmem>> -> memref<128xi32, #tpu.memory_space<vmem>>
      %dma_start3A_227 = arith.constant 0 : i32
      %dma_start3A_228 = arith.constant 0 : i32
      %dma_start3A_229 = tpu.memref_slice %arg14[%dma_start3A_227, %dma_start3A_228] : memref<10240x32xf32, #tpu.memory_space<vmem_shared>> -> memref<10240x32xf32, #tpu.memory_space<vmem_shared>>
      tpu.enqueue_indirect_dma source(%dma_start3A_223 : memref<128x32xf32, #tpu.memory_space<vmem>>) target(%dma_start3A_229 : memref<10240x32xf32, #tpu.memory_space<vmem_shared>>) offsets(%dma_start3A_226 : memref<128xi32, #tpu.memory_space<vmem>>) semaphore(%run_scoped3A_219 : memref<!tpu.dma_semaphore, #tpu.memory_space<semaphore_mem>>) {add = true}
      %dma_wait3A_230 = arith.constant 0 : i32
      %dma_wait3A_231 = arith.constant 0 : i32
      %dma_wait3A_232 = tpu.memref_slice %arg9[%run_scoped3A_193, %dma_wait3A_230, %dma_wait3A_231] : memref<6x128x32xf32, #tpu.memory_space<vmem>> -> memref<1x128x32xf32, #tpu.memory_space<vmem>>
      %dma_wait3A_233 = tpu.memref_squeeze %dma_wait3A_232 : memref<1x128x32xf32, #tpu.memory_space<vmem>> -> memref<128x32xf32, #tpu.memory_space<vmem>>
      %dma_wait3A_234 = arith.constant 0 : i32
      %dma_wait3A_235 = tpu.memref_slice %arg8[%run_scoped3A_194, %dma_wait3A_234] : memref<79x128xi32, #tpu.memory_space<vmem>> -> memref<1x128xi32, #tpu.memory_space<vmem>>
      %dma_wait3A_236 = tpu.memref_squeeze %dma_wait3A_235 : memref<1x128xi32, #tpu.memory_space<vmem>> -> memref<128xi32, #tpu.memory_space<vmem>>
      %dma_wait3A_237 = arith.constant 0 : i32
      %dma_wait3A_238 = arith.constant 0 : i32
      %dma_wait3A_239 = tpu.memref_slice %arg14[%dma_wait3A_237, %dma_wait3A_238] : memref<10240x32xf32, #tpu.memory_space<vmem_shared>> -> memref<10240x32xf32, #tpu.memory_space<vmem_shared>>
      tpu.wait_indirect_dma semaphore(%run_scoped3A_219 : memref<!tpu.dma_semaphore, #tpu.memory_space<semaphore_mem>>) src(%dma_wait3A_233 : memref<128x32xf32, #tpu.memory_space<vmem>>) dst(%dma_wait3A_239 : memref<10240x32xf32, #tpu.memory_space<vmem_shared>>)
      tpu.yield
    }) : () -> ()
    %run_scoped3A_195 = arith.constant 74 : i32
    "tpu.region"() ({
      %run_scoped3A_219 = tpu.sem_alloc : memref<!tpu.dma_semaphore, #tpu.memory_space<semaphore_mem>>
      %dma_start3A_220 = arith.constant 0 : i32
      %dma_start3A_221 = tpu.memref_slice %arg8[%run_scoped3A_195, %dma_start3A_220] : memref<79x128xi32, #tpu.memory_space<vmem>> -> memref<1x128xi32, #tpu.memory_space<vmem>>
      %dma_start3A_222 = tpu.memref_squeeze %dma_start3A_221 : memref<1x128xi32, #tpu.memory_space<vmem>> -> memref<128xi32, #tpu.memory_space<vmem>>
      %dma_start3A_223 = arith.constant 0 : i32
      %dma_start3A_224 = tpu.memref_slice %arg15[%dma_start3A_223] : memref<10240xf32, #tpu.memory_space<vmem_shared>> -> memref<10240xf32, #tpu.memory_space<vmem_shared>>
      tpu.enqueue_indirect_dma source(%arg11 : memref<128xf32, #tpu.memory_space<vmem>>) target(%dma_start3A_224 : memref<10240xf32, #tpu.memory_space<vmem_shared>>) offsets(%dma_start3A_222 : memref<128xi32, #tpu.memory_space<vmem>>) semaphore(%run_scoped3A_219 : memref<!tpu.dma_semaphore, #tpu.memory_space<semaphore_mem>>) {add = true}
      %dma_wait3A_225 = arith.constant 0 : i32
      %dma_wait3A_226 = tpu.memref_slice %arg8[%run_scoped3A_195, %dma_wait3A_225] : memref<79x128xi32, #tpu.memory_space<vmem>> -> memref<1x128xi32, #tpu.memory_space<vmem>>
      %dma_wait3A_227 = tpu.memref_squeeze %dma_wait3A_226 : memref<1x128xi32, #tpu.memory_space<vmem>> -> memref<128xi32, #tpu.memory_space<vmem>>
      %dma_wait3A_228 = arith.constant 0 : i32
      %dma_wait3A_229 = tpu.memref_slice %arg15[%dma_wait3A_228] : memref<10240xf32, #tpu.memory_space<vmem_shared>> -> memref<10240xf32, #tpu.memory_space<vmem_shared>>
      tpu.wait_indirect_dma semaphore(%run_scoped3A_219 : memref<!tpu.dma_semaphore, #tpu.memory_space<semaphore_mem>>) src(%arg11 : memref<128xf32, #tpu.memory_space<vmem>>) dst(%dma_wait3A_229 : memref<10240xf32, #tpu.memory_space<vmem_shared>>)
      tpu.yield
    }) : () -> ()
    %run_scoped3A_196 = arith.constant 3 : i32
    %run_scoped3A_197 = arith.constant 75 : i32
    "tpu.region"() ({
      %run_scoped3A_219 = tpu.sem_alloc : memref<!tpu.dma_semaphore, #tpu.memory_space<semaphore_mem>>
      %dma_start3A_220 = arith.constant 0 : i32
      %dma_start3A_221 = arith.constant 0 : i32
      %dma_start3A_222 = tpu.memref_slice %arg9[%run_scoped3A_196, %dma_start3A_220, %dma_start3A_221] : memref<6x128x32xf32, #tpu.memory_space<vmem>> -> memref<1x128x32xf32, #tpu.memory_space<vmem>>
      %dma_start3A_223 = tpu.memref_squeeze %dma_start3A_222 : memref<1x128x32xf32, #tpu.memory_space<vmem>> -> memref<128x32xf32, #tpu.memory_space<vmem>>
      %dma_start3A_224 = arith.constant 0 : i32
      %dma_start3A_225 = tpu.memref_slice %arg8[%run_scoped3A_197, %dma_start3A_224] : memref<79x128xi32, #tpu.memory_space<vmem>> -> memref<1x128xi32, #tpu.memory_space<vmem>>
      %dma_start3A_226 = tpu.memref_squeeze %dma_start3A_225 : memref<1x128xi32, #tpu.memory_space<vmem>> -> memref<128xi32, #tpu.memory_space<vmem>>
      %dma_start3A_227 = arith.constant 0 : i32
      %dma_start3A_228 = arith.constant 0 : i32
      %dma_start3A_229 = tpu.memref_slice %arg14[%dma_start3A_227, %dma_start3A_228] : memref<10240x32xf32, #tpu.memory_space<vmem_shared>> -> memref<10240x32xf32, #tpu.memory_space<vmem_shared>>
      tpu.enqueue_indirect_dma source(%dma_start3A_223 : memref<128x32xf32, #tpu.memory_space<vmem>>) target(%dma_start3A_229 : memref<10240x32xf32, #tpu.memory_space<vmem_shared>>) offsets(%dma_start3A_226 : memref<128xi32, #tpu.memory_space<vmem>>) semaphore(%run_scoped3A_219 : memref<!tpu.dma_semaphore, #tpu.memory_space<semaphore_mem>>) {add = true}
      %dma_wait3A_230 = arith.constant 0 : i32
      %dma_wait3A_231 = arith.constant 0 : i32
      %dma_wait3A_232 = tpu.memref_slice %arg9[%run_scoped3A_196, %dma_wait3A_230, %dma_wait3A_231] : memref<6x128x32xf32, #tpu.memory_space<vmem>> -> memref<1x128x32xf32, #tpu.memory_space<vmem>>
      %dma_wait3A_233 = tpu.memref_squeeze %dma_wait3A_232 : memref<1x128x32xf32, #tpu.memory_space<vmem>> -> memref<128x32xf32, #tpu.memory_space<vmem>>
      %dma_wait3A_234 = arith.constant 0 : i32
      %dma_wait3A_235 = tpu.memref_slice %arg8[%run_scoped3A_197, %dma_wait3A_234] : memref<79x128xi32, #tpu.memory_space<vmem>> -> memref<1x128xi32, #tpu.memory_space<vmem>>
      %dma_wait3A_236 = tpu.memref_squeeze %dma_wait3A_235 : memref<1x128xi32, #tpu.memory_space<vmem>> -> memref<128xi32, #tpu.memory_space<vmem>>
      %dma_wait3A_237 = arith.constant 0 : i32
      %dma_wait3A_238 = arith.constant 0 : i32
      %dma_wait3A_239 = tpu.memref_slice %arg14[%dma_wait3A_237, %dma_wait3A_238] : memref<10240x32xf32, #tpu.memory_space<vmem_shared>> -> memref<10240x32xf32, #tpu.memory_space<vmem_shared>>
      tpu.wait_indirect_dma semaphore(%run_scoped3A_219 : memref<!tpu.dma_semaphore, #tpu.memory_space<semaphore_mem>>) src(%dma_wait3A_233 : memref<128x32xf32, #tpu.memory_space<vmem>>) dst(%dma_wait3A_239 : memref<10240x32xf32, #tpu.memory_space<vmem_shared>>)
      tpu.yield
    }) : () -> ()
    %run_scoped3A_198 = arith.constant 75 : i32
    "tpu.region"() ({
      %run_scoped3A_219 = tpu.sem_alloc : memref<!tpu.dma_semaphore, #tpu.memory_space<semaphore_mem>>
      %dma_start3A_220 = arith.constant 0 : i32
      %dma_start3A_221 = tpu.memref_slice %arg8[%run_scoped3A_198, %dma_start3A_220] : memref<79x128xi32, #tpu.memory_space<vmem>> -> memref<1x128xi32, #tpu.memory_space<vmem>>
      %dma_start3A_222 = tpu.memref_squeeze %dma_start3A_221 : memref<1x128xi32, #tpu.memory_space<vmem>> -> memref<128xi32, #tpu.memory_space<vmem>>
      %dma_start3A_223 = arith.constant 0 : i32
      %dma_start3A_224 = tpu.memref_slice %arg15[%dma_start3A_223] : memref<10240xf32, #tpu.memory_space<vmem_shared>> -> memref<10240xf32, #tpu.memory_space<vmem_shared>>
      tpu.enqueue_indirect_dma source(%arg11 : memref<128xf32, #tpu.memory_space<vmem>>) target(%dma_start3A_224 : memref<10240xf32, #tpu.memory_space<vmem_shared>>) offsets(%dma_start3A_222 : memref<128xi32, #tpu.memory_space<vmem>>) semaphore(%run_scoped3A_219 : memref<!tpu.dma_semaphore, #tpu.memory_space<semaphore_mem>>) {add = true}
      %dma_wait3A_225 = arith.constant 0 : i32
      %dma_wait3A_226 = tpu.memref_slice %arg8[%run_scoped3A_198, %dma_wait3A_225] : memref<79x128xi32, #tpu.memory_space<vmem>> -> memref<1x128xi32, #tpu.memory_space<vmem>>
      %dma_wait3A_227 = tpu.memref_squeeze %dma_wait3A_226 : memref<1x128xi32, #tpu.memory_space<vmem>> -> memref<128xi32, #tpu.memory_space<vmem>>
      %dma_wait3A_228 = arith.constant 0 : i32
      %dma_wait3A_229 = tpu.memref_slice %arg15[%dma_wait3A_228] : memref<10240xf32, #tpu.memory_space<vmem_shared>> -> memref<10240xf32, #tpu.memory_space<vmem_shared>>
      tpu.wait_indirect_dma semaphore(%run_scoped3A_219 : memref<!tpu.dma_semaphore, #tpu.memory_space<semaphore_mem>>) src(%arg11 : memref<128xf32, #tpu.memory_space<vmem>>) dst(%dma_wait3A_229 : memref<10240xf32, #tpu.memory_space<vmem_shared>>)
      tpu.yield
    }) : () -> ()
    %run_scoped3A_199 = arith.constant 4 : i32
    %run_scoped3A_200 = arith.constant 76 : i32
    "tpu.region"() ({
      %run_scoped3A_219 = tpu.sem_alloc : memref<!tpu.dma_semaphore, #tpu.memory_space<semaphore_mem>>
      %dma_start3A_220 = arith.constant 0 : i32
      %dma_start3A_221 = arith.constant 0 : i32
      %dma_start3A_222 = tpu.memref_slice %arg9[%run_scoped3A_199, %dma_start3A_220, %dma_start3A_221] : memref<6x128x32xf32, #tpu.memory_space<vmem>> -> memref<1x128x32xf32, #tpu.memory_space<vmem>>
      %dma_start3A_223 = tpu.memref_squeeze %dma_start3A_222 : memref<1x128x32xf32, #tpu.memory_space<vmem>> -> memref<128x32xf32, #tpu.memory_space<vmem>>
      %dma_start3A_224 = arith.constant 0 : i32
      %dma_start3A_225 = tpu.memref_slice %arg8[%run_scoped3A_200, %dma_start3A_224] : memref<79x128xi32, #tpu.memory_space<vmem>> -> memref<1x128xi32, #tpu.memory_space<vmem>>
      %dma_start3A_226 = tpu.memref_squeeze %dma_start3A_225 : memref<1x128xi32, #tpu.memory_space<vmem>> -> memref<128xi32, #tpu.memory_space<vmem>>
      %dma_start3A_227 = arith.constant 0 : i32
      %dma_start3A_228 = arith.constant 0 : i32
      %dma_start3A_229 = tpu.memref_slice %arg14[%dma_start3A_227, %dma_start3A_228] : memref<10240x32xf32, #tpu.memory_space<vmem_shared>> -> memref<10240x32xf32, #tpu.memory_space<vmem_shared>>
      tpu.enqueue_indirect_dma source(%dma_start3A_223 : memref<128x32xf32, #tpu.memory_space<vmem>>) target(%dma_start3A_229 : memref<10240x32xf32, #tpu.memory_space<vmem_shared>>) offsets(%dma_start3A_226 : memref<128xi32, #tpu.memory_space<vmem>>) semaphore(%run_scoped3A_219 : memref<!tpu.dma_semaphore, #tpu.memory_space<semaphore_mem>>) {add = true}
      %dma_wait3A_230 = arith.constant 0 : i32
      %dma_wait3A_231 = arith.constant 0 : i32
      %dma_wait3A_232 = tpu.memref_slice %arg9[%run_scoped3A_199, %dma_wait3A_230, %dma_wait3A_231] : memref<6x128x32xf32, #tpu.memory_space<vmem>> -> memref<1x128x32xf32, #tpu.memory_space<vmem>>
      %dma_wait3A_233 = tpu.memref_squeeze %dma_wait3A_232 : memref<1x128x32xf32, #tpu.memory_space<vmem>> -> memref<128x32xf32, #tpu.memory_space<vmem>>
      %dma_wait3A_234 = arith.constant 0 : i32
      %dma_wait3A_235 = tpu.memref_slice %arg8[%run_scoped3A_200, %dma_wait3A_234] : memref<79x128xi32, #tpu.memory_space<vmem>> -> memref<1x128xi32, #tpu.memory_space<vmem>>
      %dma_wait3A_236 = tpu.memref_squeeze %dma_wait3A_235 : memref<1x128xi32, #tpu.memory_space<vmem>> -> memref<128xi32, #tpu.memory_space<vmem>>
      %dma_wait3A_237 = arith.constant 0 : i32
      %dma_wait3A_238 = arith.constant 0 : i32
      %dma_wait3A_239 = tpu.memref_slice %arg14[%dma_wait3A_237, %dma_wait3A_238] : memref<10240x32xf32, #tpu.memory_space<vmem_shared>> -> memref<10240x32xf32, #tpu.memory_space<vmem_shared>>
      tpu.wait_indirect_dma semaphore(%run_scoped3A_219 : memref<!tpu.dma_semaphore, #tpu.memory_space<semaphore_mem>>) src(%dma_wait3A_233 : memref<128x32xf32, #tpu.memory_space<vmem>>) dst(%dma_wait3A_239 : memref<10240x32xf32, #tpu.memory_space<vmem_shared>>)
      tpu.yield
    }) : () -> ()
    %run_scoped3A_201 = arith.constant 76 : i32
    "tpu.region"() ({
      %run_scoped3A_219 = tpu.sem_alloc : memref<!tpu.dma_semaphore, #tpu.memory_space<semaphore_mem>>
      %dma_start3A_220 = arith.constant 0 : i32
      %dma_start3A_221 = tpu.memref_slice %arg8[%run_scoped3A_201, %dma_start3A_220] : memref<79x128xi32, #tpu.memory_space<vmem>> -> memref<1x128xi32, #tpu.memory_space<vmem>>
      %dma_start3A_222 = tpu.memref_squeeze %dma_start3A_221 : memref<1x128xi32, #tpu.memory_space<vmem>> -> memref<128xi32, #tpu.memory_space<vmem>>
      %dma_start3A_223 = arith.constant 0 : i32
      %dma_start3A_224 = tpu.memref_slice %arg15[%dma_start3A_223] : memref<10240xf32, #tpu.memory_space<vmem_shared>> -> memref<10240xf32, #tpu.memory_space<vmem_shared>>
      tpu.enqueue_indirect_dma source(%arg11 : memref<128xf32, #tpu.memory_space<vmem>>) target(%dma_start3A_224 : memref<10240xf32, #tpu.memory_space<vmem_shared>>) offsets(%dma_start3A_222 : memref<128xi32, #tpu.memory_space<vmem>>) semaphore(%run_scoped3A_219 : memref<!tpu.dma_semaphore, #tpu.memory_space<semaphore_mem>>) {add = true}
      %dma_wait3A_225 = arith.constant 0 : i32
      %dma_wait3A_226 = tpu.memref_slice %arg8[%run_scoped3A_201, %dma_wait3A_225] : memref<79x128xi32, #tpu.memory_space<vmem>> -> memref<1x128xi32, #tpu.memory_space<vmem>>
      %dma_wait3A_227 = tpu.memref_squeeze %dma_wait3A_226 : memref<1x128xi32, #tpu.memory_space<vmem>> -> memref<128xi32, #tpu.memory_space<vmem>>
      %dma_wait3A_228 = arith.constant 0 : i32
      %dma_wait3A_229 = tpu.memref_slice %arg15[%dma_wait3A_228] : memref<10240xf32, #tpu.memory_space<vmem_shared>> -> memref<10240xf32, #tpu.memory_space<vmem_shared>>
      tpu.wait_indirect_dma semaphore(%run_scoped3A_219 : memref<!tpu.dma_semaphore, #tpu.memory_space<semaphore_mem>>) src(%arg11 : memref<128xf32, #tpu.memory_space<vmem>>) dst(%dma_wait3A_229 : memref<10240xf32, #tpu.memory_space<vmem_shared>>)
      tpu.yield
    }) : () -> ()
    %run_scoped3A_202 = arith.constant 5 : i32
    %run_scoped3A_203 = arith.constant 77 : i32
    "tpu.region"() ({
      %run_scoped3A_219 = tpu.sem_alloc : memref<!tpu.dma_semaphore, #tpu.memory_space<semaphore_mem>>
      %dma_start3A_220 = arith.constant 0 : i32
      %dma_start3A_221 = arith.constant 0 : i32
      %dma_start3A_222 = tpu.memref_slice %arg9[%run_scoped3A_202, %dma_start3A_220, %dma_start3A_221] : memref<6x128x32xf32, #tpu.memory_space<vmem>> -> memref<1x128x32xf32, #tpu.memory_space<vmem>>
      %dma_start3A_223 = tpu.memref_squeeze %dma_start3A_222 : memref<1x128x32xf32, #tpu.memory_space<vmem>> -> memref<128x32xf32, #tpu.memory_space<vmem>>
      %dma_start3A_224 = arith.constant 0 : i32
      %dma_start3A_225 = tpu.memref_slice %arg8[%run_scoped3A_203, %dma_start3A_224] : memref<79x128xi32, #tpu.memory_space<vmem>> -> memref<1x128xi32, #tpu.memory_space<vmem>>
      %dma_start3A_226 = tpu.memref_squeeze %dma_start3A_225 : memref<1x128xi32, #tpu.memory_space<vmem>> -> memref<128xi32, #tpu.memory_space<vmem>>
      %dma_start3A_227 = arith.constant 0 : i32
      %dma_start3A_228 = arith.constant 0 : i32
      %dma_start3A_229 = tpu.memref_slice %arg14[%dma_start3A_227, %dma_start3A_228] : memref<10240x32xf32, #tpu.memory_space<vmem_shared>> -> memref<10240x32xf32, #tpu.memory_space<vmem_shared>>
      tpu.enqueue_indirect_dma source(%dma_start3A_223 : memref<128x32xf32, #tpu.memory_space<vmem>>) target(%dma_start3A_229 : memref<10240x32xf32, #tpu.memory_space<vmem_shared>>) offsets(%dma_start3A_226 : memref<128xi32, #tpu.memory_space<vmem>>) semaphore(%run_scoped3A_219 : memref<!tpu.dma_semaphore, #tpu.memory_space<semaphore_mem>>) {add = true}
      %dma_wait3A_230 = arith.constant 0 : i32
      %dma_wait3A_231 = arith.constant 0 : i32
      %dma_wait3A_232 = tpu.memref_slice %arg9[%run_scoped3A_202, %dma_wait3A_230, %dma_wait3A_231] : memref<6x128x32xf32, #tpu.memory_space<vmem>> -> memref<1x128x32xf32, #tpu.memory_space<vmem>>
      %dma_wait3A_233 = tpu.memref_squeeze %dma_wait3A_232 : memref<1x128x32xf32, #tpu.memory_space<vmem>> -> memref<128x32xf32, #tpu.memory_space<vmem>>
      %dma_wait3A_234 = arith.constant 0 : i32
      %dma_wait3A_235 = tpu.memref_slice %arg8[%run_scoped3A_203, %dma_wait3A_234] : memref<79x128xi32, #tpu.memory_space<vmem>> -> memref<1x128xi32, #tpu.memory_space<vmem>>
      %dma_wait3A_236 = tpu.memref_squeeze %dma_wait3A_235 : memref<1x128xi32, #tpu.memory_space<vmem>> -> memref<128xi32, #tpu.memory_space<vmem>>
      %dma_wait3A_237 = arith.constant 0 : i32
      %dma_wait3A_238 = arith.constant 0 : i32
      %dma_wait3A_239 = tpu.memref_slice %arg14[%dma_wait3A_237, %dma_wait3A_238] : memref<10240x32xf32, #tpu.memory_space<vmem_shared>> -> memref<10240x32xf32, #tpu.memory_space<vmem_shared>>
      tpu.wait_indirect_dma semaphore(%run_scoped3A_219 : memref<!tpu.dma_semaphore, #tpu.memory_space<semaphore_mem>>) src(%dma_wait3A_233 : memref<128x32xf32, #tpu.memory_space<vmem>>) dst(%dma_wait3A_239 : memref<10240x32xf32, #tpu.memory_space<vmem_shared>>)
      tpu.yield
    }) : () -> ()
    %run_scoped3A_204 = arith.constant 77 : i32
    "tpu.region"() ({
      %run_scoped3A_219 = tpu.sem_alloc : memref<!tpu.dma_semaphore, #tpu.memory_space<semaphore_mem>>
      %dma_start3A_220 = arith.constant 0 : i32
      %dma_start3A_221 = tpu.memref_slice %arg8[%run_scoped3A_204, %dma_start3A_220] : memref<79x128xi32, #tpu.memory_space<vmem>> -> memref<1x128xi32, #tpu.memory_space<vmem>>
      %dma_start3A_222 = tpu.memref_squeeze %dma_start3A_221 : memref<1x128xi32, #tpu.memory_space<vmem>> -> memref<128xi32, #tpu.memory_space<vmem>>
      %dma_start3A_223 = arith.constant 0 : i32
      %dma_start3A_224 = tpu.memref_slice %arg15[%dma_start3A_223] : memref<10240xf32, #tpu.memory_space<vmem_shared>> -> memref<10240xf32, #tpu.memory_space<vmem_shared>>
      tpu.enqueue_indirect_dma source(%arg11 : memref<128xf32, #tpu.memory_space<vmem>>) target(%dma_start3A_224 : memref<10240xf32, #tpu.memory_space<vmem_shared>>) offsets(%dma_start3A_222 : memref<128xi32, #tpu.memory_space<vmem>>) semaphore(%run_scoped3A_219 : memref<!tpu.dma_semaphore, #tpu.memory_space<semaphore_mem>>) {add = true}
      %dma_wait3A_225 = arith.constant 0 : i32
      %dma_wait3A_226 = tpu.memref_slice %arg8[%run_scoped3A_204, %dma_wait3A_225] : memref<79x128xi32, #tpu.memory_space<vmem>> -> memref<1x128xi32, #tpu.memory_space<vmem>>
      %dma_wait3A_227 = tpu.memref_squeeze %dma_wait3A_226 : memref<1x128xi32, #tpu.memory_space<vmem>> -> memref<128xi32, #tpu.memory_space<vmem>>
      %dma_wait3A_228 = arith.constant 0 : i32
      %dma_wait3A_229 = tpu.memref_slice %arg15[%dma_wait3A_228] : memref<10240xf32, #tpu.memory_space<vmem_shared>> -> memref<10240xf32, #tpu.memory_space<vmem_shared>>
      tpu.wait_indirect_dma semaphore(%run_scoped3A_219 : memref<!tpu.dma_semaphore, #tpu.memory_space<semaphore_mem>>) src(%arg11 : memref<128xf32, #tpu.memory_space<vmem>>) dst(%dma_wait3A_229 : memref<10240xf32, #tpu.memory_space<vmem_shared>>)
      tpu.yield
    }) : () -> ()
    %lt3A_205 = arith.constant 4 : i32
    %lt3A_206 = arith.cmpi slt, %add3A, %lt3A_205 : i32
    %convert_element_type3A_207 = arith.extui %lt3A_206 : i1 to i32
    %cond3A_208 = arith.constant 0 : i32
    %cond3A_209 = arith.cmpi ne, %convert_element_type3A_207, %cond3A_208 : i32
    scf.if %cond3A_209 {
      %dma_start3A_219 = arith.constant 0 : i32
      %dma_start3A_220 = arith.constant 0 : i32
      %dma_start3A_221 = arith.constant 0 : i32
      %dma_start3A_222 = tpu.memref_slice %arg9[%dma_start3A_219, %dma_start3A_220, %dma_start3A_221] : memref<6x128x32xf32, #tpu.memory_space<vmem>> -> memref<1x128x32xf32, #tpu.memory_space<vmem>>
      %dma_start3A_223 = tpu.memref_squeeze %dma_start3A_222 : memref<1x128x32xf32, #tpu.memory_space<vmem>> -> memref<128x32xf32, #tpu.memory_space<vmem>>
      %dma_start3A_224 = arith.constant 9984 : i32
      %dma_start3A_225 = tpu.memref_slice %arg6[%dma_start3A_224] : memref<10112xi32, #tpu.memory_space<vmem>> -> memref<128xi32, #tpu.memory_space<vmem>>
      %dma_start3A_226 = arith.constant 0 : i32
      %dma_start3A_227 = arith.constant 0 : i32
      %dma_start3A_228 = tpu.memref_slice %arg3[%dma_start3A_226, %dma_start3A_227] : memref<10000x32xf32, #tpu.memory_space<hbm>> -> memref<10000x32xf32, #tpu.memory_space<hbm>>
      tpu.enqueue_indirect_dma source(%dma_start3A_228 : memref<10000x32xf32, #tpu.memory_space<hbm>>) target(%dma_start3A_223 : memref<128x32xf32, #tpu.memory_space<vmem>>) offsets(%dma_start3A_225 : memref<128xi32, #tpu.memory_space<vmem>>) semaphore(%arg16 : memref<!tpu.dma_semaphore, #tpu.memory_space<semaphore_mem>>)
      %dma_wait3A_229 = arith.constant 0 : i32
      %dma_wait3A_230 = arith.constant 0 : i32
      %dma_wait3A_231 = arith.constant 0 : i32
      %dma_wait3A_232 = tpu.memref_slice %arg9[%dma_wait3A_229, %dma_wait3A_230, %dma_wait3A_231] : memref<6x128x32xf32, #tpu.memory_space<vmem>> -> memref<1x128x32xf32, #tpu.memory_space<vmem>>
      %dma_wait3A_233 = tpu.memref_squeeze %dma_wait3A_232 : memref<1x128x32xf32, #tpu.memory_space<vmem>> -> memref<128x32xf32, #tpu.memory_space<vmem>>
      %dma_wait3A_234 = arith.constant 9984 : i32
      %dma_wait3A_235 = tpu.memref_slice %arg6[%dma_wait3A_234] : memref<10112xi32, #tpu.memory_space<vmem>> -> memref<128xi32, #tpu.memory_space<vmem>>
      %dma_wait3A_236 = arith.constant 0 : i32
      %dma_wait3A_237 = arith.constant 0 : i32
      %dma_wait3A_238 = tpu.memref_slice %arg3[%dma_wait3A_236, %dma_wait3A_237] : memref<10000x32xf32, #tpu.memory_space<hbm>> -> memref<10000x32xf32, #tpu.memory_space<hbm>>
      tpu.wait_indirect_dma semaphore(%arg16 : memref<!tpu.dma_semaphore, #tpu.memory_space<semaphore_mem>>) src(%dma_wait3A_238 : memref<10000x32xf32, #tpu.memory_space<hbm>>) dst(%dma_wait3A_233 : memref<128x32xf32, #tpu.memory_space<vmem>>)
      %run_scoped3A_239 = arith.constant 0 : i32
      %run_scoped3A_240 = arith.constant 78 : i32
      "tpu.region"() ({
        %run_scoped3A_242 = tpu.sem_alloc : memref<!tpu.dma_semaphore, #tpu.memory_space<semaphore_mem>>
        %dma_start3A_243 = arith.constant 0 : i32
        %dma_start3A_244 = arith.constant 0 : i32
        %dma_start3A_245 = tpu.memref_slice %arg9[%run_scoped3A_239, %dma_start3A_243, %dma_start3A_244] : memref<6x128x32xf32, #tpu.memory_space<vmem>> -> memref<1x128x32xf32, #tpu.memory_space<vmem>>
        %dma_start3A_246 = tpu.memref_squeeze %dma_start3A_245 : memref<1x128x32xf32, #tpu.memory_space<vmem>> -> memref<128x32xf32, #tpu.memory_space<vmem>>
        %dma_start3A_247 = arith.constant 0 : i32
        %dma_start3A_248 = tpu.memref_slice %arg8[%run_scoped3A_240, %dma_start3A_247] : memref<79x128xi32, #tpu.memory_space<vmem>> -> memref<1x128xi32, #tpu.memory_space<vmem>>
        %dma_start3A_249 = tpu.memref_squeeze %dma_start3A_248 : memref<1x128xi32, #tpu.memory_space<vmem>> -> memref<128xi32, #tpu.memory_space<vmem>>
        %dma_start3A_250 = arith.constant 0 : i32
        %dma_start3A_251 = arith.constant 0 : i32
        %dma_start3A_252 = tpu.memref_slice %arg14[%dma_start3A_250, %dma_start3A_251] : memref<10240x32xf32, #tpu.memory_space<vmem_shared>> -> memref<10240x32xf32, #tpu.memory_space<vmem_shared>>
        tpu.enqueue_indirect_dma source(%dma_start3A_246 : memref<128x32xf32, #tpu.memory_space<vmem>>) target(%dma_start3A_252 : memref<10240x32xf32, #tpu.memory_space<vmem_shared>>) offsets(%dma_start3A_249 : memref<128xi32, #tpu.memory_space<vmem>>) semaphore(%run_scoped3A_242 : memref<!tpu.dma_semaphore, #tpu.memory_space<semaphore_mem>>) {add = true}
        %dma_wait3A_253 = arith.constant 0 : i32
        %dma_wait3A_254 = arith.constant 0 : i32
        %dma_wait3A_255 = tpu.memref_slice %arg9[%run_scoped3A_239, %dma_wait3A_253, %dma_wait3A_254] : memref<6x128x32xf32, #tpu.memory_space<vmem>> -> memref<1x128x32xf32, #tpu.memory_space<vmem>>
        %dma_wait3A_256 = tpu.memref_squeeze %dma_wait3A_255 : memref<1x128x32xf32, #tpu.memory_space<vmem>> -> memref<128x32xf32, #tpu.memory_space<vmem>>
        %dma_wait3A_257 = arith.constant 0 : i32
        %dma_wait3A_258 = tpu.memref_slice %arg8[%run_scoped3A_240, %dma_wait3A_257] : memref<79x128xi32, #tpu.memory_space<vmem>> -> memref<1x128xi32, #tpu.memory_space<vmem>>
        %dma_wait3A_259 = tpu.memref_squeeze %dma_wait3A_258 : memref<1x128xi32, #tpu.memory_space<vmem>> -> memref<128xi32, #tpu.memory_space<vmem>>
        %dma_wait3A_260 = arith.constant 0 : i32
        %dma_wait3A_261 = arith.constant 0 : i32
        %dma_wait3A_262 = tpu.memref_slice %arg14[%dma_wait3A_260, %dma_wait3A_261] : memref<10240x32xf32, #tpu.memory_space<vmem_shared>> -> memref<10240x32xf32, #tpu.memory_space<vmem_shared>>
        tpu.wait_indirect_dma semaphore(%run_scoped3A_242 : memref<!tpu.dma_semaphore, #tpu.memory_space<semaphore_mem>>) src(%dma_wait3A_256 : memref<128x32xf32, #tpu.memory_space<vmem>>) dst(%dma_wait3A_262 : memref<10240x32xf32, #tpu.memory_space<vmem_shared>>)
        tpu.yield
      }) : () -> ()
      %run_scoped3A_241 = arith.constant 78 : i32
      "tpu.region"() ({
        %run_scoped3A_242 = tpu.sem_alloc : memref<!tpu.dma_semaphore, #tpu.memory_space<semaphore_mem>>
        %dma_start3A_243 = arith.constant 0 : i32
        %dma_start3A_244 = tpu.memref_slice %arg8[%run_scoped3A_241, %dma_start3A_243] : memref<79x128xi32, #tpu.memory_space<vmem>> -> memref<1x128xi32, #tpu.memory_space<vmem>>
        %dma_start3A_245 = tpu.memref_squeeze %dma_start3A_244 : memref<1x128xi32, #tpu.memory_space<vmem>> -> memref<128xi32, #tpu.memory_space<vmem>>
        %dma_start3A_246 = arith.constant 0 : i32
        %dma_start3A_247 = tpu.memref_slice %arg15[%dma_start3A_246] : memref<10240xf32, #tpu.memory_space<vmem_shared>> -> memref<10240xf32, #tpu.memory_space<vmem_shared>>
        tpu.enqueue_indirect_dma source(%arg11 : memref<128xf32, #tpu.memory_space<vmem>>) target(%dma_start3A_247 : memref<10240xf32, #tpu.memory_space<vmem_shared>>) offsets(%dma_start3A_245 : memref<128xi32, #tpu.memory_space<vmem>>) semaphore(%run_scoped3A_242 : memref<!tpu.dma_semaphore, #tpu.memory_space<semaphore_mem>>) {add = true}
        %dma_wait3A_248 = arith.constant 0 : i32
        %dma_wait3A_249 = tpu.memref_slice %arg8[%run_scoped3A_241, %dma_wait3A_248] : memref<79x128xi32, #tpu.memory_space<vmem>> -> memref<1x128xi32, #tpu.memory_space<vmem>>
        %dma_wait3A_250 = tpu.memref_squeeze %dma_wait3A_249 : memref<1x128xi32, #tpu.memory_space<vmem>> -> memref<128xi32, #tpu.memory_space<vmem>>
        %dma_wait3A_251 = arith.constant 0 : i32
        %dma_wait3A_252 = tpu.memref_slice %arg15[%dma_wait3A_251] : memref<10240xf32, #tpu.memory_space<vmem_shared>> -> memref<10240xf32, #tpu.memory_space<vmem_shared>>
        tpu.wait_indirect_dma semaphore(%run_scoped3A_242 : memref<!tpu.dma_semaphore, #tpu.memory_space<semaphore_mem>>) src(%arg11 : memref<128xf32, #tpu.memory_space<vmem>>) dst(%dma_wait3A_252 : memref<10240xf32, #tpu.memory_space<vmem_shared>>)
        tpu.yield
      }) : () -> ()
    } else {
    }
    %barrier3A_210 = arith.constant 0 : index
    tpu.barrier barrier_id(%barrier3A_210)
    %mul3A_211 = arith.constant 640 : i32
    %mul3A_212 = arith.muli %arg1, %mul3A_211 : i32
    "tpu.region"() ({
      %run_scoped3A_219 = tpu.sem_alloc : memref<!tpu.dma_semaphore, #tpu.memory_space<semaphore_mem>>
      %dma_start3A_220 = arith.constant 0 : i32
      %dma_start3A_221 = tpu.memref_slice %arg14[%mul3A_212, %dma_start3A_220] : memref<10240x32xf32, #tpu.memory_space<vmem_shared>> -> memref<640x32xf32, #tpu.memory_space<vmem_shared>>
      %dma_start3A_222 = arith.constant 0 : i32
      %dma_start3A_223 = tpu.memref_slice %arg14[%mul3A_212, %dma_start3A_222] : memref<10240x32xf32, #tpu.memory_space<vmem_shared>> -> memref<640x32xf32, #tpu.memory_space<vmem_shared>>
      tpu.enqueue_dma source(%dma_start3A_223 : memref<640x32xf32, #tpu.memory_space<vmem_shared>>) target(%arg12 : memref<640x32xf32, #tpu.memory_space<vmem>>) target_semaphore(%run_scoped3A_219 : memref<!tpu.dma_semaphore, #tpu.memory_space<semaphore_mem>>)
      %dma_wait3A_224 = arith.constant 0 : i32
      %dma_wait3A_225 = tpu.memref_slice %arg14[%mul3A_212, %dma_wait3A_224] : memref<10240x32xf32, #tpu.memory_space<vmem_shared>> -> memref<640x32xf32, #tpu.memory_space<vmem_shared>>
      %dma_wait3A_226 = arith.constant 0 : i32
      %dma_wait3A_227 = tpu.memref_slice %arg14[%mul3A_212, %dma_wait3A_226] : memref<10240x32xf32, #tpu.memory_space<vmem_shared>> -> memref<640x32xf32, #tpu.memory_space<vmem_shared>>
      tpu.wait_dma2 semaphore(%run_scoped3A_219 : memref<!tpu.dma_semaphore, #tpu.memory_space<semaphore_mem>>) src(%dma_wait3A_227 : memref<640x32xf32, #tpu.memory_space<vmem_shared>>) dst(%arg12 : memref<640x32xf32, #tpu.memory_space<vmem>>)
      tpu.yield
    }) : () -> ()
    %mul3A_213 = arith.constant 640 : i32
    %mul3A_214 = arith.muli %arg1, %mul3A_213 : i32
    "tpu.region"() ({
      %run_scoped3A_219 = tpu.sem_alloc : memref<!tpu.dma_semaphore, #tpu.memory_space<semaphore_mem>>
      %dma_start3A_220 = arith.constant 0 : i32
      %dma_start3A_221 = tpu.memref_slice %arg4[%arg0, %mul3A_214, %dma_start3A_220] : memref<2x10240x32xf32, #tpu.memory_space<hbm>> -> memref<1x640x32xf32, #tpu.memory_space<hbm>>
      %dma_start3A_222 = tpu.memref_squeeze %dma_start3A_221 : memref<1x640x32xf32, #tpu.memory_space<hbm>> -> memref<640x32xf32, #tpu.memory_space<hbm>>
      %dma_start3A_223 = arith.constant 0 : i32
      %dma_start3A_224 = tpu.memref_slice %arg4[%arg0, %mul3A_214, %dma_start3A_223] : memref<2x10240x32xf32, #tpu.memory_space<hbm>> -> memref<1x640x32xf32, #tpu.memory_space<hbm>>
      %dma_start3A_225 = tpu.memref_squeeze %dma_start3A_224 : memref<1x640x32xf32, #tpu.memory_space<hbm>> -> memref<640x32xf32, #tpu.memory_space<hbm>>
      tpu.enqueue_dma source(%arg12 : memref<640x32xf32, #tpu.memory_space<vmem>>) target(%dma_start3A_225 : memref<640x32xf32, #tpu.memory_space<hbm>>) target_semaphore(%run_scoped3A_219 : memref<!tpu.dma_semaphore, #tpu.memory_space<semaphore_mem>>)
      %dma_wait3A_226 = arith.constant 0 : i32
      %dma_wait3A_227 = tpu.memref_slice %arg4[%arg0, %mul3A_214, %dma_wait3A_226] : memref<2x10240x32xf32, #tpu.memory_space<hbm>> -> memref<1x640x32xf32, #tpu.memory_space<hbm>>
      %dma_wait3A_228 = tpu.memref_squeeze %dma_wait3A_227 : memref<1x640x32xf32, #tpu.memory_space<hbm>> -> memref<640x32xf32, #tpu.memory_space<hbm>>
      %dma_wait3A_229 = arith.constant 0 : i32
      %dma_wait3A_230 = tpu.memref_slice %arg4[%arg0, %mul3A_214, %dma_wait3A_229] : memref<2x10240x32xf32, #tpu.memory_space<hbm>> -> memref<1x640x32xf32, #tpu.memory_space<hbm>>
      %dma_wait3A_231 = tpu.memref_squeeze %dma_wait3A_230 : memref<1x640x32xf32, #tpu.memory_space<hbm>> -> memref<640x32xf32, #tpu.memory_space<hbm>>
      tpu.wait_dma2 semaphore(%run_scoped3A_219 : memref<!tpu.dma_semaphore, #tpu.memory_space<semaphore_mem>>) src(%arg12 : memref<640x32xf32, #tpu.memory_space<vmem>>) dst(%dma_wait3A_231 : memref<640x32xf32, #tpu.memory_space<hbm>>)
      tpu.yield
    }) : () -> ()
    %mul3A_215 = arith.constant 640 : i32
    %mul3A_216 = arith.muli %arg1, %mul3A_215 : i32
    "tpu.region"() ({
      %run_scoped3A_219 = tpu.sem_alloc : memref<!tpu.dma_semaphore, #tpu.memory_space<semaphore_mem>>
      %dma_start3A_220 = tpu.memref_slice %arg15[%mul3A_216] : memref<10240xf32, #tpu.memory_space<vmem_shared>> -> memref<640xf32, #tpu.memory_space<vmem_shared>>
      %dma_start3A_221 = tpu.memref_slice %arg15[%mul3A_216] : memref<10240xf32, #tpu.memory_space<vmem_shared>> -> memref<640xf32, #tpu.memory_space<vmem_shared>>
      tpu.enqueue_dma source(%dma_start3A_221 : memref<640xf32, #tpu.memory_space<vmem_shared>>) target(%arg13 : memref<640xf32, #tpu.memory_space<vmem>>) target_semaphore(%run_scoped3A_219 : memref<!tpu.dma_semaphore, #tpu.memory_space<semaphore_mem>>)
      %dma_wait3A_222 = tpu.memref_slice %arg15[%mul3A_216] : memref<10240xf32, #tpu.memory_space<vmem_shared>> -> memref<640xf32, #tpu.memory_space<vmem_shared>>
      %dma_wait3A_223 = tpu.memref_slice %arg15[%mul3A_216] : memref<10240xf32, #tpu.memory_space<vmem_shared>> -> memref<640xf32, #tpu.memory_space<vmem_shared>>
      tpu.wait_dma2 semaphore(%run_scoped3A_219 : memref<!tpu.dma_semaphore, #tpu.memory_space<semaphore_mem>>) src(%dma_wait3A_223 : memref<640xf32, #tpu.memory_space<vmem_shared>>) dst(%arg13 : memref<640xf32, #tpu.memory_space<vmem>>)
      tpu.yield
    }) : () -> ()
    %mul3A_217 = arith.constant 640 : i32
    %mul3A_218 = arith.muli %arg1, %mul3A_217 : i32
    "tpu.region"() ({
      %run_scoped3A_219 = tpu.sem_alloc : memref<!tpu.dma_semaphore, #tpu.memory_space<semaphore_mem>>
      %dma_start3A_220 = tpu.memref_slice %arg5[%arg0, %mul3A_218] : memref<2x10240xf32, #tpu.memory_space<hbm>> -> memref<1x640xf32, #tpu.memory_space<hbm>>
      %dma_start3A_221 = tpu.memref_squeeze %dma_start3A_220 : memref<1x640xf32, #tpu.memory_space<hbm>> -> memref<640xf32, #tpu.memory_space<hbm>>
      %dma_start3A_222 = tpu.memref_slice %arg5[%arg0, %mul3A_218] : memref<2x10240xf32, #tpu.memory_space<hbm>> -> memref<1x640xf32, #tpu.memory_space<hbm>>
      %dma_start3A_223 = tpu.memref_squeeze %dma_start3A_222 : memref<1x640xf32, #tpu.memory_space<hbm>> -> memref<640xf32, #tpu.memory_space<hbm>>
      tpu.enqueue_dma source(%arg13 : memref<640xf32, #tpu.memory_space<vmem>>) target(%dma_start3A_223 : memref<640xf32, #tpu.memory_space<hbm>>) target_semaphore(%run_scoped3A_219 : memref<!tpu.dma_semaphore, #tpu.memory_space<semaphore_mem>>)
      %dma_wait3A_224 = tpu.memref_slice %arg5[%arg0, %mul3A_218] : memref<2x10240xf32, #tpu.memory_space<hbm>> -> memref<1x640xf32, #tpu.memory_space<hbm>>
      %dma_wait3A_225 = tpu.memref_squeeze %dma_wait3A_224 : memref<1x640xf32, #tpu.memory_space<hbm>> -> memref<640xf32, #tpu.memory_space<hbm>>
      %dma_wait3A_226 = tpu.memref_slice %arg5[%arg0, %mul3A_218] : memref<2x10240xf32, #tpu.memory_space<hbm>> -> memref<1x640xf32, #tpu.memory_space<hbm>>
      %dma_wait3A_227 = tpu.memref_squeeze %dma_wait3A_226 : memref<1x640xf32, #tpu.memory_space<hbm>> -> memref<640xf32, #tpu.memory_space<hbm>>
      tpu.wait_dma2 semaphore(%run_scoped3A_219 : memref<!tpu.dma_semaphore, #tpu.memory_space<semaphore_mem>>) src(%arg13 : memref<640xf32, #tpu.memory_space<vmem>>) dst(%dma_wait3A_227 : memref<640xf32, #tpu.memory_space<hbm>>)
      tpu.yield
    }) : () -> ()
    return
  }
}

module attributes {stable_mosaic.version = 14 : i64} {
  func.func @body(%arg0: i32, %arg1: memref<2000x128xf32, #tpu.memory_space<vmem>>, %arg2: memref<256x32xf32, #tpu.memory_space<vmem>>, %arg3: memref<1x32xf32, #tpu.memory_space<vmem>>, %arg4: memref<2000x32xf32, #tpu.memory_space<vmem>>, %arg5: memref<2000x32xf32, #tpu.memory_space<vmem>>) attributes {dimension_semantics = [#tpu.dimension_semantics<arbitrary>], iteration_bounds = array<i64: 5>, scalar_prefetch = 0 : i64, scratch_operands = 0 : i64, tpu.core_type = #tpu.core_type<tc>, window_params = [{transform_indices = @transform_0, window_bounds = array<i64: 2000, 128>}, {pipeline_mode = #tpu.pipeline_mode<synchronous>, transform_indices = @transform_1, window_bounds = array<i64: 256, 32>}, {pipeline_mode = #tpu.pipeline_mode<synchronous>, transform_indices = @transform_2, window_bounds = array<i64: 1, 32>}, {transform_indices = @transform_3, window_bounds = array<i64: 2000, 32>}, {transform_indices = @transform_4, window_bounds = array<i64: 2000, 32>}]} {
    %get3A = arith.constant 0 : index
    %get3A_0 = arith.constant 0 : index
    %get3A_1 = vector.load %arg1[%get3A, %get3A_0] : memref<2000x128xf32, #tpu.memory_space<vmem>>, vector<2000x128xf32>
    %get3A_2 = arith.constant 0 : index
    %get3A_3 = arith.constant 0 : index
    %get3A_4 = vector.load %arg2[%get3A_2, %get3A_3] : memref<256x32xf32, #tpu.memory_space<vmem>>, vector<128x32xf32>
    %convert_element_type3A = arith.truncf %get3A_4 : vector<128x32xf32> to vector<128x32xbf16>
    %get3A_5 = arith.constant 128 : index
    %get3A_6 = arith.constant 0 : index
    %get3A_7 = vector.load %arg2[%get3A_5, %get3A_6] : memref<256x32xf32, #tpu.memory_space<vmem>>, vector<128x32xf32>
    %convert_element_type3A_8 = arith.truncf %get3A_7 : vector<128x32xf32> to vector<128x32xbf16>
    %convert_element_type3A_9 = arith.extf %convert_element_type3A_8 : vector<128x32xbf16> to vector<128x32xf32>
    %dot_general3A = arith.constant dense<0.000000e+00> : vector<2000x32xf32>
    %dot_general3A_10 = tpu.matmul %get3A_1, %convert_element_type3A_9, %dot_general3A {dimension_numbers = #tpu.dot_dimension_numbers<[1], [0], [0], [1], [0, 0, 1, 1], [], []>, precision = #tpu.contract_precision<fp32>, transpose_lhs_hint = false} : vector<2000x128xf32>, vector<128x32xf32>, vector<2000x32xf32> -> vector<2000x32xf32>
    %convert_element_type3A_11 = arith.truncf %get3A_1 : vector<2000x128xf32> to vector<2000x128xbf16>
    %dot_general3A_12 = arith.constant dense<0.000000e+00> : vector<2000x32xf32>
    %dot_general3A_13 = tpu.matmul %convert_element_type3A_11, %convert_element_type3A, %dot_general3A_12 {dimension_numbers = #tpu.dot_dimension_numbers<[1], [0], [0], [1], [0, 0, 1, 1], [], []>, transpose_lhs_hint = false} : vector<2000x128xbf16>, vector<128x32xbf16>, vector<2000x32xf32> -> vector<2000x32xf32>
    %sub3A = arith.subf %dot_general3A_13, %dot_general3A_10 : vector<2000x32xf32>
    %get3A_14 = arith.constant 0 : index
    %get3A_15 = arith.constant 0 : index
    %get3A_16 = vector.load %arg3[%get3A_14, %get3A_15] : memref<1x32xf32, #tpu.memory_space<vmem>>, vector<1x32xf32>
    %add3A = vector.broadcast %get3A_16 : vector<1x32xf32> to vector<2000x32xf32>
    %add3A_17 = arith.addf %sub3A, %add3A : vector<2000x32xf32>
    %swap3A = arith.constant 0 : index
    %swap3A_18 = arith.constant 0 : index
    %swap3A_19 = vector.load %arg4[%swap3A, %swap3A_18] : memref<2000x32xf32, #tpu.memory_space<vmem>>, vector<2000x32xf32>
    tpu.vector_store %arg4[%swap3A, %swap3A_18], %add3A_17 {strides = array<i32>} : memref<2000x32xf32, #tpu.memory_space<vmem>>, vector<2000x32xf32>,
    %swap3A_20 = arith.constant 0 : index
    %swap3A_21 = arith.constant 0 : index
    %swap3A_22 = vector.load %arg5[%swap3A_20, %swap3A_21] : memref<2000x32xf32, #tpu.memory_space<vmem>>, vector<2000x32xf32>
    tpu.vector_store %arg5[%swap3A_20, %swap3A_21], %dot_general3A_10 {strides = array<i32>} : memref<2000x32xf32, #tpu.memory_space<vmem>>, vector<2000x32xf32>,
    return
  }
  func.func @transform_0(%arg0: i32) -> (i32, i32) {
    %c0_i32 = arith.constant 0 : i32
    %c0_i32_0 = arith.constant 0 : i32
    return %arg0, %c0_i32 : i32, i32
  }
  func.func @transform_1(%arg0: i32) -> (i32, i32) {
    %c0_i32 = arith.constant 0 : i32
    %c0_i32_0 = arith.constant 0 : i32
    %c0_i32_1 = arith.constant 0 : i32
    return %c0_i32, %c0_i32_0 : i32, i32
  }
  func.func @transform_2(%arg0: i32) -> (i32, i32) {
    %c0_i32 = arith.constant 0 : i32
    %c0_i32_0 = arith.constant 0 : i32
    %c0_i32_1 = arith.constant 0 : i32
    return %c0_i32, %c0_i32_0 : i32, i32
  }
  func.func @transform_3(%arg0: i32) -> (i32, i32) {
    %c0_i32 = arith.constant 0 : i32
    %c0_i32_0 = arith.constant 0 : i32
    return %arg0, %c0_i32 : i32, i32
  }
  func.func @transform_4(%arg0: i32) -> (i32, i32) {
    %c0_i32 = arith.constant 0 : i32
    %c0_i32_0 = arith.constant 0 : i32
    return %arg0, %c0_i32 : i32, i32
  }
}

module attributes {stable_mosaic.version = 14 : i64} {
  func.func @body(%arg0: i32, %arg1: memref<2000x32xf32, #tpu.memory_space<vmem>>, %arg2: memref<2x2000x32xf32, #tpu.memory_space<vmem>>, %arg3: memref<2000x32xf32, #tpu.memory_space<vmem>>, %arg4: memref<1x32xf32, #tpu.memory_space<vmem>>, %arg5: memref<1x32xf32, #tpu.memory_space<vmem>>, %arg6: memref<1x32xf32, #tpu.memory_space<vmem>>, %arg7: memref<1x32xf32, #tpu.memory_space<vmem>>, %arg8: memref<32x16xf32, #tpu.memory_space<vmem>>, %arg9: memref<1x16xf32, #tpu.memory_space<vmem>>, %arg10: memref<16x1xf32, #tpu.memory_space<vmem>>, %arg11: memref<1x1xf32, #tpu.memory_space<vmem>>, %arg12: memref<2000x1xf32, #tpu.memory_space<vmem>>) attributes {dimension_semantics = [#tpu.dimension_semantics<arbitrary>], iteration_bounds = array<i64: 5>, scalar_prefetch = 0 : i64, scratch_operands = 0 : i64, tpu.core_type = #tpu.core_type<tc>, window_params = [{transform_indices = @transform_0, window_bounds = array<i64: 2000, 32>}, {transform_indices = @transform_1, window_bounds = array<i64: 2, 2000, 32>}, {transform_indices = @transform_2, window_bounds = array<i64: 2000, 32>}, {pipeline_mode = #tpu.pipeline_mode<synchronous>, transform_indices = @transform_3, window_bounds = array<i64: 1, 32>}, {pipeline_mode = #tpu.pipeline_mode<synchronous>, transform_indices = @transform_4, window_bounds = array<i64: 1, 32>}, {pipeline_mode = #tpu.pipeline_mode<synchronous>, transform_indices = @transform_5, window_bounds = array<i64: 1, 32>}, {pipeline_mode = #tpu.pipeline_mode<synchronous>, transform_indices = @transform_6, window_bounds = array<i64: 1, 32>}, {pipeline_mode = #tpu.pipeline_mode<synchronous>, transform_indices = @transform_7, window_bounds = array<i64: 32, 16>}, {pipeline_mode = #tpu.pipeline_mode<synchronous>, transform_indices = @transform_8, window_bounds = array<i64: 1, 16>}, {pipeline_mode = #tpu.pipeline_mode<synchronous>, transform_indices = @transform_9, window_bounds = array<i64: 16, 1>}, {pipeline_mode = #tpu.pipeline_mode<synchronous>, transform_indices = @transform_10, window_bounds = array<i64: 1, 1>}, {transform_indices = @transform_11, window_bounds = array<i64: 2000, 1>}]} {
    %get3A = arith.constant 0 : index
    %get3A_0 = arith.constant 0 : index
    %get3A_1 = vector.load %arg3[%get3A, %get3A_0] : memref<2000x32xf32, #tpu.memory_space<vmem>>, vector<2000x32xf32>
    %get3A_2 = arith.constant 0 : index
    %get3A_3 = arith.constant 0 : index
    %get3A_4 = vector.load %arg1[%get3A_2, %get3A_3] : memref<2000x32xf32, #tpu.memory_space<vmem>>, vector<2000x32xf32>
    %mul3A = arith.mulf %get3A_1, %get3A_4 : vector<2000x32xf32>
    %get3A_5 = arith.constant 0 : index
    %get3A_6 = arith.constant 0 : index
    %get3A_7 = arith.constant 0 : index
    %get3A_8 = vector.load %arg2[%get3A_5, %get3A_6, %get3A_7] : memref<2x2000x32xf32, #tpu.memory_space<vmem>>, vector<1x2000x32xf32>
    %get3A_9 = vector.shape_cast %get3A_8 : vector<1x2000x32xf32> to vector<2000x32xf32>
    %add3A = arith.addf %mul3A, %get3A_9 : vector<2000x32xf32>
    %get3A_10 = arith.constant 1 : index
    %get3A_11 = arith.constant 0 : index
    %get3A_12 = arith.constant 0 : index
    %get3A_13 = vector.load %arg2[%get3A_10, %get3A_11, %get3A_12] : memref<2x2000x32xf32, #tpu.memory_space<vmem>>, vector<1x2000x32xf32>
    %get3A_14 = vector.shape_cast %get3A_13 : vector<1x2000x32xf32> to vector<2000x32xf32>
    %add3A_15 = arith.addf %add3A, %get3A_14 : vector<2000x32xf32>
    %get3A_16 = arith.constant 0 : index
    %get3A_17 = arith.constant 0 : index
    %get3A_18 = vector.load %arg4[%get3A_16, %get3A_17] : memref<1x32xf32, #tpu.memory_space<vmem>>, vector<1x32xf32>
    %get3A_19 = arith.constant 0 : index
    %get3A_20 = arith.constant 0 : index
    %get3A_21 = vector.load %arg6[%get3A_19, %get3A_20] : memref<1x32xf32, #tpu.memory_space<vmem>>, vector<1x32xf32>
    %sub3A = vector.broadcast %get3A_21 : vector<1x32xf32> to vector<2000x32xf32>
    %sub3A_22 = arith.subf %add3A_15, %sub3A : vector<2000x32xf32>
    %mul3A_23 = vector.broadcast %get3A_18 : vector<1x32xf32> to vector<2000x32xf32>
    %mul3A_24 = arith.mulf %mul3A_23, %sub3A_22 : vector<2000x32xf32>
    %get3A_25 = arith.constant 0 : index
    %get3A_26 = arith.constant 0 : index
    %get3A_27 = vector.load %arg7[%get3A_25, %get3A_26] : memref<1x32xf32, #tpu.memory_space<vmem>>, vector<1x32xf32>
    %add3A_28 = arith.constant 1.000000e-03 : f32
    %add3A_29 = vector.broadcast %add3A_28 : f32 to vector<1x32xf32>
    %add3A_30 = arith.addf %get3A_27, %add3A_29 : vector<1x32xf32>
    %sqrt3A = math.sqrt %add3A_30 : vector<1x32xf32>
    %div3A = vector.broadcast %sqrt3A : vector<1x32xf32> to vector<2000x32xf32>
    %div3A_31 = arith.divf %mul3A_24, %div3A : vector<2000x32xf32>
    %get3A_32 = arith.constant 0 : index
    %get3A_33 = arith.constant 0 : index
    %get3A_34 = vector.load %arg5[%get3A_32, %get3A_33] : memref<1x32xf32, #tpu.memory_space<vmem>>, vector<1x32xf32>
    %add3A_35 = vector.broadcast %get3A_34 : vector<1x32xf32> to vector<2000x32xf32>
    %add3A_36 = arith.addf %div3A_31, %add3A_35 : vector<2000x32xf32>
    %convert_element_type3A = arith.truncf %add3A_36 : vector<2000x32xf32> to vector<2000x32xbf16>
    %get3A_37 = arith.constant 0 : index
    %get3A_38 = arith.constant 0 : index
    %get3A_39 = vector.load %arg8[%get3A_37, %get3A_38] : memref<32x16xf32, #tpu.memory_space<vmem>>, vector<32x16xf32>
    %convert_element_type3A_40 = arith.truncf %get3A_39 : vector<32x16xf32> to vector<32x16xbf16>
    %dot_general3A = arith.constant dense<0.000000e+00> : vector<2000x16xf32>
    %dot_general3A_41 = tpu.matmul %convert_element_type3A, %convert_element_type3A_40, %dot_general3A {dimension_numbers = #tpu.dot_dimension_numbers<[1], [0], [0], [1], [0, 0, 1, 1], [], []>, transpose_lhs_hint = false} : vector<2000x32xbf16>, vector<32x16xbf16>, vector<2000x16xf32> -> vector<2000x16xf32>
    %get3A_42 = arith.constant 0 : index
    %get3A_43 = arith.constant 0 : index
    %get3A_44 = vector.load %arg9[%get3A_42, %get3A_43] : memref<1x16xf32, #tpu.memory_space<vmem>>, vector<1x16xf32>
    %add3A_45 = vector.broadcast %get3A_44 : vector<1x16xf32> to vector<2000x16xf32>
    %add3A_46 = arith.addf %dot_general3A_41, %add3A_45 : vector<2000x16xf32>
    %max3A = arith.constant 0.000000e+00 : f32
    %max3A_47 = vector.broadcast %max3A : f32 to vector<2000x16xf32>
    %max3A_48 = arith.maximumf %add3A_46, %max3A_47 : vector<2000x16xf32>
    %convert_element_type3A_49 = arith.truncf %max3A_48 : vector<2000x16xf32> to vector<2000x16xbf16>
    %get3A_50 = arith.constant 0 : index
    %get3A_51 = arith.constant 0 : index
    %get3A_52 = vector.load %arg10[%get3A_50, %get3A_51] : memref<16x1xf32, #tpu.memory_space<vmem>>, vector<16x1xf32>
    %convert_element_type3A_53 = arith.truncf %get3A_52 : vector<16x1xf32> to vector<16x1xbf16>
    %dot_general3A_54 = arith.constant dense<0.000000e+00> : vector<2000x1xf32>
    %dot_general3A_55 = tpu.matmul %convert_element_type3A_49, %convert_element_type3A_53, %dot_general3A_54 {dimension_numbers = #tpu.dot_dimension_numbers<[1], [0], [0], [1], [0, 0, 1, 1], [], []>, transpose_lhs_hint = false} : vector<2000x16xbf16>, vector<16x1xbf16>, vector<2000x1xf32> -> vector<2000x1xf32>
    %get3A_56 = arith.constant 0 : index
    %get3A_57 = arith.constant 0 : index
    %get3A_58 = vector.load %arg11[%get3A_56, %get3A_57] : memref<1x1xf32, #tpu.memory_space<vmem>>, vector<1x1xf32>
    %add3A_59 = vector.broadcast %get3A_58 : vector<1x1xf32> to vector<2000x1xf32>
    %add3A_60 = arith.addf %dot_general3A_55, %add3A_59 : vector<2000x1xf32>
    %logistic3A = arith.negf %add3A_60 : vector<2000x1xf32>
    %logistic3A_61 = math.exp %logistic3A : vector<2000x1xf32>
    %logistic3A_62 = arith.constant 1.000000e+00 : f32
    %logistic3A_63 = vector.broadcast %logistic3A_62 : f32 to vector<2000x1xf32>
    %logistic3A_64 = arith.addf %logistic3A_63, %logistic3A_61 : vector<2000x1xf32>
    %logistic3A_65 = arith.divf %logistic3A_63, %logistic3A_64 : vector<2000x1xf32>
    %swap3A = arith.constant 0 : index
    %swap3A_66 = arith.constant 0 : index
    %swap3A_67 = vector.load %arg12[%swap3A, %swap3A_66] : memref<2000x1xf32, #tpu.memory_space<vmem>>, vector<2000x1xf32>
    tpu.vector_store %arg12[%swap3A, %swap3A_66], %logistic3A_65 {strides = array<i32>} : memref<2000x1xf32, #tpu.memory_space<vmem>>, vector<2000x1xf32>,
    return
  }
  func.func @transform_0(%arg0: i32) -> (i32, i32) {
    %c0_i32 = arith.constant 0 : i32
    %c0_i32_0 = arith.constant 0 : i32
    return %arg0, %c0_i32 : i32, i32
  }
  func.func @transform_1(%arg0: i32) -> (i32, i32, i32) {
    %c0_i32 = arith.constant 0 : i32
    %c0_i32_0 = arith.constant 0 : i32
    %c0_i32_1 = arith.constant 0 : i32
    return %c0_i32, %arg0, %c0_i32_0 : i32, i32, i32
  }
  func.func @transform_2(%arg0: i32) -> (i32, i32) {
    %c0_i32 = arith.constant 0 : i32
    %c0_i32_0 = arith.constant 0 : i32
    return %arg0, %c0_i32 : i32, i32
  }
  func.func @transform_3(%arg0: i32) -> (i32, i32) {
    %c0_i32 = arith.constant 0 : i32
    %c0_i32_0 = arith.constant 0 : i32
    %c0_i32_1 = arith.constant 0 : i32
    return %c0_i32, %c0_i32_0 : i32, i32
  }
  func.func @transform_4(%arg0: i32) -> (i32, i32) {
    %c0_i32 = arith.constant 0 : i32
    %c0_i32_0 = arith.constant 0 : i32
    %c0_i32_1 = arith.constant 0 : i32
    return %c0_i32, %c0_i32_0 : i32, i32
  }
  func.func @transform_5(%arg0: i32) -> (i32, i32) {
    %c0_i32 = arith.constant 0 : i32
    %c0_i32_0 = arith.constant 0 : i32
    %c0_i32_1 = arith.constant 0 : i32
    return %c0_i32, %c0_i32_0 : i32, i32
  }
  func.func @transform_6(%arg0: i32) -> (i32, i32) {
    %c0_i32 = arith.constant 0 : i32
    %c0_i32_0 = arith.constant 0 : i32
    %c0_i32_1 = arith.constant 0 : i32
    return %c0_i32, %c0_i32_0 : i32, i32
  }
  func.func @transform_7(%arg0: i32) -> (i32, i32) {
    %c0_i32 = arith.constant 0 : i32
    %c0_i32_0 = arith.constant 0 : i32
    %c0_i32_1 = arith.constant 0 : i32
    return %c0_i32, %c0_i32_0 : i32, i32
  }
  func.func @transform_8(%arg0: i32) -> (i32, i32) {
    %c0_i32 = arith.constant 0 : i32
    %c0_i32_0 = arith.constant 0 : i32
    %c0_i32_1 = arith.constant 0 : i32
    return %c0_i32, %c0_i32_0 : i32, i32
  }
  func.func @transform_9(%arg0: i32) -> (i32, i32) {
    %c0_i32 = arith.constant 0 : i32
    %c0_i32_0 = arith.constant 0 : i32
    %c0_i32_1 = arith.constant 0 : i32
    return %c0_i32, %c0_i32_0 : i32, i32
  }
  func.func @transform_10(%arg0: i32) -> (i32, i32) {
    %c0_i32 = arith.constant 0 : i32
    %c0_i32_0 = arith.constant 0 : i32
    %c0_i32_1 = arith.constant 0 : i32
    return %c0_i32, %c0_i32_0 : i32, i32
  }
  func.func @transform_11(%arg0: i32) -> (i32, i32) {
    %c0_i32 = arith.constant 0 : i32
    %c0_i32_0 = arith.constant 0 : i32
    return %arg0, %c0_i32 : i32, i32
  }
}

</mosaic_0001>

<sc_bundles>
// kernel: kernel.5.cloned.1.call-start
scs
__scs_entry_jumppad:
0x0: {  	(pc) =	sbr.rel $0x88, $3  }
0x1: {  	(tag) =	ssettag $0x0;
	lr =	simm.s32 $0x1  }
0x2: {  	[smem:$0x3F95] =	sst lr;
	_ =	strace $0xD0000000  }
0x3: {  	_ = 	snop  }
0x4: {  	_ = 	snop  }
0x5: {  	_ = 	snop  }
0x6: {  	_ = 	snop  }
0x7: {  	_ = 	snop  }
__scs_overlays_trampoline_lowered:
0x8: {  	[smem:$0x3FA4] =	sst s0  }
0x9: {  	[smem:$0x3FA5] =	sst s1  }
0xa: {  	[smem:$0x3FA6] =	sst s2  }
0xb: {  	[smem:$0x3FA7] =	sst s3  }
0xc: {  	[smem:$0x3FA8] =	sst s4  }
0xd: {  	[smem:$0x3FA9] =	sst s5  }
0xe: {  	[smem:$0x3FAA] =	sst s6  }
0xf: {  	[smem:$0x3FAB] =	sst s7  }
0x10: {  	[smem:$0x3FAC] =	sst s8  }
0x11: {  	[smem:$0x3FAD] =	sst s9;
	s0 =	simm.s32 @!p0 $0x0  }
0x12: {  	s1 =	sld [smem:$0x3F93];
	s0 =	simm.s32 @p0 $0x1  }
0x13: {  	[smem:$0x3FAE] =	sst s0;
	s0 =	simm.s32 @!p1 $0x0  }
0x14: {  	s2 =	sld [smem:$0x3F92];
	s0 =	simm.s32 @p1 $0x1  }
0x15: {  	[smem:$0x3FAF] =	sst s0;
	s0 =	simm.s32 @!p2 $0x0  }
0x16: {  	s3 =	sld [smem:$0x3FDB];
	s0 =	simm.s32 @p2 $0x1  }
0x17: {  	s4 =	simm.s32 $0x1BF5;
	[smem:$0x3FB1] =	sst s0  }
0x18: {  	s0 =	sld [smem:$0x3F94];
	_ =	swait.ge [sflag:s4], $0x0  }
0x19: {  	s7 =	sld [smem:$0x3F95]  }
0x1a: {  	s8 =	sadd.s32 $0xFFFFE003, lr  }
0x1b: {  	s9 =	sadd.s32 $0xFFFFFEF7, lr;
	s5 =	simm.s32 $0xFFFFFFFF;
	p2 =	slt.u32 s8, $0xFFFFF086  }
0x1c: {  	p1 =	slt.u32 s9, $0xF7A;
	s5 =	simm.s32 @!p2 $0x0  }
0x1d: {  	s5 =	simm.s32 @p1 $0x1;
	p0 =	seq.s32 s7, s2  }
0x1e: {  	s7 =	smul.u32 @!p0 $0xF7A, s2;
	p2 =	seq.s32 @!p0 s5, $0x0  }
0x1f: {  	s9 =	smul.u32 $0xF7A, s1;
	s8 =	simm.s32 @!p0 $0x1BF5;
	p2 =	por !p2, p0  }
0x20: {  	[sflag:s8] =	ssyncset.s32 @!p0 $0xFFFFF086;
	s6 =	sadd.s32 @!p0 s3, s7;
	s7 =	simm.s32 @!p0 $0x108  }
0x21: {  	s3 =	sadd.s32 s3, s9;
	s6 =	sadd.s32 @!p0 $0x88, s6;
	s7 =	simm.s32 @p2 $0x1082  }
0x22: {  	[simem:s7], [sflag:s8] =	dma.local @!p0 [hbm:s6], $0xF7A  }
0x23: {  	s9 =	sor.u32 $0xD0000000, s2;
	s6 =	simm.s32 $0x108;
	_ =	swait.ge @!p0 [sflag:s8], $0x0  }
0x24: {  	s3 =	sadd.s32 $0x88, s3;
	s6 =	simm.s32 @!p1 $0x1082;
	[sflag:s4] =	ssyncset.s32 $0xFFFFF086  }
0x25: {  	[simem:s6], [sflag:s4] =	dma.local [hbm:s3], $0xF7A  }
0x26: {  	[smem:$0x3F95] =	sst s1;
	(tag) =	ssettag s2;
	_ =	strace s9  }
0x27: {  	s1 =	sld [smem:$0x3FA5]  }
0x28: {  	s2 =	sld [smem:$0x3FA6]  }
0x29: {  	s4 =	sld [smem:$0x3FA8]  }
0x2a: {  	p0 =	seq.s32 s5, $0x0;
	s5 =	sld [smem:$0x3FA9]  }
0x2b: {  	s6 =	sld [smem:$0x3FAA]  }
0x2c: {  	s7 =	sld [smem:$0x3FAB]  }
0x2d: {  	s3 =	simm.s32 $0x108;
	s8 =	sld [smem:$0x3FAC]  }
0x2e: {  	s3 =	simm.s32 @!p0 $0x1082;
	s9 =	sld [smem:$0x3FAD]  }
0x2f: {  	lr =	sadd.s32 s0, s3;
	s0 =	sld [smem:$0x3FA4]  }
0x30: {  	s3 =	sld [smem:$0x3FA7]  }
0x31: {  	[smem:$0x3FB0] =	sst s10  }
0x32: {  	s10 =	sld [smem:$0x3FAE];
	_ =	sdelay $0x3  }
0x33: {  	p0 =	seq.s32 s10, $0x1;
	s10 =	sld [smem:$0x3FB0];
	_ =	sdelay $0x3  }
0x34: {  	[smem:$0x3FB0] =	sst s10  }
0x35: {  	s10 =	sld [smem:$0x3FAF];
	_ =	sdelay $0x3  }
0x36: {  	p1 =	seq.s32 s10, $0x1;
	s10 =	sld [smem:$0x3FB0];
	_ =	sdelay $0x3  }
0x37: {  	[smem:$0x3FB0] =	sst s10  }
0x38: {  	s10 =	sld [smem:$0x3FB1]  }
0x39: {  	_ = 	snop;
	(pc) =	sbr.ind lr, $3  }
0x3a: {  	_ = 	snop  }
0x3b: {  	_ = 	snop  }
0x3c: {  	p2 =	seq.s32 s10, $0x1;
	s10 =	sld [smem:$0x3FB0]  }
0x3d: {  	_ =	shalt  }
0x3e: {  	_ =	shalt  }
0x3f: {  	_ =	shalt  }
0x40: {  	_ =	shalt  }
0x41: {  	_ =	shalt  }
0x42: {  	_ =	shalt  }
0x43: {  	_ =	shalt  }
0x44: {  	_ =	shalt  }
0x45: {  	_ =	shalt  }
0x46: {  	_ =	shalt  }
0x47: {  	_ =	shalt  }
0x48: {  	_ =	shalt  }
0x49: {  	_ =	shalt  }
0x4a: {  	_ =	shalt  }
0x4b: {  	_ =	shalt  }
0x4c: {  	_ =	shalt  }
0x4d: {  	_ =	shalt  }
0x4e: {  	_ =	shalt  }
0x4f: {  	_ =	shalt  }
0x50: {  	_ =	shalt  }
0x51: {  	_ =	shalt  }
0x52: {  	_ =	shalt  }
0x53: {  	_ =	shalt  }
0x54: {  	_ =	shalt  }
0x55: {  	_ =	shalt  }
0x56: {  	_ =	shalt  }
0x57: {  	_ =	shalt  }
0x58: {  	_ =	shalt  }
0x59: {  	_ =	shalt  }
0x5a: {  	_ =	shalt  }
0x5b: {  	_ =	shalt  }
0x5c: {  	_ =	shalt  }
0x5d: {  	_ =	shalt  }
0x5e: {  	_ =	shalt  }
0x5f: {  	_ =	shalt  }
0x60: {  	_ =	shalt  }
0x61: {  	_ =	shalt  }
0x62: {  	_ =	shalt  }
0x63: {  	_ =	shalt  }
0x64: {  	_ =	shalt  }
0x65: {  	_ =	shalt  }
0x66: {  	_ =	shalt  }
0x67: {  	_ =	shalt  }
0x68: {  	_ =	shalt  }
0x69: {  	_ =	shalt  }
0x6a: {  	_ =	shalt  }
0x6b: {  	_ =	shalt  }
0x6c: {  	_ =	shalt  }
0x6d: {  	_ =	shalt  }
0x6e: {  	_ =	shalt  }
0x6f: {  	_ =	shalt  }
0x70: {  	_ =	shalt  }
0x71: {  	_ =	shalt  }
0x72: {  	_ =	shalt  }
0x73: {  	_ =	shalt  }
0x74: {  	_ =	shalt  }
0x75: {  	_ =	shalt  }
0x76: {  	_ =	shalt  }
0x77: {  	_ =	shalt  }
0x78: {  	_ =	shalt  }
0x79: {  	_ =	shalt  }
0x7a: {  	_ =	shalt  }
0x7b: {  	_ =	shalt  }
0x7c: {  	_ =	shalt  }
0x7d: {  	_ =	shalt  }
0x7e: {  	_ =	shalt  }
0x7f: {  	_ =	shalt  }
0x80: {  	_ =	shalt  }
0x81: {  	_ =	shalt  }
0x82: {  	_ =	shalt  }
0x83: {  	_ =	shalt  }
0x84: {  	_ =	shalt  }
0x85: {  	_ =	shalt  }
0x86: {  	_ =	shalt  }
0x87: {  	_ =	shalt  }
.Lfunc_end0:
.L_simem_size_0:
called_computation_lowered:
.L_overlay_start_0:
0x88: {  	s2 =	sld [smem:$0x3FD9]  }
0x89: {  	s3 =	sld [smem:$0x3FFE];
	_ =	sdelay $0x1  }
0x8a: {  	s1 =	srdreg.scid  }
0x8b: {  	s0 =	sand.u32 $0x1, s1  }
0x8c: {  	s16 =	sshll.u32 s0, $0xA;
	s2 =	sadd.s32 s3, s2  }
0x8d: {  	s2 =	sadd.s32 s2, s16  }
0x8e: {  	[smem:$0x3FBC] =	sst s2  }
0x8f: {  	_ = 	snop  }
0x90: {  	(tm) =	ssettm $0x1  }
0x91: {  	s17 =	sld [smem:$0x3FFB];
	_ =	sdelay $0x3  }
0x92: {  	_ =	strace s17  }
0x93: {  	s2 =	sld [smem:$0x3FFC];
	_ =	sdelay $0x3  }
0x94: {  	_ =	strace s2  }
0x95: {  	s2 =	sld [smem:$0x3FFD];
	_ =	sdelay $0x3  }
0x96: {  	_ =	strace s2  }
0x97: {  	_ =	strace $0x8FFFFFFF  }
0x98: {  	s18 =	sld [smem:$0x3FDB];
	_ =	sdelay $0x1  }
0x99: {  	s19 =	simm.s32 $_scs_section_size  }
0x9a: {  	s4 =	simm.s32 $_size__tile_overlayer_lowered;
	s5 =	simm.s32 $_tile_overlayer_lowered  }
0x9b: {  	s22 =	simm.s32 $0x1BFF;
	s21 =	sshll.u32 s5, $0x1;
	s2 =	sadd.s32 s19, s18  }
0x9c: {  	s6 =	simm.s32 $0x0;
	s20 =	sshll.u32 s4, $0x1;
	s4 =	sadd.s32 s21, s2  }
0x9d: {  	[timem:s6], [sflag:s22] =	dma.local [hbm:s4], s20  }
0x9e: {  	_ =	swait.ge [sflag:s22], s20  }
0x9f: {  	s3 =	ssub.s32 $0x0, s20;
	[sflag:s22] =	ssyncset.done $0x0  }
0xa0: {  	[sflag:s22] =	ssyncadd.s32 s3;
	_ =	sdelay $0x1  }
0xa1: {  	s23 =	simm.s32 $0x1B8B  }
0xa2: {  	_ =	swait.ge [sflag:s23], $0x1  }
0xa3: {  	[sflag:s23] =	ssyncset.done $0x0  }
0xa4: {  	s25 =	simm.s32 $0x1B8E;
	s24 =	sld [smem:$0x3FFE];
	[sflag:s23] =	ssyncadd.s32 $0xFFFFFFFF  }
0xa5: {  	s26 =	simm.s32 $execute0_lowered;
	[smem:$0x3FD2] =	sst s25  }
0xa6: {  	s4 =	sshll.u32 s26, $0x1;
	_ =	strace $0x80000046;
	[dreg:$0x1] =	wrdreg $0xFFFFFFFF  }
0xa7: {  	s28 =	simm.s32 $_size_execute0_lowered;
	s2 =	sadd.s32 s2, s4;
	[dreg:$0x0] =	wrdreg $0x0  }
0xa8: {  	s4 =	sshll.u32 s28, $0x1;
	[dreg:$0x2] =	wrdreg s2  }
0xa9: {  	[dreg:$0x3] =	wrdreg s4  }
0xaa: {  	[dreg:$0x4] =	wrdreg $0xC0  }
0xab: {  	_ =	task [dreg:s6], $0x5FFFF  }
0xac: {  	[dreg:$0x1] =	wrdreg $0xFFFFFFFF  }
0xad: {  	[dreg:$0x0] =	wrdreg $0x60  }
0xae: {  	[dreg:$0x2] =	wrdreg s24  }
0xaf: {  	[dreg:$0x3] =	wrdreg $0x189800  }
0xb0: {  	[dreg:$0x4] =	wrdreg $0x1D9800  }
0xb1: {  	[dreg:$0x5] =	wrdreg $0x9  }
0xb2: {  	_ =	task.clear_ibuf [dreg:s6], $0x6FFFF;
	_ =	strace $0x90000046  }
0xb3: {  	s29 =	simm.s32 $0x9;
	_ =	strace $0x80000048  }
0xb4: {  	_ =	swait.ge [sflag:s29], $0x1  }
0xb5: {  	[sflag:s29] =	ssyncadd.s32 $0xFFFFFFFF  }
0xb6: {  	_ =	strace $0x90000048  }
0xb7: {  	_ =	sfence  }
0xb8: {  	s30 =	sld [smem:$0x0];
	_ =	sdelay $0x2  }
0xb9: {  	s31 =	sshll.u32 s1, $0xD;
	s1 =	sshrl.u32 s1, $0x2  }
0xba: {  	s3 =	sand.u32 $0x4000, s31;
	s1 =	sadd.s32 s1, s30  }
0xbb: {  	s0 =	sor.u32 s3, s0;
	s1 =	sshll.u32 s1, $0x11  }
0xbc: {  	s0 =	sor.u32 s1, s0  }
0xbd: {  	s0 =	sadd.s32 $0x8F2B, s0  }
0xbe: {  	[sflag:s0] =	ssyncadd.remote.s32 $0x1  }
0xbf: {  	_ =	sfence.sel $0xFFFF  }
0xc0: {  	[dreg:$0x0] =	wrdreg $0xFFFFFFFF;
	(pc) =	sbr.abs _section_cstart, $3  }
0xc1: {  	[dreg:$0x1] =	wrdreg $0xFFFFFFFF  }
0xc2: {  	_ =	task.clear_ibuf [dreg:s6], $0x2FFFF;
	_ =	strace $0x9FFFFFFF  }
0xc3: {  	(tm) =	ssettm $0x7FFFFFFF  }
tec
execute0_lowered:
.L_overlay_start_1:
0x0: {  	(tag) =	ssettag $0x1  }
0x1: {  	s0 =	rddreg [dreg:$0x0]  }
0x2: {  	s2 =	rddreg [dreg:$0x1];
	s1 =	srdreg.scid  }
0x3: {  	s14 =	stileid.u32;
	s3 =	rddreg [dreg:$0x2];
	s4 =	simm.s32 $0x0  }
0x4: {  	s15 =	simm.s32 $0x3;
	s17 =	simm.s32 $0x13700;
	s18 =	simm.s32 $0x18700  }
0x5: {  	s28 =	simm.s32 $0xE680;
	s29 =	simm.s32 $0xF680;
	s30 =	simm.s32 $0x10680  }
0x6: {  	s31 =	simm.s32 $0x11680;
	s16 =	simm.s32 $0x13680;
	s7 =	smul.u32 $0x5000, s14  }
0x7: {  	s1 =	sand.u32 $0x1, s1;
	[smem:$0x7FF] =	sst s4;
	s8 =	smul.u32 $0x280, s14  }
0x8: {  	s10 =	sadd.s32 $0x1C00, s0;
	s5 =	sadd.s32 $0x15600, s0;
	s6 =	smul.u32 $0x50000, s1  }
0x9: {  	s21 =	sshll.u32 s14, $0x4;
	_ =	strace $0x80000047;
	s9 =	smul.u32 $0x2800, s1  }
0xa: {  	s11 =	sshll.u32 s1, $0x4;
	s1 =	ssub.s32 $0x2, s1;
	s22 =	sadd.s32 s21, s10  }
0xb: {  	s21 =	simm.s32 $0x8680;
	s12 =	sor.u32 s14, s11;
	s19 =	sshrl.u32 s1, $0x1  }
0xc: {  	s24 =	sadd.s32 $0x9C00, s22;
	s6 =	sadd.s32 s7, s6;
	s9 =	sadd.s32 s8, s9  }
0xd: {  	s11 =	smul.u32 $0x2700, s12;
	s1 =	ssub.s32 s1, s19;
	[dreg:$0x5] =	wrdreg s24  }
0xe: {  	p0 =	sgt.u32 s12, $0x3;
	s19 =	simm.s32 $0x80;
	s24 =	simm.s32 $0xB680  }
0xf: {  	s6 =	sshrl.u32 s6, $0x3;
	s9 =	sshrl.u32 s9, $0x3;
	s26 =	smax.u32 s1, $0x1  }
0x10: {  	s1 =	simm.s32 $0x12680;
	s13 =	sadd.s32 s6, s0;
	s0 =	sadd.s32 s9, s0  }
0x11: {  	s20 =	sshrl.u32 s11, $0x3;
	s9 =	sadd.s32 $0x13840, s22;
	s11 =	sadd.s32 s8, s3  }
0x12: {  	[dreg:$0x9] =	wrdreg s26;
	s22 =	simm.s32 $0x9680;
	s26 =	simm.s32 $0xD680  }
0x13: {  	s6 =	sadd.s32 s10, s20;
	[dreg:$0x6] =	wrdreg s9;
	s10 =	sadd.s32 s7, s2  }
0x14: {  	s25 =	sadd.s32 $0x1FE00, s13;
	s0 =	sadd.s32 $0x1F400, s0;
	s20 =	simm.s32 $0x7680  }
0x15: {  	s7 =	simm.s32 $0x2;
	s9 =	simm.s32 $0x0;
	[dreg:$0x7] =	wrdreg s25  }
0x16: {  	s23 =	sadd.s32 $0x9C40, s6;
	[dreg:$0x8] =	wrdreg s0;
	s25 =	simm.s32 $0xC680  }
0x17: {  	v0 =	vimm.f32 $0.0e+00;
	v1 =	vimm.f32 $1.000000000e+00;
	s0 =	simm.s32 $0x1;
	[dreg:$0x4] =	wrdreg s23;
	s23 =	simm.s32 $0xA680  }
.LBB2_1:
0x18: {  	[tilespmem:s4], [sflag:$0x3] =	stream.linear.gather [hbm4b:s6+s4], $0x2700, $0x38;
	[tilespmem:$0x1DC00] =	vst v63  }
0x19: {  	_ =	swait.ge [sflag:s15], $0x2700  }
0x1a: {  	[sflag:s15] =	ssyncset.done $0x0  }
0x1b: {  	s12 =	simm.s32 $0x2780;
	s8 =	rddreg [dreg:$0x4];
	[sflag:s15] =	ssyncadd.s32 $0xFFFFD900  }
0x1c: {  	[tilespmem:s12], [sflag:$0x3] =	stream.linear.gather [hbm4b:s8+s4], $0x2700, $0x38;
	[tilespmem:$0x1DC00] =	vst v63  }
0x1d: {  	_ =	swait.ge [sflag:s15], $0x2700  }
0x1e: {  	s8 =	simm.s32 @!p0 $0x0;
	[sflag:s15] =	ssyncset.done $0x0  }
0x1f: {  	s12 =	simm.s32 @!p0 $0x2700;
	s13 =	rddreg [dreg:$0x5];
	[sflag:s15] =	ssyncadd.s32 $0xFFFFD900  }
0x20: {  	[tilespmem:s12], [sflag:$0x3] =	stream.linear.gather @!p0 [hbm4b:s13+s8], $0x80, $0x38;
	[tilespmem:$0x1DC00] =	vst v63  }
0x21: {  	s12 =	simm.s32 @!p0 $0x3  }
0x22: {  	_ =	swait.ge @!p0 [sflag:s12], $0x80  }
0x23: {  	[sflag:s12] =	ssyncset.done @!p0 $0x0  }
0x24: {  	s13 =	simm.s32 @!p0 $0x4E80;
	s14 =	rddreg [dreg:$0x6];
	[sflag:s12] =	ssyncadd.s32 @!p0 $0xFFFFFF80  }
0x25: {  	[tilespmem:s13], [sflag:$0x3] =	stream.linear.gather @!p0 [hbm4b:s14+s8], $0x80, $0x38;
	[tilespmem:$0x1DC00] =	vst v63  }
0x26: {  	_ =	swait.ge @!p0 [sflag:s12], $0x80  }
0x27: {  	[sflag:s12] =	ssyncset.done @!p0 $0x0  }
0x28: {  	[sflag:s12] =	ssyncadd.s32 @!p0 $0xFFFFFF80;
	s12 =	simm.s32 $0x0  }
0x29: {  	v5 =	vld [tilespmem:s12+$0x27F0]  }
0x2a: {  	v6 =	vld [tilespmem:s12+$0x2780]  }
0x2b: {  	v7 =	vld [tilespmem:s12+$0x2790]  }
0x2c: {  	v4 =	vld [tilespmem:s12+$0x27A0]  }
0x2d: {  	v2 =	vld [tilespmem:s12+$0x27B0]  }
0x2e: {  	v3 =	vld [tilespmem:s12+$0x27C0];
	[tilespmem:s12+$0x4F70] =	vst v5  }
0x2f: {  	[tilespmem:s12+$0x4F00] =	vst v6;
	v5 =	vld [tilespmem:s12+$0x27D0]  }
0x30: {  	s13 =	simm.s32 $0x80;
	s14 =	simm.s32 $0x400;
	[tilespmem:s12+$0x4F10] =	vst v7;
	v6 =	vld [tilespmem:s12+$0x27E0]  }
.LBB2_2:
0x31: {  	p1 =	sne.s32 s14, $0x9C00;
	v7 =	vld [tilespmem:s13+$0x27F0];
	[tilespmem:s12+$0x4F20] =	vst v4  }
0x32: {  	v8 =	vld [tilespmem:s13+$0x2780];
	[tilespmem:s12+$0x4F30] =	vst v2  }
0x33: {  	v9 =	vld [tilespmem:s13+$0x2790];
	[tilespmem:s12+$0x4F40] =	vst v3  }
.Ltmp0:
0x34: {  	v4 =	vld [tilespmem:s13+$0x27A0];
	[tilespmem:s12+$0x4F50] =	vst v5;
	(pc) =	sbr.rel @p1 .LBB2_2-.Ltmp0, $4  }
0x35: {  	v2 =	vld [tilespmem:s13+$0x27B0];
	[tilespmem:s12+$0x4F60] =	vst v6;
	s12 =	smov.u32 s13  }
0x36: {  	v3 =	vld [tilespmem:s12+$0x27C0];
	[tilespmem:s12+$0x4F70] =	vst v7  }
0x37: {  	[tilespmem:s12+$0x4F00] =	vst v8;
	v5 =	vld [tilespmem:s12+$0x27D0]  }
0x38: {  	s13 =	sshra.s32 s14, $0x2;
	s14 =	sadd.s32 $0x200, s14;
	[tilespmem:s12+$0x4F10] =	vst v9;
	v6 =	vld [tilespmem:s12+$0x27E0]  }
0x39: {  	v7 =	vld [tilespmem:s13+$0x27F0];
	[tilespmem:s12+$0x4F20] =	vst v4  }
0x3a: {  	v4 =	vld [tilespmem:s13+$0x2780];
	[tilespmem:s12+$0x4F30] =	vst v2  }
0x3b: {  	v2 =	vld [tilespmem:s13+$0x2790];
	[tilespmem:s12+$0x4F40] =	vst v3  }
0x3c: {  	v3 =	vld [tilespmem:s13+$0x27A0];
	[tilespmem:s12+$0x4F50] =	vst v5  }
0x3d: {  	v5 =	vld [tilespmem:s13+$0x27B0];
	[tilespmem:s12+$0x4F60] =	vst v6  }
0x3e: {  	v6 =	vld [tilespmem:s13+$0x27C0];
	[tilespmem:s13+$0x4F70] =	vst v7  }
0x3f: {  	v63 =	vld [tilespmem:s13+$0x27D0];
	[tilespmem:s13+$0x4F00] =	vst v4  }
0x40: {  	[tilespmem:s13+$0x4F10] =	vst v2;
	v2 =	vld [tilespmem:s13+$0x27E0]  }
0x41: {  	[tilespmem:s13+$0x4F20] =	vst v3  }
0x42: {  	[tilespmem:s13+$0x4F30] =	vst v5  }
0x43: {  	[tilespmem:s13+$0x4F40] =	vst v6  }
0x44: {  	[tilespmem:s13+$0x4F50] =	vst v63  }
0x45: {  	s8 =	simm.s32 $0x0;
	s12 =	simm.s32 $0x80;
	[tilespmem:s13+$0x4F60] =	vst v2  }
.LBB2_4:
0x46: {  	p1 =	sne.s32 s12, $0x13F80;
	[tilespmem:s8+$0x13700] =	vst v0;
	s13 =	smov.u32 s12;
	s12 =	sadd.s32 $0x80, s12  }
.Ltmp1:
0x47: {  	[tilespmem:s8+$0x13710] =	vst v0;
	(pc) =	sbr.rel @p1 .LBB2_4-.Ltmp1, $2  }
0x48: {  	_ =	sdelay $0x2  }
0x49: {  	s8 =	sshra.s32 s13, $0x2  }
0x4a: {  	[tilespmem:s8+$0x13700] =	vst v0  }
0x4b: {  	[tilespmem:s8+$0x13710] =	vst v0  }
0x4c: {  	[tilespmem:$0x18700] =	vst v0  }
0x4d: {  	[tilespmem:$0x18710] =	vst v0  }
0x4e: {  	[tilespmem:$0x18720] =	vst v0  }
0x4f: {  	[tilespmem:$0x18730] =	vst v0  }
0x50: {  	[tilespmem:$0x18740] =	vst v0  }
0x51: {  	[tilespmem:$0x18750] =	vst v0  }
0x52: {  	[tilespmem:$0x18760] =	vst v0  }
0x53: {  	[tilespmem:$0x18770] =	vst v0  }
0x54: {  	[tilespmem:$0x18780] =	vst v0  }
0x55: {  	[tilespmem:$0x18790] =	vst v0  }
0x56: {  	[tilespmem:$0x187A0] =	vst v0  }
0x57: {  	[tilespmem:$0x187B0] =	vst v0  }
0x58: {  	[tilespmem:$0x187C0] =	vst v0  }
0x59: {  	[tilespmem:$0x187D0] =	vst v0  }
0x5a: {  	[tilespmem:$0x187E0] =	vst v0  }
0x5b: {  	[tilespmem:$0x187F0] =	vst v0  }
0x5c: {  	[tilespmem:$0x18800] =	vst v0  }
0x5d: {  	[tilespmem:$0x18810] =	vst v0  }
0x5e: {  	[tilespmem:$0x18820] =	vst v0  }
0x5f: {  	[tilespmem:$0x18830] =	vst v0  }
0x60: {  	[tilespmem:$0x18840] =	vst v0  }
0x61: {  	[tilespmem:$0x18850] =	vst v0  }
0x62: {  	[tilespmem:$0x18860] =	vst v0  }
0x63: {  	[tilespmem:$0x18870] =	vst v0  }
0x64: {  	[tilespmem:$0x18880] =	vst v0  }
0x65: {  	[tilespmem:$0x18890] =	vst v0  }
0x66: {  	[tilespmem:$0x188A0] =	vst v0  }
0x67: {  	[tilespmem:$0x188B0] =	vst v0  }
0x68: {  	[tilespmem:$0x188C0] =	vst v0  }
0x69: {  	[tilespmem:$0x188D0] =	vst v0  }
0x6a: {  	[tilespmem:$0x188E0] =	vst v0  }
0x6b: {  	[tilespmem:$0x188F0] =	vst v0  }
0x6c: {  	[tilespmem:$0x18900] =	vst v0  }
0x6d: {  	[tilespmem:$0x18910] =	vst v0  }
0x6e: {  	[tilespmem:$0x18920] =	vst v0  }
0x6f: {  	[tilespmem:$0x18930] =	vst v0  }
0x70: {  	[tilespmem:$0x18940] =	vst v0  }
0x71: {  	[tilespmem:$0x18950] =	vst v0  }
0x72: {  	[tilespmem:$0x18960] =	vst v0  }
0x73: {  	[tilespmem:$0x18970] =	vst v0  }
0x74: {  	[tilespmem:$0x13680] =	vst v1  }
0x75: {  	[tilespmem:$0x13690] =	vst v1  }
0x76: {  	[tilespmem:$0x136A0] =	vst v1  }
0x77: {  	[tilespmem:$0x136B0] =	vst v1  }
0x78: {  	[tilespmem:$0x136C0] =	vst v1  }
0x79: {  	[tilespmem:$0x136D0] =	vst v1  }
0x7a: {  	[tilespmem:$0x136E0] =	vst v1  }
0x7b: {  	[tilespmem:$0x136F0] =	vst v1  }
0x7c: {  	[spmem:s10] =	stream.linear.scatter [tilespmem:s17], [sflag:$0x3], $0x5000, $0x38;
	[tilespmem:$0x1DC00] =	vst v63  }
0x7d: {  	_ =	swait.ge [sflag:s15], $0x5000  }
0x7e: {  	[sflag:s15] =	ssyncset.done $0x0  }
0x7f: {  	[sflag:s15] =	ssyncadd.s32 $0xFFFFB000  }
0x80: {  	[spmem:s11] =	stream.linear.scatter [tilespmem:s18], [sflag:$0x3], $0x280, $0x38;
	[tilespmem:$0x1DC00] =	vst v63  }
0x81: {  	_ =	swait.ge [sflag:s15], $0x280  }
0x82: {  	[sflag:s15] =	ssyncset.done $0x0  }
0x83: {  	[sflag:s15] =	ssyncadd.s32 $0xFFFFFD80  }
0x84: {  	s12 =	simm.s32 $0x0;
	[bflag:$0x0] =	sbarrier.arrive $0xFFFF  }
0x85: {  	[tilespmem:s20], [sflag:$0x1] =	stream.indirect.gather [hbm4b:s5+s19], $0x20, s12, s19, $0xb8;
	[tilespmem:$0x1DC00] =	vst v63  }
0x86: {  	s13 =	simm.s32 $0x80  }
0x87: {  	[tilespmem:s21], [sflag:$0x1] =	stream.indirect.gather [hbm4b:s5+s19], $0x20, s13, s19, $0xb8;
	[tilespmem:$0x1DC00] =	vst v63  }
0x88: {  	s14 =	simm.s32 $0x100  }
0x89: {  	[tilespmem:s22], [sflag:$0x1] =	stream.indirect.gather [hbm4b:s5+s19], $0x20, s14, s19, $0xb8;
	[tilespmem:$0x1DC00] =	vst v63  }
0x8a: {  	s12 =	simm.s32 $0x180  }
0x8b: {  	[tilespmem:s23], [sflag:$0x1] =	stream.indirect.gather [hbm4b:s5+s19], $0x20, s12, s19, $0xb8;
	[tilespmem:$0x1DC00] =	vst v63  }
0x8c: {  	s13 =	simm.s32 $0x200  }
0x8d: {  	[tilespmem:s24], [sflag:$0x1] =	stream.indirect.gather [hbm4b:s5+s19], $0x20, s13, s19, $0xb8;
	[tilespmem:$0x1DC00] =	vst v63  }
0x8e: {  	s14 =	simm.s32 $0x280  }
0x8f: {  	[tilespmem:s25], [sflag:$0x1] =	stream.indirect.gather [hbm4b:s5+s19], $0x20, s14, s19, $0xb8;
	[tilespmem:$0x1DC00] =	vst v63  }
0x90: {  	s12 =	simm.s32 $0x300  }
0x91: {  	[tilespmem:s26], [sflag:$0x2] =	stream.indirect.gather [hbm4b:s5+s19], $0x20, s12, s19, $0xb8;
	[tilespmem:$0x1DC00] =	vst v63  }
0x92: {  	s13 =	simm.s32 $0x380  }
0x93: {  	[tilespmem:s28], [sflag:$0x2] =	stream.indirect.gather [hbm4b:s5+s19], $0x20, s13, s19, $0xb8;
	[tilespmem:$0x1DC00] =	vst v63  }
0x94: {  	s14 =	simm.s32 $0x400  }
0x95: {  	[tilespmem:s29], [sflag:$0x2] =	stream.indirect.gather [hbm4b:s5+s19], $0x20, s14, s19, $0xb8;
	[tilespmem:$0x1DC00] =	vst v63  }
0x96: {  	s12 =	simm.s32 $0x480  }
0x97: {  	[tilespmem:s30], [sflag:$0x2] =	stream.indirect.gather [hbm4b:s5+s19], $0x20, s12, s19, $0xb8;
	[tilespmem:$0x1DC00] =	vst v63  }
0x98: {  	s13 =	simm.s32 $0x500  }
0x99: {  	[tilespmem:s31], [sflag:$0x2] =	stream.indirect.gather [hbm4b:s5+s19], $0x20, s13, s19, $0xb8;
	[tilespmem:$0x1DC00] =	vst v63  }
0x9a: {  	s14 =	simm.s32 $0x580  }
0x9b: {  	[tilespmem:s1], [sflag:$0x2] =	stream.indirect.gather [hbm4b:s5+s19], $0x20, s14, s19, $0xb8;
	[tilespmem:$0x1DC00] =	vst v63  }
0x9c: {  	_ =	swait.ge [sflag:s0], $0x1000  }
0x9d: {  	[sflag:s0] =	ssyncset.done $0x0  }
0x9e: {  	[sflag:s0] =	ssyncadd.s32 $0xFFFFF000  }
0x9f: {  	_ =	swait.ge [sflag:s0], $0x1000  }
0xa0: {  	[sflag:s0] =	ssyncset.done $0x0  }
0xa1: {  	[sflag:s0] =	ssyncadd.s32 $0xFFFFF000  }
0xa2: {  	_ =	swait.ge [sflag:s0], $0x1000  }
0xa3: {  	[sflag:s0] =	ssyncset.done $0x0  }
0xa4: {  	[sflag:s0] =	ssyncadd.s32 $0xFFFFF000  }
0xa5: {  	_ =	swait.ge [sflag:s0], $0x1000  }
0xa6: {  	[sflag:s0] =	ssyncset.done $0x0  }
0xa7: {  	[sflag:s0] =	ssyncadd.s32 $0xFFFFF000  }
0xa8: {  	_ =	swait.ge [sflag:s0], $0x1000  }
0xa9: {  	[sflag:s0] =	ssyncset.done $0x0  }
0xaa: {  	[sflag:s0] =	ssyncadd.s32 $0xFFFFF000  }
0xab: {  	_ =	swait.ge [sflag:s0], $0x1000  }
0xac: {  	[sflag:s0] =	ssyncset.done $0x0  }
0xad: {  	s12 =	simm.s32 $0x4F00;
	[sflag:s0] =	ssyncadd.s32 $0xFFFFF000  }
0xae: {  	[spmem:s2] =	stream.indirect.scatter.add.f32 [tilespmem:s20], [sflag:$0x3], $0x20, s12, s19, $0xb8;
	[tilespmem:$0x1DC00] =	vst v63  }
0xaf: {  	_ =	swait.ge [sflag:s15], $0x1000  }
0xb0: {  	[sflag:s15] =	ssyncset.done $0x0  }
0xb1: {  	[sflag:s15] =	ssyncadd.s32 $0xFFFFF000  }
0xb2: {  	[spmem:s3] =	stream.indirect.scatter.add.f32 [tilespmem:s16], [sflag:$0x3], $0x1, s12, s19, $0xb8;
	[tilespmem:$0x1DC00] =	vst v63  }
0xb3: {  	_ =	swait.ge [sflag:s15], $0x80  }
0xb4: {  	[sflag:s15] =	ssyncset.done $0x0  }
0xb5: {  	s13 =	simm.s32 $0x4F80;
	[sflag:s15] =	ssyncadd.s32 $0xFFFFFF80  }
0xb6: {  	[spmem:s2] =	stream.indirect.scatter.add.f32 [tilespmem:s21], [sflag:$0x3], $0x20, s13, s19, $0xb8;
	[tilespmem:$0x1DC00] =	vst v63  }
0xb7: {  	_ =	swait.ge [sflag:s15], $0x1000  }
0xb8: {  	[sflag:s15] =	ssyncset.done $0x0  }
0xb9: {  	[sflag:s15] =	ssyncadd.s32 $0xFFFFF000  }
0xba: {  	[spmem:s3] =	stream.indirect.scatter.add.f32 [tilespmem:s16], [sflag:$0x3], $0x1, s13, s19, $0xb8;
	[tilespmem:$0x1DC00] =	vst v63  }
0xbb: {  	_ =	swait.ge [sflag:s15], $0x80  }
0xbc: {  	[sflag:s15] =	ssyncset.done $0x0  }
0xbd: {  	s14 =	simm.s32 $0x5000;
	[sflag:s15] =	ssyncadd.s32 $0xFFFFFF80  }
0xbe: {  	[spmem:s2] =	stream.indirect.scatter.add.f32 [tilespmem:s22], [sflag:$0x3], $0x20, s14, s19, $0xb8;
	[tilespmem:$0x1DC00] =	vst v63  }
0xbf: {  	_ =	swait.ge [sflag:s15], $0x1000  }
0xc0: {  	[sflag:s15] =	ssyncset.done $0x0  }
0xc1: {  	[sflag:s15] =	ssyncadd.s32 $0xFFFFF000  }
0xc2: {  	[spmem:s3] =	stream.indirect.scatter.add.f32 [tilespmem:s16], [sflag:$0x3], $0x1, s14, s19, $0xb8;
	[tilespmem:$0x1DC00] =	vst v63  }
0xc3: {  	_ =	swait.ge [sflag:s15], $0x80  }
0xc4: {  	[sflag:s15] =	ssyncset.done $0x0  }
0xc5: {  	s12 =	simm.s32 $0x5080;
	[sflag:s15] =	ssyncadd.s32 $0xFFFFFF80  }
0xc6: {  	[spmem:s2] =	stream.indirect.scatter.add.f32 [tilespmem:s23], [sflag:$0x3], $0x20, s12, s19, $0xb8;
	[tilespmem:$0x1DC00] =	vst v63  }
0xc7: {  	_ =	swait.ge [sflag:s15], $0x1000  }
0xc8: {  	[sflag:s15] =	ssyncset.done $0x0  }
0xc9: {  	[sflag:s15] =	ssyncadd.s32 $0xFFFFF000  }
0xca: {  	[spmem:s3] =	stream.indirect.scatter.add.f32 [tilespmem:s16], [sflag:$0x3], $0x1, s12, s19, $0xb8;
	[tilespmem:$0x1DC00] =	vst v63  }
0xcb: {  	_ =	swait.ge [sflag:s15], $0x80  }
0xcc: {  	[sflag:s15] =	ssyncset.done $0x0  }
0xcd: {  	s13 =	simm.s32 $0x5100;
	[sflag:s15] =	ssyncadd.s32 $0xFFFFFF80  }
0xce: {  	[spmem:s2] =	stream.indirect.scatter.add.f32 [tilespmem:s24], [sflag:$0x3], $0x20, s13, s19, $0xb8;
	[tilespmem:$0x1DC00] =	vst v63  }
0xcf: {  	_ =	swait.ge [sflag:s15], $0x1000  }
0xd0: {  	[sflag:s15] =	ssyncset.done $0x0  }
0xd1: {  	[sflag:s15] =	ssyncadd.s32 $0xFFFFF000  }
0xd2: {  	[spmem:s3] =	stream.indirect.scatter.add.f32 [tilespmem:s16], [sflag:$0x3], $0x1, s13, s19, $0xb8;
	[tilespmem:$0x1DC00] =	vst v63  }
0xd3: {  	_ =	swait.ge [sflag:s15], $0x80  }
0xd4: {  	[sflag:s15] =	ssyncset.done $0x0  }
0xd5: {  	s14 =	simm.s32 $0x5180;
	[sflag:s15] =	ssyncadd.s32 $0xFFFFFF80  }
0xd6: {  	[spmem:s2] =	stream.indirect.scatter.add.f32 [tilespmem:s25], [sflag:$0x3], $0x20, s14, s19, $0xb8;
	[tilespmem:$0x1DC00] =	vst v63  }
0xd7: {  	_ =	swait.ge [sflag:s15], $0x1000  }
0xd8: {  	[sflag:s15] =	ssyncset.done $0x0  }
0xd9: {  	[sflag:s15] =	ssyncadd.s32 $0xFFFFF000  }
0xda: {  	[spmem:s3] =	stream.indirect.scatter.add.f32 [tilespmem:s16], [sflag:$0x3], $0x1, s14, s19, $0xb8;
	[tilespmem:$0x1DC00] =	vst v63  }
0xdb: {  	_ =	swait.ge [sflag:s15], $0x80  }
0xdc: {  	[sflag:s15] =	ssyncset.done $0x0  }
0xdd: {  	[sflag:s15] =	ssyncadd.s32 $0xFFFFFF80  }
0xde: {  	_ =	swait.ge [sflag:s7], $0x1000  }
0xdf: {  	[sflag:s7] =	ssyncset.done $0x0  }
0xe0: {  	[sflag:s7] =	ssyncadd.s32 $0xFFFFF000  }
0xe1: {  	_ =	swait.ge [sflag:s7], $0x1000  }
0xe2: {  	[sflag:s7] =	ssyncset.done $0x0  }
0xe3: {  	[sflag:s7] =	ssyncadd.s32 $0xFFFFF000  }
0xe4: {  	_ =	swait.ge [sflag:s7], $0x1000  }
0xe5: {  	[sflag:s7] =	ssyncset.done $0x0  }
0xe6: {  	[sflag:s7] =	ssyncadd.s32 $0xFFFFF000  }
0xe7: {  	_ =	swait.ge [sflag:s7], $0x1000  }
0xe8: {  	[sflag:s7] =	ssyncset.done $0x0  }
0xe9: {  	[sflag:s7] =	ssyncadd.s32 $0xFFFFF000  }
0xea: {  	_ =	swait.ge [sflag:s7], $0x1000  }
0xeb: {  	[sflag:s7] =	ssyncset.done $0x0  }
0xec: {  	[sflag:s7] =	ssyncadd.s32 $0xFFFFF000  }
0xed: {  	_ =	swait.ge [sflag:s7], $0x1000  }
0xee: {  	[sflag:s7] =	ssyncset.done $0x0  }
0xef: {  	s12 =	simm.s32 $0x5200;
	[sflag:s7] =	ssyncadd.s32 $0xFFFFF000  }
0xf0: {  	[spmem:s2] =	stream.indirect.scatter.add.f32 [tilespmem:s26], [sflag:$0x3], $0x20, s12, s19, $0xb8;
	[tilespmem:$0x1DC00] =	vst v63  }
0xf1: {  	_ =	swait.ge [sflag:s15], $0x1000  }
0xf2: {  	[sflag:s15] =	ssyncset.done $0x0  }
0xf3: {  	[sflag:s15] =	ssyncadd.s32 $0xFFFFF000  }
0xf4: {  	[spmem:s3] =	stream.indirect.scatter.add.f32 [tilespmem:s16], [sflag:$0x3], $0x1, s12, s19, $0xb8;
	[tilespmem:$0x1DC00] =	vst v63  }
0xf5: {  	_ =	swait.ge [sflag:s15], $0x80  }
0xf6: {  	[sflag:s15] =	ssyncset.done $0x0  }
0xf7: {  	s13 =	simm.s32 $0x5280;
	[sflag:s15] =	ssyncadd.s32 $0xFFFFFF80  }
0xf8: {  	[spmem:s2] =	stream.indirect.scatter.add.f32 [tilespmem:s28], [sflag:$0x3], $0x20, s13, s19, $0xb8;
	[tilespmem:$0x1DC00] =	vst v63  }
0xf9: {  	_ =	swait.ge [sflag:s15], $0x1000  }
0xfa: {  	[sflag:s15] =	ssyncset.done $0x0  }
0xfb: {  	[sflag:s15] =	ssyncadd.s32 $0xFFFFF000  }
0xfc: {  	[spmem:s3] =	stream.indirect.scatter.add.f32 [tilespmem:s16], [sflag:$0x3], $0x1, s13, s19, $0xb8;
	[tilespmem:$0x1DC00] =	vst v63  }
0xfd: {  	_ =	swait.ge [sflag:s15], $0x80  }
0xfe: {  	[sflag:s15] =	ssyncset.done $0x0  }
0xff: {  	s14 =	simm.s32 $0x5300;
	[sflag:s15] =	ssyncadd.s32 $0xFFFFFF80  }
0x100: {  	[spmem:s2] =	stream.indirect.scatter.add.f32 [tilespmem:s29], [sflag:$0x3], $0x20, s14, s19, $0xb8;
	[tilespmem:$0x1DC00] =	vst v63  }
0x101: {  	_ =	swait.ge [sflag:s15], $0x1000  }
0x102: {  	[sflag:s15] =	ssyncset.done $0x0  }
0x103: {  	[sflag:s15] =	ssyncadd.s32 $0xFFFFF000  }
0x104: {  	[spmem:s3] =	stream.indirect.scatter.add.f32 [tilespmem:s16], [sflag:$0x3], $0x1, s14, s19, $0xb8;
	[tilespmem:$0x1DC00] =	vst v63  }
0x105: {  	_ =	swait.ge [sflag:s15], $0x80  }
0x106: {  	[sflag:s15] =	ssyncset.done $0x0  }
0x107: {  	s12 =	simm.s32 $0x5380;
	[sflag:s15] =	ssyncadd.s32 $0xFFFFFF80  }
0x108: {  	[spmem:s2] =	stream.indirect.scatter.add.f32 [tilespmem:s30], [sflag:$0x3], $0x20, s12, s19, $0xb8;
	[tilespmem:$0x1DC00] =	vst v63  }
0x109: {  	_ =	swait.ge [sflag:s15], $0x1000  }
0x10a: {  	[sflag:s15] =	ssyncset.done $0x0  }
0x10b: {  	[sflag:s15] =	ssyncadd.s32 $0xFFFFF000  }
0x10c: {  	[spmem:s3] =	stream.indirect.scatter.add.f32 [tilespmem:s16], [sflag:$0x3], $0x1, s12, s19, $0xb8;
	[tilespmem:$0x1DC00] =	vst v63  }
0x10d: {  	_ =	swait.ge [sflag:s15], $0x80  }
0x10e: {  	[sflag:s15] =	ssyncset.done $0x0  }
0x10f: {  	s13 =	simm.s32 $0x5400;
	[sflag:s15] =	ssyncadd.s32 $0xFFFFFF80  }
0x110: {  	[spmem:s2] =	stream.indirect.scatter.add.f32 [tilespmem:s31], [sflag:$0x3], $0x20, s13, s19, $0xb8;
	[tilespmem:$0x1DC00] =	vst v63  }
0x111: {  	_ =	swait.ge [sflag:s15], $0x1000  }
0x112: {  	[sflag:s15] =	ssyncset.done $0x0  }
0x113: {  	[sflag:s15] =	ssyncadd.s32 $0xFFFFF000  }
0x114: {  	[spmem:s3] =	stream.indirect.scatter.add.f32 [tilespmem:s16], [sflag:$0x3], $0x1, s13, s19, $0xb8;
	[tilespmem:$0x1DC00] =	vst v63  }
0x115: {  	_ =	swait.ge [sflag:s15], $0x80  }
0x116: {  	[sflag:s15] =	ssyncset.done $0x0  }
0x117: {  	s14 =	simm.s32 $0x5480;
	[sflag:s15] =	ssyncadd.s32 $0xFFFFFF80  }
0x118: {  	[spmem:s2] =	stream.indirect.scatter.add.f32 [tilespmem:s1], [sflag:$0x3], $0x20, s14, s19, $0xb8;
	[tilespmem:$0x1DC00] =	vst v63  }
0x119: {  	_ =	swait.ge [sflag:s15], $0x1000  }
0x11a: {  	[sflag:s15] =	ssyncset.done $0x0  }
0x11b: {  	[sflag:s15] =	ssyncadd.s32 $0xFFFFF000  }
0x11c: {  	[spmem:s3] =	stream.indirect.scatter.add.f32 [tilespmem:s16], [sflag:$0x3], $0x1, s14, s19, $0xb8;
	[tilespmem:$0x1DC00] =	vst v63  }
0x11d: {  	_ =	swait.ge [sflag:s15], $0x80  }
0x11e: {  	s12 =	simm.s32 $0x1800;
	s13 =	simm.s32 $0x3000;
	[sflag:s15] =	ssyncset.done $0x0  }
.LBB2_6:
0x11f: {  	s14 =	sshra.s32 s12, $0x2  }
0x120: {  	[sflag:s15] =	ssyncadd.s32 $0xFFFFFF80;
	s12 =	smov.u32 s13;
	s8 =	sadd.s32 $0x1800, s13  }
0x121: {  	[tilespmem:s20], [sflag:$0x1] =	stream.indirect.gather [hbm4b:s5+s19], $0x20, s14, s19, $0xb8;
	[tilespmem:$0x1DC00] =	vst v63  }
0x122: {  	p1 =	sne.s32 s13, $0x7800;
	s13 =	sadd.s32 $0x80, s14  }
0x123: {  	[tilespmem:s21], [sflag:$0x1] =	stream.indirect.gather [hbm4b:s5+s19], $0x20, s13, s19, $0xb8;
	[tilespmem:$0x1DC00] =	vst v63  }
0x124: {  	s13 =	sadd.s32 $0x100, s14  }
0x125: {  	[tilespmem:s22], [sflag:$0x1] =	stream.indirect.gather [hbm4b:s5+s19], $0x20, s13, s19, $0xb8;
	[tilespmem:$0x1DC00] =	vst v63  }
0x126: {  	s13 =	sadd.s32 $0x180, s14  }
0x127: {  	[tilespmem:s23], [sflag:$0x1] =	stream.indirect.gather [hbm4b:s5+s19], $0x20, s13, s19, $0xb8;
	[tilespmem:$0x1DC00] =	vst v63  }
0x128: {  	s13 =	sadd.s32 $0x200, s14  }
0x129: {  	[tilespmem:s24], [sflag:$0x1] =	stream.indirect.gather [hbm4b:s5+s19], $0x20, s13, s19, $0xb8;
	[tilespmem:$0x1DC00] =	vst v63  }
0x12a: {  	s13 =	sadd.s32 $0x280, s14  }
0x12b: {  	[tilespmem:s25], [sflag:$0x1] =	stream.indirect.gather [hbm4b:s5+s19], $0x20, s13, s19, $0xb8;
	[tilespmem:$0x1DC00] =	vst v63  }
0x12c: {  	s13 =	sadd.s32 $0x300, s14  }
0x12d: {  	[tilespmem:s26], [sflag:$0x2] =	stream.indirect.gather [hbm4b:s5+s19], $0x20, s13, s19, $0xb8;
	[tilespmem:$0x1DC00] =	vst v63  }
0x12e: {  	s13 =	sadd.s32 $0x380, s14  }
0x12f: {  	[tilespmem:s28], [sflag:$0x2] =	stream.indirect.gather [hbm4b:s5+s19], $0x20, s13, s19, $0xb8;
	[tilespmem:$0x1DC00] =	vst v63  }
0x130: {  	s13 =	sadd.s32 $0x400, s14  }
0x131: {  	[tilespmem:s29], [sflag:$0x2] =	stream.indirect.gather [hbm4b:s5+s19], $0x20, s13, s19, $0xb8;
	[tilespmem:$0x1DC00] =	vst v63  }
0x132: {  	s13 =	sadd.s32 $0x480, s14  }
0x133: {  	[tilespmem:s30], [sflag:$0x2] =	stream.indirect.gather [hbm4b:s5+s19], $0x20, s13, s19, $0xb8;
	[tilespmem:$0x1DC00] =	vst v63  }
0x134: {  	s13 =	sadd.s32 $0x500, s14  }
0x135: {  	[tilespmem:s31], [sflag:$0x2] =	stream.indirect.gather [hbm4b:s5+s19], $0x20, s13, s19, $0xb8;
	[tilespmem:$0x1DC00] =	vst v63  }
0x136: {  	s13 =	sadd.s32 $0x580, s14  }
0x137: {  	[tilespmem:s1], [sflag:$0x2] =	stream.indirect.gather [hbm4b:s5+s19], $0x20, s13, s19, $0xb8;
	[tilespmem:$0x1DC00] =	vst v63  }
0x138: {  	_ =	swait.ge [sflag:s0], $0x1000  }
0x139: {  	[sflag:s0] =	ssyncset.done $0x0  }
0x13a: {  	[sflag:s0] =	ssyncadd.s32 $0xFFFFF000  }
0x13b: {  	_ =	swait.ge [sflag:s0], $0x1000  }
0x13c: {  	[sflag:s0] =	ssyncset.done $0x0  }
0x13d: {  	[sflag:s0] =	ssyncadd.s32 $0xFFFFF000  }
0x13e: {  	_ =	swait.ge [sflag:s0], $0x1000  }
0x13f: {  	[sflag:s0] =	ssyncset.done $0x0  }
0x140: {  	[sflag:s0] =	ssyncadd.s32 $0xFFFFF000  }
0x141: {  	_ =	swait.ge [sflag:s0], $0x1000  }
0x142: {  	[sflag:s0] =	ssyncset.done $0x0  }
0x143: {  	[sflag:s0] =	ssyncadd.s32 $0xFFFFF000  }
0x144: {  	_ =	swait.ge [sflag:s0], $0x1000  }
0x145: {  	[sflag:s0] =	ssyncset.done $0x0  }
0x146: {  	[sflag:s0] =	ssyncadd.s32 $0xFFFFF000  }
0x147: {  	_ =	swait.ge [sflag:s0], $0x1000  }
0x148: {  	[sflag:s0] =	ssyncset.done $0x0  }
0x149: {  	s13 =	sadd.s32 $0x4F00, s14;
	[sflag:s0] =	ssyncadd.s32 $0xFFFFF000  }
0x14a: {  	[spmem:s2] =	stream.indirect.scatter.add.f32 [tilespmem:s20], [sflag:$0x3], $0x20, s13, s19, $0xb8;
	[tilespmem:$0x1DC00] =	vst v63  }
0x14b: {  	_ =	swait.ge [sflag:s15], $0x1000  }
0x14c: {  	[sflag:s15] =	ssyncset.done $0x0  }
0x14d: {  	[sflag:s15] =	ssyncadd.s32 $0xFFFFF000  }
0x14e: {  	[spmem:s3] =	stream.indirect.scatter.add.f32 [tilespmem:s16], [sflag:$0x3], $0x1, s13, s19, $0xb8;
	[tilespmem:$0x1DC00] =	vst v63  }
0x14f: {  	_ =	swait.ge [sflag:s15], $0x80  }
0x150: {  	[sflag:s15] =	ssyncset.done $0x0  }
0x151: {  	s13 =	sadd.s32 $0x4F80, s14;
	[sflag:s15] =	ssyncadd.s32 $0xFFFFFF80  }
0x152: {  	[spmem:s2] =	stream.indirect.scatter.add.f32 [tilespmem:s21], [sflag:$0x3], $0x20, s13, s19, $0xb8;
	[tilespmem:$0x1DC00] =	vst v63  }
0x153: {  	_ =	swait.ge [sflag:s15], $0x1000  }
0x154: {  	[sflag:s15] =	ssyncset.done $0x0  }
0x155: {  	[sflag:s15] =	ssyncadd.s32 $0xFFFFF000  }
0x156: {  	[spmem:s3] =	stream.indirect.scatter.add.f32 [tilespmem:s16], [sflag:$0x3], $0x1, s13, s19, $0xb8;
	[tilespmem:$0x1DC00] =	vst v63  }
0x157: {  	_ =	swait.ge [sflag:s15], $0x80  }
0x158: {  	[sflag:s15] =	ssyncset.done $0x0  }
0x159: {  	s13 =	sadd.s32 $0x5000, s14;
	[sflag:s15] =	ssyncadd.s32 $0xFFFFFF80  }
0x15a: {  	[spmem:s2] =	stream.indirect.scatter.add.f32 [tilespmem:s22], [sflag:$0x3], $0x20, s13, s19, $0xb8;
	[tilespmem:$0x1DC00] =	vst v63  }
0x15b: {  	_ =	swait.ge [sflag:s15], $0x1000  }
0x15c: {  	[sflag:s15] =	ssyncset.done $0x0  }
0x15d: {  	[sflag:s15] =	ssyncadd.s32 $0xFFFFF000  }
0x15e: {  	[spmem:s3] =	stream.indirect.scatter.add.f32 [tilespmem:s16], [sflag:$0x3], $0x1, s13, s19, $0xb8;
	[tilespmem:$0x1DC00] =	vst v63  }
0x15f: {  	_ =	swait.ge [sflag:s15], $0x80  }
0x160: {  	[sflag:s15] =	ssyncset.done $0x0  }
0x161: {  	s13 =	sadd.s32 $0x5080, s14;
	[sflag:s15] =	ssyncadd.s32 $0xFFFFFF80  }
0x162: {  	[spmem:s2] =	stream.indirect.scatter.add.f32 [tilespmem:s23], [sflag:$0x3], $0x20, s13, s19, $0xb8;
	[tilespmem:$0x1DC00] =	vst v63  }
0x163: {  	_ =	swait.ge [sflag:s15], $0x1000  }
0x164: {  	[sflag:s15] =	ssyncset.done $0x0  }
0x165: {  	[sflag:s15] =	ssyncadd.s32 $0xFFFFF000  }
0x166: {  	[spmem:s3] =	stream.indirect.scatter.add.f32 [tilespmem:s16], [sflag:$0x3], $0x1, s13, s19, $0xb8;
	[tilespmem:$0x1DC00] =	vst v63  }
0x167: {  	_ =	swait.ge [sflag:s15], $0x80  }
0x168: {  	[sflag:s15] =	ssyncset.done $0x0  }
0x169: {  	s13 =	sadd.s32 $0x5100, s14;
	[sflag:s15] =	ssyncadd.s32 $0xFFFFFF80  }
0x16a: {  	[spmem:s2] =	stream.indirect.scatter.add.f32 [tilespmem:s24], [sflag:$0x3], $0x20, s13, s19, $0xb8;
	[tilespmem:$0x1DC00] =	vst v63  }
0x16b: {  	_ =	swait.ge [sflag:s15], $0x1000  }
0x16c: {  	[sflag:s15] =	ssyncset.done $0x0  }
0x16d: {  	[sflag:s15] =	ssyncadd.s32 $0xFFFFF000  }
0x16e: {  	[spmem:s3] =	stream.indirect.scatter.add.f32 [tilespmem:s16], [sflag:$0x3], $0x1, s13, s19, $0xb8;
	[tilespmem:$0x1DC00] =	vst v63  }
0x16f: {  	_ =	swait.ge [sflag:s15], $0x80  }
0x170: {  	[sflag:s15] =	ssyncset.done $0x0  }
0x171: {  	s13 =	sadd.s32 $0x5180, s14;
	[sflag:s15] =	ssyncadd.s32 $0xFFFFFF80  }
0x172: {  	[spmem:s2] =	stream.indirect.scatter.add.f32 [tilespmem:s25], [sflag:$0x3], $0x20, s13, s19, $0xb8;
	[tilespmem:$0x1DC00] =	vst v63  }
0x173: {  	_ =	swait.ge [sflag:s15], $0x1000  }
0x174: {  	[sflag:s15] =	ssyncset.done $0x0  }
0x175: {  	[sflag:s15] =	ssyncadd.s32 $0xFFFFF000  }
0x176: {  	[spmem:s3] =	stream.indirect.scatter.add.f32 [tilespmem:s16], [sflag:$0x3], $0x1, s13, s19, $0xb8;
	[tilespmem:$0x1DC00] =	vst v63  }
0x177: {  	_ =	swait.ge [sflag:s15], $0x80  }
0x178: {  	[sflag:s15] =	ssyncset.done $0x0  }
0x179: {  	[sflag:s15] =	ssyncadd.s32 $0xFFFFFF80  }
0x17a: {  	_ =	swait.ge [sflag:s7], $0x1000  }
0x17b: {  	[sflag:s7] =	ssyncset.done $0x0  }
0x17c: {  	[sflag:s7] =	ssyncadd.s32 $0xFFFFF000  }
0x17d: {  	_ =	swait.ge [sflag:s7], $0x1000  }
0x17e: {  	[sflag:s7] =	ssyncset.done $0x0  }
0x17f: {  	[sflag:s7] =	ssyncadd.s32 $0xFFFFF000  }
0x180: {  	_ =	swait.ge [sflag:s7], $0x1000  }
0x181: {  	[sflag:s7] =	ssyncset.done $0x0  }
0x182: {  	[sflag:s7] =	ssyncadd.s32 $0xFFFFF000  }
0x183: {  	_ =	swait.ge [sflag:s7], $0x1000  }
0x184: {  	[sflag:s7] =	ssyncset.done $0x0  }
0x185: {  	[sflag:s7] =	ssyncadd.s32 $0xFFFFF000  }
0x186: {  	_ =	swait.ge [sflag:s7], $0x1000  }
0x187: {  	[sflag:s7] =	ssyncset.done $0x0  }
0x188: {  	[sflag:s7] =	ssyncadd.s32 $0xFFFFF000  }
0x189: {  	_ =	swait.ge [sflag:s7], $0x1000  }
0x18a: {  	[sflag:s7] =	ssyncset.done $0x0  }
0x18b: {  	s13 =	sadd.s32 $0x5200, s14;
	[sflag:s7] =	ssyncadd.s32 $0xFFFFF000  }
0x18c: {  	[spmem:s2] =	stream.indirect.scatter.add.f32 [tilespmem:s26], [sflag:$0x3], $0x20, s13, s19, $0xb8;
	[tilespmem:$0x1DC00] =	vst v63  }
0x18d: {  	_ =	swait.ge [sflag:s15], $0x1000  }
0x18e: {  	[sflag:s15] =	ssyncset.done $0x0  }
0x18f: {  	[sflag:s15] =	ssyncadd.s32 $0xFFFFF000  }
0x190: {  	[spmem:s3] =	stream.indirect.scatter.add.f32 [tilespmem:s16], [sflag:$0x3], $0x1, s13, s19, $0xb8;
	[tilespmem:$0x1DC00] =	vst v63  }
0x191: {  	_ =	swait.ge [sflag:s15], $0x80  }
0x192: {  	[sflag:s15] =	ssyncset.done $0x0  }
0x193: {  	s13 =	sadd.s32 $0x5280, s14;
	[sflag:s15] =	ssyncadd.s32 $0xFFFFFF80  }
0x194: {  	[spmem:s2] =	stream.indirect.scatter.add.f32 [tilespmem:s28], [sflag:$0x3], $0x20, s13, s19, $0xb8;
	[tilespmem:$0x1DC00] =	vst v63  }
0x195: {  	_ =	swait.ge [sflag:s15], $0x1000  }
0x196: {  	[sflag:s15] =	ssyncset.done $0x0  }
0x197: {  	[sflag:s15] =	ssyncadd.s32 $0xFFFFF000  }
0x198: {  	[spmem:s3] =	stream.indirect.scatter.add.f32 [tilespmem:s16], [sflag:$0x3], $0x1, s13, s19, $0xb8;
	[tilespmem:$0x1DC00] =	vst v63  }
0x199: {  	_ =	swait.ge [sflag:s15], $0x80  }
0x19a: {  	[sflag:s15] =	ssyncset.done $0x0  }
0x19b: {  	s13 =	sadd.s32 $0x5300, s14;
	[sflag:s15] =	ssyncadd.s32 $0xFFFFFF80  }
0x19c: {  	[spmem:s2] =	stream.indirect.scatter.add.f32 [tilespmem:s29], [sflag:$0x3], $0x20, s13, s19, $0xb8;
	[tilespmem:$0x1DC00] =	vst v63  }
0x19d: {  	_ =	swait.ge [sflag:s15], $0x1000  }
0x19e: {  	[sflag:s15] =	ssyncset.done $0x0  }
0x19f: {  	[sflag:s15] =	ssyncadd.s32 $0xFFFFF000  }
0x1a0: {  	[spmem:s3] =	stream.indirect.scatter.add.f32 [tilespmem:s16], [sflag:$0x3], $0x1, s13, s19, $0xb8;
	[tilespmem:$0x1DC00] =	vst v63  }
0x1a1: {  	_ =	swait.ge [sflag:s15], $0x80  }
0x1a2: {  	[sflag:s15] =	ssyncset.done $0x0  }
0x1a3: {  	s13 =	sadd.s32 $0x5380, s14;
	[sflag:s15] =	ssyncadd.s32 $0xFFFFFF80  }
0x1a4: {  	[spmem:s2] =	stream.indirect.scatter.add.f32 [tilespmem:s30], [sflag:$0x3], $0x20, s13, s19, $0xb8;
	[tilespmem:$0x1DC00] =	vst v63  }
0x1a5: {  	_ =	swait.ge [sflag:s15], $0x1000  }
0x1a6: {  	[sflag:s15] =	ssyncset.done $0x0  }
0x1a7: {  	[sflag:s15] =	ssyncadd.s32 $0xFFFFF000  }
0x1a8: {  	[spmem:s3] =	stream.indirect.scatter.add.f32 [tilespmem:s16], [sflag:$0x3], $0x1, s13, s19, $0xb8;
	[tilespmem:$0x1DC00] =	vst v63  }
0x1a9: {  	_ =	swait.ge [sflag:s15], $0x80  }
0x1aa: {  	[sflag:s15] =	ssyncset.done $0x0  }
0x1ab: {  	s13 =	sadd.s32 $0x5400, s14;
	[sflag:s15] =	ssyncadd.s32 $0xFFFFFF80  }
0x1ac: {  	[spmem:s2] =	stream.indirect.scatter.add.f32 [tilespmem:s31], [sflag:$0x3], $0x20, s13, s19, $0xb8;
	[tilespmem:$0x1DC00] =	vst v63  }
0x1ad: {  	_ =	swait.ge [sflag:s15], $0x1000  }
0x1ae: {  	[sflag:s15] =	ssyncset.done $0x0  }
0x1af: {  	[sflag:s15] =	ssyncadd.s32 $0xFFFFF000  }
0x1b0: {  	[spmem:s3] =	stream.indirect.scatter.add.f32 [tilespmem:s16], [sflag:$0x3], $0x1, s13, s19, $0xb8;
	[tilespmem:$0x1DC00] =	vst v63  }
0x1b1: {  	_ =	swait.ge [sflag:s15], $0x80  }
0x1b2: {  	[sflag:s15] =	ssyncset.done $0x0  }
0x1b3: {  	s13 =	sadd.s32 $0x5480, s14;
	[sflag:s15] =	ssyncadd.s32 $0xFFFFFF80  }
0x1b4: {  	[spmem:s2] =	stream.indirect.scatter.add.f32 [tilespmem:s1], [sflag:$0x3], $0x20, s13, s19, $0xb8;
	[tilespmem:$0x1DC00] =	vst v63  }
0x1b5: {  	_ =	swait.ge [sflag:s15], $0x1000  }
.Ltmp2:
0x1b6: {  	[sflag:s15] =	ssyncset.done $0x0;
	(pc) =	sbr.rel @p1 .LBB2_6-.Ltmp2, $4  }
0x1b7: {  	[sflag:s15] =	ssyncadd.s32 $0xFFFFF000  }
0x1b8: {  	[spmem:s3] =	stream.indirect.scatter.add.f32 [tilespmem:s16], [sflag:$0x3], $0x1, s13, s19, $0xb8;
	[tilespmem:$0x1DC00] =	vst v63  }
0x1b9: {  	_ =	swait.ge [sflag:s15], $0x80  }
0x1ba: {  	s13 =	smov.u32 s8;
	[sflag:s15] =	ssyncset.done $0x0  }
0x1bb: {  	s12 =	sshra.s32 s12, $0x2;
	[sflag:s15] =	ssyncadd.s32 $0xFFFFFF80  }
0x1bc: {  	[tilespmem:s20], [sflag:$0x1] =	stream.indirect.gather [hbm4b:s5+s19], $0x20, s12, s19, $0xb8;
	[tilespmem:$0x1DC00] =	vst v63  }
0x1bd: {  	s8 =	sadd.s32 $0x80, s12  }
0x1be: {  	[tilespmem:s21], [sflag:$0x1] =	stream.indirect.gather [hbm4b:s5+s19], $0x20, s8, s19, $0xb8;
	[tilespmem:$0x1DC00] =	vst v63  }
0x1bf: {  	s13 =	sadd.s32 $0x100, s12  }
0x1c0: {  	[tilespmem:s22], [sflag:$0x1] =	stream.indirect.gather [hbm4b:s5+s19], $0x20, s13, s19, $0xb8;
	[tilespmem:$0x1DC00] =	vst v63  }
0x1c1: {  	s14 =	sadd.s32 $0x180, s12  }
0x1c2: {  	[tilespmem:s23], [sflag:$0x1] =	stream.indirect.gather [hbm4b:s5+s19], $0x20, s14, s19, $0xb8;
	[tilespmem:$0x1DC00] =	vst v63  }
0x1c3: {  	s13 =	sadd.s32 $0x200, s12  }
0x1c4: {  	[tilespmem:s24], [sflag:$0x1] =	stream.indirect.gather [hbm4b:s5+s19], $0x20, s13, s19, $0xb8;
	[tilespmem:$0x1DC00] =	vst v63  }
0x1c5: {  	s14 =	sadd.s32 $0x280, s12  }
0x1c6: {  	[tilespmem:s25], [sflag:$0x1] =	stream.indirect.gather [hbm4b:s5+s19], $0x20, s14, s19, $0xb8;
	[tilespmem:$0x1DC00] =	vst v63  }
0x1c7: {  	s13 =	sadd.s32 $0x300, s12  }
0x1c8: {  	[tilespmem:s26], [sflag:$0x2] =	stream.indirect.gather [hbm4b:s5+s19], $0x20, s13, s19, $0xb8;
	[tilespmem:$0x1DC00] =	vst v63  }
0x1c9: {  	s14 =	sadd.s32 $0x380, s12  }
0x1ca: {  	[tilespmem:s28], [sflag:$0x2] =	stream.indirect.gather [hbm4b:s5+s19], $0x20, s14, s19, $0xb8;
	[tilespmem:$0x1DC00] =	vst v63  }
0x1cb: {  	s13 =	sadd.s32 $0x400, s12  }
0x1cc: {  	[tilespmem:s29], [sflag:$0x2] =	stream.indirect.gather [hbm4b:s5+s19], $0x20, s13, s19, $0xb8;
	[tilespmem:$0x1DC00] =	vst v63  }
0x1cd: {  	s14 =	sadd.s32 $0x480, s12  }
0x1ce: {  	[tilespmem:s30], [sflag:$0x2] =	stream.indirect.gather [hbm4b:s5+s19], $0x20, s14, s19, $0xb8;
	[tilespmem:$0x1DC00] =	vst v63  }
0x1cf: {  	s13 =	sadd.s32 $0x500, s12  }
0x1d0: {  	[tilespmem:s31], [sflag:$0x2] =	stream.indirect.gather [hbm4b:s5+s19], $0x20, s13, s19, $0xb8;
	[tilespmem:$0x1DC00] =	vst v63  }
0x1d1: {  	s14 =	sadd.s32 $0x580, s12  }
0x1d2: {  	[tilespmem:s1], [sflag:$0x2] =	stream.indirect.gather [hbm4b:s5+s19], $0x20, s14, s19, $0xb8;
	[tilespmem:$0x1DC00] =	vst v63  }
0x1d3: {  	_ =	swait.ge [sflag:s0], $0x1000  }
0x1d4: {  	[sflag:s0] =	ssyncset.done $0x0  }
0x1d5: {  	[sflag:s0] =	ssyncadd.s32 $0xFFFFF000  }
0x1d6: {  	_ =	swait.ge [sflag:s0], $0x1000  }
0x1d7: {  	[sflag:s0] =	ssyncset.done $0x0  }
0x1d8: {  	[sflag:s0] =	ssyncadd.s32 $0xFFFFF000  }
0x1d9: {  	_ =	swait.ge [sflag:s0], $0x1000  }
0x1da: {  	[sflag:s0] =	ssyncset.done $0x0  }
0x1db: {  	[sflag:s0] =	ssyncadd.s32 $0xFFFFF000  }
0x1dc: {  	_ =	swait.ge [sflag:s0], $0x1000  }
0x1dd: {  	[sflag:s0] =	ssyncset.done $0x0  }
0x1de: {  	[sflag:s0] =	ssyncadd.s32 $0xFFFFF000  }
0x1df: {  	_ =	swait.ge [sflag:s0], $0x1000  }
0x1e0: {  	[sflag:s0] =	ssyncset.done $0x0  }
0x1e1: {  	[sflag:s0] =	ssyncadd.s32 $0xFFFFF000  }
0x1e2: {  	_ =	swait.ge [sflag:s0], $0x1000  }
0x1e3: {  	[sflag:s0] =	ssyncset.done $0x0  }
0x1e4: {  	s13 =	sadd.s32 $0x4F00, s12;
	[sflag:s0] =	ssyncadd.s32 $0xFFFFF000  }
0x1e5: {  	[spmem:s2] =	stream.indirect.scatter.add.f32 [tilespmem:s20], [sflag:$0x3], $0x20, s13, s19, $0xb8;
	[tilespmem:$0x1DC00] =	vst v63  }
0x1e6: {  	_ =	swait.ge [sflag:s15], $0x1000  }
0x1e7: {  	[sflag:s15] =	ssyncset.done $0x0  }
0x1e8: {  	[sflag:s15] =	ssyncadd.s32 $0xFFFFF000  }
0x1e9: {  	[spmem:s3] =	stream.indirect.scatter.add.f32 [tilespmem:s16], [sflag:$0x3], $0x1, s13, s19, $0xb8;
	[tilespmem:$0x1DC00] =	vst v63  }
0x1ea: {  	_ =	swait.ge [sflag:s15], $0x80  }
0x1eb: {  	[sflag:s15] =	ssyncset.done $0x0  }
0x1ec: {  	s14 =	sadd.s32 $0x4F80, s12;
	[sflag:s15] =	ssyncadd.s32 $0xFFFFFF80  }
0x1ed: {  	[spmem:s2] =	stream.indirect.scatter.add.f32 [tilespmem:s21], [sflag:$0x3], $0x20, s14, s19, $0xb8;
	[tilespmem:$0x1DC00] =	vst v63  }
0x1ee: {  	_ =	swait.ge [sflag:s15], $0x1000  }
0x1ef: {  	[sflag:s15] =	ssyncset.done $0x0  }
0x1f0: {  	[sflag:s15] =	ssyncadd.s32 $0xFFFFF000  }
0x1f1: {  	[spmem:s3] =	stream.indirect.scatter.add.f32 [tilespmem:s16], [sflag:$0x3], $0x1, s14, s19, $0xb8;
	[tilespmem:$0x1DC00] =	vst v63  }
0x1f2: {  	_ =	swait.ge [sflag:s15], $0x80  }
0x1f3: {  	[sflag:s15] =	ssyncset.done $0x0  }
0x1f4: {  	s13 =	sadd.s32 $0x5000, s12;
	[sflag:s15] =	ssyncadd.s32 $0xFFFFFF80  }
0x1f5: {  	[spmem:s2] =	stream.indirect.scatter.add.f32 [tilespmem:s22], [sflag:$0x3], $0x20, s13, s19, $0xb8;
	[tilespmem:$0x1DC00] =	vst v63  }
0x1f6: {  	_ =	swait.ge [sflag:s15], $0x1000  }
0x1f7: {  	[sflag:s15] =	ssyncset.done $0x0  }
0x1f8: {  	[sflag:s15] =	ssyncadd.s32 $0xFFFFF000  }
0x1f9: {  	[spmem:s3] =	stream.indirect.scatter.add.f32 [tilespmem:s16], [sflag:$0x3], $0x1, s13, s19, $0xb8;
	[tilespmem:$0x1DC00] =	vst v63  }
0x1fa: {  	_ =	swait.ge [sflag:s15], $0x80  }
0x1fb: {  	[sflag:s15] =	ssyncset.done $0x0  }
0x1fc: {  	s14 =	sadd.s32 $0x5080, s12;
	[sflag:s15] =	ssyncadd.s32 $0xFFFFFF80  }
0x1fd: {  	[spmem:s2] =	stream.indirect.scatter.add.f32 [tilespmem:s23], [sflag:$0x3], $0x20, s14, s19, $0xb8;
	[tilespmem:$0x1DC00] =	vst v63  }
0x1fe: {  	_ =	swait.ge [sflag:s15], $0x1000  }
0x1ff: {  	[sflag:s15] =	ssyncset.done $0x0  }
0x200: {  	[sflag:s15] =	ssyncadd.s32 $0xFFFFF000  }
0x201: {  	[spmem:s3] =	stream.indirect.scatter.add.f32 [tilespmem:s16], [sflag:$0x3], $0x1, s14, s19, $0xb8;
	[tilespmem:$0x1DC00] =	vst v63  }
0x202: {  	_ =	swait.ge [sflag:s15], $0x80  }
0x203: {  	[sflag:s15] =	ssyncset.done $0x0  }
0x204: {  	s13 =	sadd.s32 $0x5100, s12;
	[sflag:s15] =	ssyncadd.s32 $0xFFFFFF80  }
0x205: {  	[spmem:s2] =	stream.indirect.scatter.add.f32 [tilespmem:s24], [sflag:$0x3], $0x20, s13, s19, $0xb8;
	[tilespmem:$0x1DC00] =	vst v63  }
0x206: {  	_ =	swait.ge [sflag:s15], $0x1000  }
0x207: {  	[sflag:s15] =	ssyncset.done $0x0  }
0x208: {  	[sflag:s15] =	ssyncadd.s32 $0xFFFFF000  }
0x209: {  	[spmem:s3] =	stream.indirect.scatter.add.f32 [tilespmem:s16], [sflag:$0x3], $0x1, s13, s19, $0xb8;
	[tilespmem:$0x1DC00] =	vst v63  }
0x20a: {  	_ =	swait.ge [sflag:s15], $0x80  }
0x20b: {  	[sflag:s15] =	ssyncset.done $0x0  }
0x20c: {  	s14 =	sadd.s32 $0x5180, s12;
	[sflag:s15] =	ssyncadd.s32 $0xFFFFFF80  }
0x20d: {  	[spmem:s2] =	stream.indirect.scatter.add.f32 [tilespmem:s25], [sflag:$0x3], $0x20, s14, s19, $0xb8;
	[tilespmem:$0x1DC00] =	vst v63  }
0x20e: {  	_ =	swait.ge [sflag:s15], $0x1000  }
0x20f: {  	[sflag:s15] =	ssyncset.done $0x0  }
0x210: {  	[sflag:s15] =	ssyncadd.s32 $0xFFFFF000  }
0x211: {  	[spmem:s3] =	stream.indirect.scatter.add.f32 [tilespmem:s16], [sflag:$0x3], $0x1, s14, s19, $0xb8;
	[tilespmem:$0x1DC00] =	vst v63  }
0x212: {  	_ =	swait.ge [sflag:s15], $0x80  }
0x213: {  	[sflag:s15] =	ssyncset.done $0x0  }
0x214: {  	[sflag:s15] =	ssyncadd.s32 $0xFFFFFF80  }
0x215: {  	_ =	swait.ge [sflag:s7], $0x1000  }
0x216: {  	[sflag:s7] =	ssyncset.done $0x0  }
0x217: {  	[sflag:s7] =	ssyncadd.s32 $0xFFFFF000  }
0x218: {  	_ =	swait.ge [sflag:s7], $0x1000  }
0x219: {  	[sflag:s7] =	ssyncset.done $0x0  }
0x21a: {  	[sflag:s7] =	ssyncadd.s32 $0xFFFFF000  }
0x21b: {  	_ =	swait.ge [sflag:s7], $0x1000  }
0x21c: {  	[sflag:s7] =	ssyncset.done $0x0  }
0x21d: {  	[sflag:s7] =	ssyncadd.s32 $0xFFFFF000  }
0x21e: {  	_ =	swait.ge [sflag:s7], $0x1000  }
0x21f: {  	[sflag:s7] =	ssyncset.done $0x0  }
0x220: {  	[sflag:s7] =	ssyncadd.s32 $0xFFFFF000  }
0x221: {  	_ =	swait.ge [sflag:s7], $0x1000  }
0x222: {  	[sflag:s7] =	ssyncset.done $0x0  }
0x223: {  	[sflag:s7] =	ssyncadd.s32 $0xFFFFF000  }
0x224: {  	_ =	swait.ge [sflag:s7], $0x1000  }
0x225: {  	[sflag:s7] =	ssyncset.done $0x0  }
0x226: {  	s13 =	sadd.s32 $0x5200, s12;
	[sflag:s7] =	ssyncadd.s32 $0xFFFFF000  }
0x227: {  	[spmem:s2] =	stream.indirect.scatter.add.f32 [tilespmem:s26], [sflag:$0x3], $0x20, s13, s19, $0xb8;
	[tilespmem:$0x1DC00] =	vst v63  }
0x228: {  	_ =	swait.ge [sflag:s15], $0x1000  }
0x229: {  	[sflag:s15] =	ssyncset.done $0x0  }
0x22a: {  	[sflag:s15] =	ssyncadd.s32 $0xFFFFF000  }
0x22b: {  	[spmem:s3] =	stream.indirect.scatter.add.f32 [tilespmem:s16], [sflag:$0x3], $0x1, s13, s19, $0xb8;
	[tilespmem:$0x1DC00] =	vst v63  }
0x22c: {  	_ =	swait.ge [sflag:s15], $0x80  }
0x22d: {  	[sflag:s15] =	ssyncset.done $0x0  }
0x22e: {  	s14 =	sadd.s32 $0x5280, s12;
	[sflag:s15] =	ssyncadd.s32 $0xFFFFFF80  }
0x22f: {  	[spmem:s2] =	stream.indirect.scatter.add.f32 [tilespmem:s28], [sflag:$0x3], $0x20, s14, s19, $0xb8;
	[tilespmem:$0x1DC00] =	vst v63  }
0x230: {  	_ =	swait.ge [sflag:s15], $0x1000  }
0x231: {  	[sflag:s15] =	ssyncset.done $0x0  }
0x232: {  	[sflag:s15] =	ssyncadd.s32 $0xFFFFF000  }
0x233: {  	[spmem:s3] =	stream.indirect.scatter.add.f32 [tilespmem:s16], [sflag:$0x3], $0x1, s14, s19, $0xb8;
	[tilespmem:$0x1DC00] =	vst v63  }
0x234: {  	_ =	swait.ge [sflag:s15], $0x80  }
0x235: {  	[sflag:s15] =	ssyncset.done $0x0  }
0x236: {  	s13 =	sadd.s32 $0x5300, s12;
	[sflag:s15] =	ssyncadd.s32 $0xFFFFFF80  }
0x237: {  	[spmem:s2] =	stream.indirect.scatter.add.f32 [tilespmem:s29], [sflag:$0x3], $0x20, s13, s19, $0xb8;
	[tilespmem:$0x1DC00] =	vst v63  }
0x238: {  	_ =	swait.ge [sflag:s15], $0x1000  }
0x239: {  	[sflag:s15] =	ssyncset.done $0x0  }
0x23a: {  	[sflag:s15] =	ssyncadd.s32 $0xFFFFF000  }
0x23b: {  	[spmem:s3] =	stream.indirect.scatter.add.f32 [tilespmem:s16], [sflag:$0x3], $0x1, s13, s19, $0xb8;
	[tilespmem:$0x1DC00] =	vst v63  }
0x23c: {  	_ =	swait.ge [sflag:s15], $0x80  }
0x23d: {  	[sflag:s15] =	ssyncset.done $0x0  }
0x23e: {  	s14 =	sadd.s32 $0x5380, s12;
	[sflag:s15] =	ssyncadd.s32 $0xFFFFFF80  }
0x23f: {  	[spmem:s2] =	stream.indirect.scatter.add.f32 [tilespmem:s30], [sflag:$0x3], $0x20, s14, s19, $0xb8;
	[tilespmem:$0x1DC00] =	vst v63  }
0x240: {  	_ =	swait.ge [sflag:s15], $0x1000  }
0x241: {  	[sflag:s15] =	ssyncset.done $0x0  }
0x242: {  	[sflag:s15] =	ssyncadd.s32 $0xFFFFF000  }
0x243: {  	[spmem:s3] =	stream.indirect.scatter.add.f32 [tilespmem:s16], [sflag:$0x3], $0x1, s14, s19, $0xb8;
	[tilespmem:$0x1DC00] =	vst v63  }
0x244: {  	_ =	swait.ge [sflag:s15], $0x80  }
0x245: {  	[sflag:s15] =	ssyncset.done $0x0  }
0x246: {  	s13 =	sadd.s32 $0x5400, s12;
	[sflag:s15] =	ssyncadd.s32 $0xFFFFFF80  }
0x247: {  	[spmem:s2] =	stream.indirect.scatter.add.f32 [tilespmem:s31], [sflag:$0x3], $0x20, s13, s19, $0xb8;
	[tilespmem:$0x1DC00] =	vst v63  }
0x248: {  	_ =	swait.ge [sflag:s15], $0x1000  }
0x249: {  	[sflag:s15] =	ssyncset.done $0x0  }
0x24a: {  	[sflag:s15] =	ssyncadd.s32 $0xFFFFF000  }
0x24b: {  	[spmem:s3] =	stream.indirect.scatter.add.f32 [tilespmem:s16], [sflag:$0x3], $0x1, s13, s19, $0xb8;
	[tilespmem:$0x1DC00] =	vst v63  }
0x24c: {  	_ =	swait.ge [sflag:s15], $0x80  }
0x24d: {  	[sflag:s15] =	ssyncset.done $0x0  }
0x24e: {  	s14 =	sadd.s32 $0x5480, s12;
	[sflag:s15] =	ssyncadd.s32 $0xFFFFFF80  }
0x24f: {  	[spmem:s2] =	stream.indirect.scatter.add.f32 [tilespmem:s1], [sflag:$0x3], $0x20, s14, s19, $0xb8;
	[tilespmem:$0x1DC00] =	vst v63  }
0x250: {  	_ =	swait.ge [sflag:s15], $0x1000  }
0x251: {  	[sflag:s15] =	ssyncset.done $0x0  }
0x252: {  	[sflag:s15] =	ssyncadd.s32 $0xFFFFF000  }
0x253: {  	[spmem:s3] =	stream.indirect.scatter.add.f32 [tilespmem:s16], [sflag:$0x3], $0x1, s14, s19, $0xb8;
	[tilespmem:$0x1DC00] =	vst v63  }
0x254: {  	_ =	swait.ge [sflag:s15], $0x80  }
0x255: {  	[sflag:s15] =	ssyncset.done $0x0  }
0x256: {  	s12 =	simm.s32 $0x2400;
	[sflag:s15] =	ssyncadd.s32 $0xFFFFFF80  }
0x257: {  	[tilespmem:s20], [sflag:$0x1] =	stream.indirect.gather [hbm4b:s5+s19], $0x20, s12, s19, $0xb8;
	[tilespmem:$0x1DC00] =	vst v63  }
0x258: {  	s13 =	simm.s32 $0x2480  }
0x259: {  	[tilespmem:s21], [sflag:$0x1] =	stream.indirect.gather [hbm4b:s5+s19], $0x20, s13, s19, $0xb8;
	[tilespmem:$0x1DC00] =	vst v63  }
0x25a: {  	s14 =	simm.s32 $0x2500  }
0x25b: {  	[tilespmem:s22], [sflag:$0x1] =	stream.indirect.gather [hbm4b:s5+s19], $0x20, s14, s19, $0xb8;
	[tilespmem:$0x1DC00] =	vst v63  }
0x25c: {  	s12 =	simm.s32 $0x2580  }
0x25d: {  	[tilespmem:s23], [sflag:$0x1] =	stream.indirect.gather [hbm4b:s5+s19], $0x20, s12, s19, $0xb8;
	[tilespmem:$0x1DC00] =	vst v63  }
0x25e: {  	s13 =	simm.s32 $0x2600  }
0x25f: {  	[tilespmem:s24], [sflag:$0x1] =	stream.indirect.gather [hbm4b:s5+s19], $0x20, s13, s19, $0xb8;
	[tilespmem:$0x1DC00] =	vst v63  }
0x260: {  	s14 =	simm.s32 $0x2680  }
0x261: {  	[tilespmem:s25], [sflag:$0x1] =	stream.indirect.gather [hbm4b:s5+s19], $0x20, s14, s19, $0xb8;
	[tilespmem:$0x1DC00] =	vst v63  }
0x262: {  	_ =	swait.ge [sflag:s0], $0x1000  }
0x263: {  	[sflag:s0] =	ssyncset.done $0x0  }
0x264: {  	[sflag:s0] =	ssyncadd.s32 $0xFFFFF000  }
0x265: {  	_ =	swait.ge [sflag:s0], $0x1000  }
0x266: {  	[sflag:s0] =	ssyncset.done $0x0  }
0x267: {  	[sflag:s0] =	ssyncadd.s32 $0xFFFFF000  }
0x268: {  	_ =	swait.ge [sflag:s0], $0x1000  }
0x269: {  	[sflag:s0] =	ssyncset.done $0x0  }
0x26a: {  	[sflag:s0] =	ssyncadd.s32 $0xFFFFF000  }
0x26b: {  	_ =	swait.ge [sflag:s0], $0x1000  }
0x26c: {  	[sflag:s0] =	ssyncset.done $0x0  }
0x26d: {  	[sflag:s0] =	ssyncadd.s32 $0xFFFFF000  }
0x26e: {  	_ =	swait.ge [sflag:s0], $0x1000  }
0x26f: {  	[sflag:s0] =	ssyncset.done $0x0  }
0x270: {  	[sflag:s0] =	ssyncadd.s32 $0xFFFFF000  }
0x271: {  	_ =	swait.ge [sflag:s0], $0x1000  }
0x272: {  	[sflag:s0] =	ssyncset.done $0x0  }
0x273: {  	s12 =	simm.s32 $0x7300;
	[sflag:s0] =	ssyncadd.s32 $0xFFFFF000  }
0x274: {  	[spmem:s2] =	stream.indirect.scatter.add.f32 [tilespmem:s20], [sflag:$0x3], $0x20, s12, s19, $0xb8;
	[tilespmem:$0x1DC00] =	vst v63  }
0x275: {  	_ =	swait.ge [sflag:s15], $0x1000  }
0x276: {  	[sflag:s15] =	ssyncset.done $0x0  }
0x277: {  	[sflag:s15] =	ssyncadd.s32 $0xFFFFF000  }
0x278: {  	[spmem:s3] =	stream.indirect.scatter.add.f32 [tilespmem:s16], [sflag:$0x3], $0x1, s12, s19, $0xb8;
	[tilespmem:$0x1DC00] =	vst v63  }
0x279: {  	_ =	swait.ge [sflag:s15], $0x80  }
0x27a: {  	[sflag:s15] =	ssyncset.done $0x0  }
0x27b: {  	s13 =	simm.s32 $0x7380;
	[sflag:s15] =	ssyncadd.s32 $0xFFFFFF80  }
0x27c: {  	[spmem:s2] =	stream.indirect.scatter.add.f32 [tilespmem:s21], [sflag:$0x3], $0x20, s13, s19, $0xb8;
	[tilespmem:$0x1DC00] =	vst v63  }
0x27d: {  	_ =	swait.ge [sflag:s15], $0x1000  }
0x27e: {  	[sflag:s15] =	ssyncset.done $0x0  }
0x27f: {  	[sflag:s15] =	ssyncadd.s32 $0xFFFFF000  }
0x280: {  	[spmem:s3] =	stream.indirect.scatter.add.f32 [tilespmem:s16], [sflag:$0x3], $0x1, s13, s19, $0xb8;
	[tilespmem:$0x1DC00] =	vst v63  }
0x281: {  	_ =	swait.ge [sflag:s15], $0x80  }
0x282: {  	[sflag:s15] =	ssyncset.done $0x0  }
0x283: {  	s14 =	simm.s32 $0x7400;
	[sflag:s15] =	ssyncadd.s32 $0xFFFFFF80  }
0x284: {  	[spmem:s2] =	stream.indirect.scatter.add.f32 [tilespmem:s22], [sflag:$0x3], $0x20, s14, s19, $0xb8;
	[tilespmem:$0x1DC00] =	vst v63  }
0x285: {  	_ =	swait.ge [sflag:s15], $0x1000  }
0x286: {  	[sflag:s15] =	ssyncset.done $0x0  }
0x287: {  	[sflag:s15] =	ssyncadd.s32 $0xFFFFF000  }
0x288: {  	[spmem:s3] =	stream.indirect.scatter.add.f32 [tilespmem:s16], [sflag:$0x3], $0x1, s14, s19, $0xb8;
	[tilespmem:$0x1DC00] =	vst v63  }
0x289: {  	_ =	swait.ge [sflag:s15], $0x80  }
0x28a: {  	[sflag:s15] =	ssyncset.done $0x0  }
0x28b: {  	s12 =	simm.s32 $0x7480;
	[sflag:s15] =	ssyncadd.s32 $0xFFFFFF80  }
0x28c: {  	[spmem:s2] =	stream.indirect.scatter.add.f32 [tilespmem:s23], [sflag:$0x3], $0x20, s12, s19, $0xb8;
	[tilespmem:$0x1DC00] =	vst v63  }
0x28d: {  	_ =	swait.ge [sflag:s15], $0x1000  }
0x28e: {  	[sflag:s15] =	ssyncset.done $0x0  }
0x28f: {  	[sflag:s15] =	ssyncadd.s32 $0xFFFFF000  }
0x290: {  	[spmem:s3] =	stream.indirect.scatter.add.f32 [tilespmem:s16], [sflag:$0x3], $0x1, s12, s19, $0xb8;
	[tilespmem:$0x1DC00] =	vst v63  }
0x291: {  	_ =	swait.ge [sflag:s15], $0x80  }
0x292: {  	[sflag:s15] =	ssyncset.done $0x0  }
0x293: {  	s13 =	simm.s32 $0x7500;
	[sflag:s15] =	ssyncadd.s32 $0xFFFFFF80  }
0x294: {  	[spmem:s2] =	stream.indirect.scatter.add.f32 [tilespmem:s24], [sflag:$0x3], $0x20, s13, s19, $0xb8;
	[tilespmem:$0x1DC00] =	vst v63  }
0x295: {  	_ =	swait.ge [sflag:s15], $0x1000  }
0x296: {  	[sflag:s15] =	ssyncset.done $0x0  }
0x297: {  	[sflag:s15] =	ssyncadd.s32 $0xFFFFF000  }
0x298: {  	[spmem:s3] =	stream.indirect.scatter.add.f32 [tilespmem:s16], [sflag:$0x3], $0x1, s13, s19, $0xb8;
	[tilespmem:$0x1DC00] =	vst v63  }
0x299: {  	_ =	swait.ge [sflag:s15], $0x80  }
0x29a: {  	[sflag:s15] =	ssyncset.done $0x0  }
0x29b: {  	s14 =	simm.s32 $0x7580;
	[sflag:s15] =	ssyncadd.s32 $0xFFFFFF80  }
0x29c: {  	[spmem:s2] =	stream.indirect.scatter.add.f32 [tilespmem:s25], [sflag:$0x3], $0x20, s14, s19, $0xb8;
	[tilespmem:$0x1DC00] =	vst v63  }
0x29d: {  	_ =	swait.ge [sflag:s15], $0x1000  }
0x29e: {  	[sflag:s15] =	ssyncset.done $0x0  }
0x29f: {  	[sflag:s15] =	ssyncadd.s32 $0xFFFFF000  }
0x2a0: {  	[spmem:s3] =	stream.indirect.scatter.add.f32 [tilespmem:s16], [sflag:$0x3], $0x1, s14, s19, $0xb8;
	[tilespmem:$0x1DC00] =	vst v63  }
0x2a1: {  	_ =	swait.ge [sflag:s15], $0x80  }
0x2a2: {  	s8 =	simm.s32 @!p0 $0x80;
	[sflag:s15] =	ssyncset.done $0x0  }
0x2a3: {  	s12 =	simm.s32 @!p0 $0x2700;
	s13 =	simm.s32 @!p0 $0x7680;
	[sflag:s15] =	ssyncadd.s32 $0xFFFFFF80  }
0x2a4: {  	[tilespmem:s13], [sflag:$0x1] =	stream.indirect.gather @!p0 [hbm4b:s5+s8], $0x20, s12, s8, $0xb8;
	[tilespmem:$0x1DC00] =	vst v63  }
0x2a5: {  	s12 =	simm.s32 @!p0 $0x1  }
0x2a6: {  	_ =	swait.ge @!p0 [sflag:s12], $0x1000  }
0x2a7: {  	[sflag:s12] =	ssyncset.done @!p0 $0x0  }
0x2a8: {  	[sflag:s12] =	ssyncadd.s32 @!p0 $0xFFFFF000;
	s12 =	simm.s32 @!p0 $0x7600  }
0x2a9: {  	[spmem:s2] =	stream.indirect.scatter.add.f32 @!p0 [tilespmem:s13], [sflag:$0x3], $0x20, s12, s8, $0xb8;
	[tilespmem:$0x1DC00] =	vst v63  }
0x2aa: {  	s13 =	simm.s32 @!p0 $0x3  }
0x2ab: {  	_ =	swait.ge @!p0 [sflag:s13], $0x1000  }
0x2ac: {  	[sflag:s13] =	ssyncset.done @!p0 $0x0  }
0x2ad: {  	s14 =	simm.s32 @!p0 $0x13680;
	[sflag:s13] =	ssyncadd.s32 @!p0 $0xFFFFF000  }
0x2ae: {  	[spmem:s3] =	stream.indirect.scatter.add.f32 @!p0 [tilespmem:s14], [sflag:$0x3], $0x1, s12, s8, $0xb8;
	[tilespmem:$0x1DC00] =	vst v63  }
0x2af: {  	_ =	swait.ge @!p0 [sflag:s13], $0x80  }
0x2b0: {  	[sflag:s13] =	ssyncset.done @!p0 $0x0  }
0x2b1: {  	[sflag:s13] =	ssyncadd.s32 @!p0 $0xFFFFFF80  }
0x2b2: {  	[bflag:$0x0] =	sbarrier.arrive $0xFFFF  }
0x2b3: {  	[tilespmem:s17], [sflag:$0x3] =	stream.linear.gather [spmem:s10], $0x5000, $0x38;
	[tilespmem:$0x1DC00] =	vst v63  }
0x2b4: {  	_ =	swait.ge [sflag:s15], $0x5000  }
0x2b5: {  	[sflag:s15] =	ssyncset.done $0x0  }
0x2b6: {  	s12 =	rddreg [dreg:$0x7];
	[sflag:s15] =	ssyncadd.s32 $0xFFFFB000  }
0x2b7: {  	[hbm4b:s12+s4] =	stream.linear.scatter [tilespmem:s17], [sflag:$0x3], $0x5000, $0x38;
	[tilespmem:$0x1DC00] =	vst v63  }
0x2b8: {  	_ =	swait.ge [sflag:s15], $0x5000  }
0x2b9: {  	[sflag:s15] =	ssyncset.done $0x0  }
0x2ba: {  	[sflag:s15] =	ssyncadd.s32 $0xFFFFB000  }
0x2bb: {  	[tilespmem:s18], [sflag:$0x3] =	stream.linear.gather [spmem:s11], $0x280, $0x38;
	[tilespmem:$0x1DC00] =	vst v63  }
0x2bc: {  	_ =	swait.ge [sflag:s15], $0x280  }
0x2bd: {  	[sflag:s15] =	ssyncset.done $0x0  }
0x2be: {  	s13 =	rddreg [dreg:$0x8];
	[sflag:s15] =	ssyncadd.s32 $0xFFFFFD80  }
0x2bf: {  	[hbm4b:s13+s4] =	stream.linear.scatter [tilespmem:s18], [sflag:$0x3], $0x280, $0x38;
	[tilespmem:$0x1DC00] =	vst v63  }
0x2c0: {  	_ =	swait.ge [sflag:s15], $0x280  }
0x2c1: {  	s9 =	sadd.s32 $0x1, s9;
	s14 =	rddreg [dreg:$0x9]  }
0x2c2: {  	p1 =	sne.s32 s9, s14  }
.Ltmp3:
0x2c3: {  	_ = 	snop;
	(pc) =	sbr.rel @p1 .LBB2_1-.Ltmp3, $3  }
0x2c4: {  	_ =	sdelay $0x1  }
0x2c5: {  	[sflag:s15] =	ssyncset.done $0x0  }
0x2c6: {  	[sflag:s15] =	ssyncadd.s32 $0xFFFFFD80  }
0x2c7: {  	_ =	sfence.sel $0x180000  }
0x2c8: {  	[bflag:$0x0] =	sbarrier.arrive $0xFFFF  }
0x2c9: {  	_ =	strace $0x90000047  }
0x2ca: {  	s0 =	stileid.u32;
	[bflag:$0x2] =	sbarrier.arrive $0xFFFF  }
0x2cb: {  	p0 =	sne.s32 s0, $0x0;
	s0 =	rddreg [dreg:$0x3]  }
0x2cc: {  	s0 =	sadd.s32 @!p0 $0x100000, s0  }
0x2cd: {  	[sflag:s0] =	ssyncadd.tile.s32 @!p0 $0x1;
	_ =	shalt  }
.Lfunc_end2:
_tile_overlayer_lowered:
.L_overlay_start_2:
0x2ce: {  	(tag) =	ssettag $0x2  }
0x2cf: {  	s0 =	rddreg [dreg:$0x0];
	s2 =	stileid.u32  }
0x2d0: {  	s1 =	rddreg [dreg:$0x1];
	p0 =	sne.s32 s2, $0x0  }
0x2d1: {  	s3 =	rddreg [dreg:$0x2];
	[bflag:$0x3] =	sbarrier.arrive $0xFFFF;
	s2 =	simm.s32 @!p0 $0x1C03  }
0x2d2: {  	[timem:s3], [sflag:s2] =	dma.local @!p0 [hbm:s0], s1  }
0x2d3: {  	s0 =	simm.s32 @!p0 $0x3  }
0x2d4: {  	_ =	swait.ge @!p0 [sflag:s0], s1  }
0x2d5: {  	s1 =	ssub.s32 @!p0 $0x0, s1;
	[sflag:s0] =	ssyncset.done @!p0 $0x0  }
0x2d6: {  	[sflag:s0] =	ssyncadd.s32 @!p0 s1  }
0x2d7: {  	[bflag:$0x3] =	sbarrier.arrive $0xFFFF  }
0x2d8: {  	_ =	shalt  }

</sc_bundles>
